<compile_context>
chip_gen: v7x
topology: tpu7x:2x2x1
jax: 0.10.2.dev20260603
libtpu: 0.0.44.dev20260713+nightly
codegen_flags: <defaults>
</compile_context>

<pallas_src>
import functools

import numpy as np
import jax
import jax.numpy as jnp
from jax import lax
from jax.experimental import pallas as pl
from jax.experimental.pallas import tpu as pltpu
from jax.experimental.pallas import tpu_sc as plsc

_D = 64
_NC, _NS = 2, 16
_NW = _NC * _NS
_EPS = 1e-12
_TW = 16384


@functools.lru_cache(maxsize=None)
def _pe_const(seq_len: int):
    position = np.arange(0, seq_len, dtype=np.float32)[:, None]
    div_term = np.exp(np.arange(0, _D, 2, dtype=np.float32) * -(np.log(10000.0) / _D))
    pe = np.zeros((seq_len, _D), dtype=np.float32)
    pe[:, 0::2] = np.sin(position * div_term)
    pe[:, 1::2] = np.cos(position * div_term)
    return pe


def _tr_body(x1_ref, x2_ref, o_ref):
    o_ref[...] = jnp.concatenate([x1_ref[...].T, x2_ref[...].T], axis=1)


@functools.lru_cache(maxsize=None)
def _tr_call(vocab: int, half: int):
    grid = half // _TW
    last = (vocab - 1) // _TW
    return pl.pallas_call(
        _tr_body,
        grid=(grid,),
        in_specs=[
            pl.BlockSpec((_D, _TW), lambda i: (0, i)),
            pl.BlockSpec((_D, _TW), lambda i: (0, jnp.minimum(i + grid, last))),
        ],
        out_specs=pl.BlockSpec((_TW, 2 * _D), lambda i: (i, 0)),
        out_shape=jax.ShapeDtypeStruct((half, 2 * _D), jnp.float32),
        compiler_params=pltpu.CompilerParams(vmem_limit_bytes=100 * 1024 * 1024),
    )


@functools.lru_cache(maxsize=None)
def _gather_call(n_rows: int, table_rows: int, chunk: int):
    assert n_rows % (_NW * chunk) == 0 and chunk % 8 == 0
    n_chunks = n_rows // (_NW * chunk)
    rows_per_w = n_chunks * chunk
    mesh = plsc.VectorSubcoreMesh(
        core_axis_name="c", subcore_axis_name="s",
        num_cores=_NC, num_subcores=_NS)

    @functools.partial(
        pl.kernel,
        out_type=jax.ShapeDtypeStruct((n_rows, _D), jnp.float32),
        mesh=mesh,
        scratch_types=[
            pltpu.VMEM((chunk,), jnp.int32),
            pltpu.VMEM((chunk, _D), jnp.float32),
            pltpu.SemaphoreType.DMA,
        ],
        compiler_params=pltpu.CompilerParams(use_tc_tiling_on_sc=False),
    )
    def k(idx_hbm, table_hbm, out_hbm, idx_v, rows_v, sem):
        wid = lax.axis_index("s") * _NC + lax.axis_index("c")
        base0 = wid * rows_per_w

        def body(i, carry):
            base = base0 + i * chunk
            pltpu.sync_copy(idx_hbm.at[pl.ds(base, chunk)], idx_v)
            pltpu.async_copy(table_hbm.at[idx_v], rows_v, sem).wait()
            pltpu.sync_copy(rows_v, out_hbm.at[pl.ds(base, chunk)])
            return carry

        lax.fori_loop(0, n_chunks, body, 0, unroll=False)

    return k


def _lnt_body(x_ref, pe_ref, g_ref, b_ref, o_ref):
    s2_len = pe_ref.shape[1]
    x = x_ref[...].reshape(128, s2_len, 2 * _D) + pe_ref[...]
    lane = lax.broadcasted_iota(jnp.int32, (2 * _D, 2), 0)
    col = lax.broadcasted_iota(jnp.int32, (2 * _D, 2), 1)
    sel = (lane // _D) == col
    m = jnp.where(sel, 1.0 / _D, 0.0)
    p = jnp.where(sel, 1.0, 0.0).T
    mu = jnp.dot(jnp.dot(x, m, preferred_element_type=jnp.float32), p,
                 preferred_element_type=jnp.float32)
    xc = x - mu
    var = jnp.dot(jnp.dot(xc * xc, m, preferred_element_type=jnp.float32), p,
                  preferred_element_type=jnp.float32)
    y = xc * lax.rsqrt(var + _EPS) * g_ref[...] + b_ref[...]
    for s2 in range(s2_len):
        t = y[:, s2, :].T.reshape(2, 8, 8, 128)
        o_ref[2 * s2, :, 0, :, :] = t[0]
        o_ref[2 * s2 + 1, :, 0, :, :] = t[1]


@functools.lru_cache(maxsize=None)
def _lnt_call(batch: int, seq: int):
    s2 = seq // 2
    grid = (batch // 128,)
    return pl.pallas_call(
        _lnt_body,
        grid=grid,
        in_specs=[
            pl.BlockSpec((128 * s2, 2 * _D), lambda i: (i, 0)),
            pl.BlockSpec((1, s2, 2 * _D), lambda i: (0, 0, 0)),
            pl.BlockSpec((1, 1, 2 * _D), lambda i: (0, 0, 0)),
            pl.BlockSpec((1, 1, 2 * _D), lambda i: (0, 0, 0)),
        ],
        out_specs=pl.BlockSpec((seq, 8, 1, 8, 128), lambda i: (0, 0, i, 0, 0)),
        out_shape=jax.ShapeDtypeStruct(
            (seq, 8, batch // 128, 8, 128), jnp.float32),
        compiler_params=pltpu.CompilerParams(vmem_limit_bytes=100 * 1024 * 1024),
    )


def kernel(input_ids, table, gamma, beta):
    B, S = input_ids.shape
    n = B * S
    V = table.shape[0]
    half = ((V // 2) // _TW + 1) * _TW

    t2 = _tr_call(V, half)(table.T, table.T)
    t_lin = t2.reshape(2 * half, _D)

    ids = input_ids.reshape(-1).astype(jnp.int32)
    idx = jnp.where(ids < half, 2 * ids, 2 * (ids - half) + 1)

    emb = _gather_call(n, 2 * half, 1600)(idx, t_lin)
    emb2 = emb.reshape(n // 2, 2 * _D)

    pe3 = jnp.asarray(_pe_const(S)).reshape(1, S // 2, 2 * _D)
    g2 = jnp.concatenate([gamma, gamma]).reshape(1, 1, 2 * _D)
    b2 = jnp.concatenate([beta, beta]).reshape(1, 1, 2 * _D)
    out_t = _lnt_call(B, S)(emb2, pe3, g2, b2)
    return out_t.transpose(2, 4, 0, 1, 3).reshape(B, S, _D)

# --- scband reference (transcript-rebuilt; emitter-appended) ---
"""Pipeline reference for scband-embedding-layer-53266184405010 (READ-ONLY COPY).

The authoritative reference and input builder live on the scoring server;
editing this copy changes nothing except your own understanding.
"""

import jax, jax.numpy as jnp
import numpy as np

VOCAB = 1000000
D = 64
MAX_LEN = 512
B = 1024
S = 200
EPS = 1e-12


def _positional_encoding():
    position = np.arange(0, MAX_LEN, dtype=np.float32)[:, None]
    div_term = np.exp(np.arange(0, D, 2, dtype=np.float32) * -(np.log(10000.0) / D))
    pe = np.zeros((MAX_LEN, D), dtype=np.float32)
    pe[:, 0::2] = np.sin(position * div_term)
    pe[:, 1::2] = np.cos(position * div_term)
    return jnp.asarray(pe)[None, :, :]  # [1, MAX_LEN, D]


def setup_inputs(seed: int = 0) -> dict:
    key = jax.random.key(seed)
    k1, k2 = jax.random.split(key, 2)
    input_ids = jax.random.randint(k1, (B, S), 0, VOCAB, dtype=jnp.int64 if jax.config.jax_enable_x64 else jnp.int32)
    table = jax.random.normal(k2, (VOCAB, D), dtype=jnp.float32)
    gamma = jnp.ones((D,), dtype=jnp.float32)
    beta = jnp.zeros((D,), dtype=jnp.float32)
    return {"input_ids": input_ids, "table": table, "gamma": gamma, "beta": beta}


def reference(input_ids, table, gamma, beta):
    # token embedding: gather rows from the table (SparseCore gather)
    token_embedding = jnp.take(table, input_ids, axis=0)  # [B, S, D]
    # positional encoding: pe[:, :seq_len]
    pe = _positional_encoding()[:, :input_ids.shape[1], :]  # [1, S, D]
    embedding = token_embedding + pe
    # LayerNorm over last dim, eps=1e-12 (torch uses biased variance)
    mu = jnp.mean(embedding, axis=-1, keepdims=True)
    var = jnp.mean(jnp.square(embedding - mu), axis=-1, keepdims=True)
    normed = (embedding - mu) / jnp.sqrt(var + EPS)
    out = normed * gamma + beta
    # dropout is identity in eval mode
    return out

if __name__ == "__main__":
    import jax
    _d = setup_inputs()
    print(jax.jit(kernel)(*tuple(_d.values())))

</pallas_src>

<mosaic_0001>
#map = affine_map<(d0, d1) -> (0)>
#map1 = affine_map<(d0, d1) -> (0, 0)>
module attributes {stable_mosaic.version = 14 : i64} {
  func.func @k(%arg0: i32, %arg1: i32, %arg2: memref<204800xi32, #tpu.memory_space<hbm>>, %arg3: memref<1015808x64xf32, #tpu.memory_space<hbm>>, %arg4: memref<204800x64xf32, #tpu.memory_space<hbm>>, %arg5: memref<1600xi32, #tpu.memory_space<vmem>>, %arg6: memref<1600x64xf32, #tpu.memory_space<vmem>>, %arg7: memref<!tpu.dma_semaphore, #tpu.memory_space<semaphore_mem>>) attributes {dimension_semantics = [#tpu.dimension_semantics<core_parallel>, #tpu.dimension_semantics<subcore_parallel>], iteration_bounds = array<i64: 2, 16>, scalar_prefetch = 0 : i64, scratch_operands = 3 : i64, tpu.core_type = #tpu.core_type<sc_vector_subcore>, window_params = [{transform_indices = #map}, {transform_indices = #map1}, {transform_indices = #map1}]} {
    %mul3A = arith.constant 2 : i32
    %mul3A_0 = arith.muli %arg1, %mul3A : i32
    %add3A = arith.addi %mul3A_0, %arg0 : i32
    %mul3A_1 = arith.constant 6400 : i32
    %mul3A_2 = arith.muli %add3A, %mul3A_1 : i32
    %scan3A = arith.constant 0 : i32
    %scan3A_3 = arith.constant 0 : i32
    %scan3A_4 = arith.constant 4 : i32
    %scan3A_5 = arith.addi %scan3A_3, %scan3A_4 : i32
    %scan3A_6 = arith.constant 1 : i32
    scf.for %scan3A_8 = %scan3A_3 to %scan3A_5 step %scan3A_6  : i32 {
      %mul3A_9 = arith.constant 1600 : i32
      %mul3A_10 = arith.muli %scan3A_8, %mul3A_9 : i32
      %add3A_11 = arith.addi %mul3A_2, %mul3A_10 : i32
      "tpu.region"() ({
        %run_scoped3A = tpu.sem_alloc : memref<!tpu.dma_semaphore, #tpu.memory_space<semaphore_mem>>
        %dma_start3A_16 = tpu.memref_slice %arg2[%add3A_11] : memref<204800xi32, #tpu.memory_space<hbm>> -> memref<1600xi32, #tpu.memory_space<hbm>>
        %dma_start3A_17 = tpu.memref_slice %arg2[%add3A_11] : memref<204800xi32, #tpu.memory_space<hbm>> -> memref<1600xi32, #tpu.memory_space<hbm>>
        tpu.enqueue_dma source(%dma_start3A_17 : memref<1600xi32, #tpu.memory_space<hbm>>) target(%arg5 : memref<1600xi32, #tpu.memory_space<vmem>>) target_semaphore(%run_scoped3A : memref<!tpu.dma_semaphore, #tpu.memory_space<semaphore_mem>>)
        %dma_wait3A_18 = tpu.memref_slice %arg2[%add3A_11] : memref<204800xi32, #tpu.memory_space<hbm>> -> memref<1600xi32, #tpu.memory_space<hbm>>
        %dma_wait3A_19 = tpu.memref_slice %arg2[%add3A_11] : memref<204800xi32, #tpu.memory_space<hbm>> -> memref<1600xi32, #tpu.memory_space<hbm>>
        tpu.wait_dma2 semaphore(%run_scoped3A : memref<!tpu.dma_semaphore, #tpu.memory_space<semaphore_mem>>) src(%dma_wait3A_19 : memref<1600xi32, #tpu.memory_space<hbm>>) dst(%arg5 : memref<1600xi32, #tpu.memory_space<vmem>>)
        tpu.yield
      }) : () -> ()
      %dma_start3A = arith.constant 0 : i32
      %dma_start3A_12 = arith.constant 0 : i32
      %dma_start3A_13 = tpu.memref_slice %arg3[%dma_start3A, %dma_start3A_12] : memref<1015808x64xf32, #tpu.memory_space<hbm>> -> memref<1015808x64xf32, #tpu.memory_space<hbm>>
      tpu.enqueue_indirect_dma source(%dma_start3A_13 : memref<1015808x64xf32, #tpu.memory_space<hbm>>) target(%arg6 : memref<1600x64xf32, #tpu.memory_space<vmem>>) offsets(%arg5 : memref<1600xi32, #tpu.memory_space<vmem>>) semaphore(%arg7 : memref<!tpu.dma_semaphore, #tpu.memory_space<semaphore_mem>>)
      %dma_wait3A = arith.constant 0 : i32
      %dma_wait3A_14 = arith.constant 0 : i32
      %dma_wait3A_15 = tpu.memref_slice %arg3[%dma_wait3A, %dma_wait3A_14] : memref<1015808x64xf32, #tpu.memory_space<hbm>> -> memref<1015808x64xf32, #tpu.memory_space<hbm>>
      tpu.wait_indirect_dma semaphore(%arg7 : memref<!tpu.dma_semaphore, #tpu.memory_space<semaphore_mem>>) src(%dma_wait3A_15 : memref<1015808x64xf32, #tpu.memory_space<hbm>>) dst(%arg6 : memref<1600x64xf32, #tpu.memory_space<vmem>>)
      "tpu.region"() ({
        %run_scoped3A = tpu.sem_alloc : memref<!tpu.dma_semaphore, #tpu.memory_space<semaphore_mem>>
        %dma_start3A_16 = arith.constant 0 : i32
        %dma_start3A_17 = tpu.memref_slice %arg4[%add3A_11, %dma_start3A_16] : memref<204800x64xf32, #tpu.memory_space<hbm>> -> memref<1600x64xf32, #tpu.memory_space<hbm>>
        %dma_start3A_18 = arith.constant 0 : i32
        %dma_start3A_19 = tpu.memref_slice %arg4[%add3A_11, %dma_start3A_18] : memref<204800x64xf32, #tpu.memory_space<hbm>> -> memref<1600x64xf32, #tpu.memory_space<hbm>>
        tpu.enqueue_dma source(%arg6 : memref<1600x64xf32, #tpu.memory_space<vmem>>) target(%dma_start3A_19 : memref<1600x64xf32, #tpu.memory_space<hbm>>) target_semaphore(%run_scoped3A : memref<!tpu.dma_semaphore, #tpu.memory_space<semaphore_mem>>)
        %dma_wait3A_20 = arith.constant 0 : i32
        %dma_wait3A_21 = tpu.memref_slice %arg4[%add3A_11, %dma_wait3A_20] : memref<204800x64xf32, #tpu.memory_space<hbm>> -> memref<1600x64xf32, #tpu.memory_space<hbm>>
        %dma_wait3A_22 = arith.constant 0 : i32
        %dma_wait3A_23 = tpu.memref_slice %arg4[%add3A_11, %dma_wait3A_22] : memref<204800x64xf32, #tpu.memory_space<hbm>> -> memref<1600x64xf32, #tpu.memory_space<hbm>>
        tpu.wait_dma2 semaphore(%run_scoped3A : memref<!tpu.dma_semaphore, #tpu.memory_space<semaphore_mem>>) src(%arg6 : memref<1600x64xf32, #tpu.memory_space<vmem>>) dst(%dma_wait3A_23 : memref<1600x64xf32, #tpu.memory_space<hbm>>)
        tpu.yield
      }) : () -> ()
    }
    %scan3A_7 = arith.constant 4 : i32
    return
  }
}

module attributes {stable_mosaic.version = 14 : i64} {
  func.func @_tr_body(%arg0: i32, %arg1: memref<64x16384xf32, #tpu.memory_space<vmem>>, %arg2: memref<64x16384xf32, #tpu.memory_space<vmem>>, %arg3: memref<16384x128xf32, #tpu.memory_space<vmem>>) attributes {dimension_semantics = [#tpu.dimension_semantics<arbitrary>], iteration_bounds = array<i64: 31>, scalar_prefetch = 0 : i64, scratch_operands = 0 : i64, tpu.core_type = #tpu.core_type<tc>, window_params = [{transform_indices = @transform_0, window_bounds = array<i64: 64, 16384>}, {transform_indices = @transform_1, window_bounds = array<i64: 64, 16384>}, {transform_indices = @transform_2, window_bounds = array<i64: 16384, 128>}]} {
    %get3A = arith.constant 0 : index
    %get3A_0 = arith.constant 0 : index
    %get3A_1 = vector.load %arg1[%get3A, %get3A_0] : memref<64x16384xf32, #tpu.memory_space<vmem>>, vector<64x16384xf32>
    %transpose3A = tpu.transpose %get3A_1, [1, 0] : vector<64x16384xf32> -> vector<16384x64xf32>
    %get3A_2 = arith.constant 0 : index
    %get3A_3 = arith.constant 0 : index
    %get3A_4 = vector.load %arg2[%get3A_2, %get3A_3] : memref<64x16384xf32, #tpu.memory_space<vmem>>, vector<64x16384xf32>
    %transpose3A_5 = tpu.transpose %get3A_4, [1, 0] : vector<64x16384xf32> -> vector<16384x64xf32>
    %concatenate3A = tpu.concatenate %transpose3A, %transpose3A_5 in 1 : vector<16384x64xf32>, vector<16384x64xf32> -> vector<16384x128xf32>
    %swap3A = arith.constant 0 : index
    %swap3A_6 = arith.constant 0 : index
    %swap3A_7 = vector.load %arg3[%swap3A, %swap3A_6] : memref<16384x128xf32, #tpu.memory_space<vmem>>, vector<16384x128xf32>
    tpu.vector_store %arg3[%swap3A, %swap3A_6], %concatenate3A {strides = array<i32>} : memref<16384x128xf32, #tpu.memory_space<vmem>>, vector<16384x128xf32>,
    return
  }
  func.func @transform_0(%arg0: i32) -> (i32, i32) {
    %c0_i32 = arith.constant 0 : i32
    %c0_i32_0 = arith.constant 0 : i32
    return %c0_i32, %arg0 : i32, i32
  }
  func.func @transform_1(%arg0: i32) -> (i32, i32) {
    %add3A = arith.constant 31 : i32
    %add3A_0 = arith.addi %arg0, %add3A : i32
    %min3A = arith.constant 61 : i32
    %min3A_1 = arith.minsi %add3A_0, %min3A : i32
    %c0_i32 = arith.constant 0 : i32
    %c0_i32_2 = arith.constant 0 : i32
    return %c0_i32, %min3A_1 : i32, i32
  }
  func.func @transform_2(%arg0: i32) -> (i32, i32) {
    %c0_i32 = arith.constant 0 : i32
    %c0_i32_0 = arith.constant 0 : i32
    return %arg0, %c0_i32 : i32, i32
  }
}

module attributes {stable_mosaic.version = 14 : i64} {
  func.func @_lnt_body(%arg0: i32, %arg1: memref<12800x128xf32, #tpu.memory_space<vmem>>, %arg2: memref<1x100x128xf32, #tpu.memory_space<vmem>>, %arg3: memref<1x1x128xf32, #tpu.memory_space<vmem>>, %arg4: memref<1x1x128xf32, #tpu.memory_space<vmem>>, %arg5: memref<200x8x1x8x128xf32, #tpu.memory_space<vmem>>) attributes {dimension_semantics = [#tpu.dimension_semantics<arbitrary>], iteration_bounds = array<i64: 8>, scalar_prefetch = 0 : i64, scratch_operands = 0 : i64, tpu.core_type = #tpu.core_type<tc>, window_params = [{transform_indices = @transform_0, window_bounds = array<i64: 12800, 128>}, {pipeline_mode = #tpu.pipeline_mode<synchronous>, transform_indices = @transform_1, window_bounds = array<i64: 1, 100, 128>}, {pipeline_mode = #tpu.pipeline_mode<synchronous>, transform_indices = @transform_2, window_bounds = array<i64: 1, 1, 128>}, {pipeline_mode = #tpu.pipeline_mode<synchronous>, transform_indices = @transform_3, window_bounds = array<i64: 1, 1, 128>}, {transform_indices = @transform_4, window_bounds = array<i64: 200, 8, 1, 8, 128>}]} {
    %get3A = arith.constant 0 : index
    %get3A_0 = arith.constant 0 : index
    %get3A_1 = vector.load %arg1[%get3A, %get3A_0] : memref<12800x128xf32, #tpu.memory_space<vmem>>, vector<12800x128xf32>
    %reshape3A = vector.shape_cast %get3A_1 : vector<12800x128xf32> to vector<128x100x128xf32>
    %get3A_2 = arith.constant 0 : index
    %get3A_3 = arith.constant 0 : index
    %get3A_4 = arith.constant 0 : index
    %get3A_5 = vector.load %arg2[%get3A_2, %get3A_3, %get3A_4] : memref<1x100x128xf32, #tpu.memory_space<vmem>>, vector<1x100x128xf32>
    %add3A = vector.broadcast %get3A_5 : vector<1x100x128xf32> to vector<128x100x128xf32>
    %add3A_6 = arith.addf %reshape3A, %add3A : vector<128x100x128xf32>
    %iota3A = tpu.iota {dimensions = array<i32: 0>} : vector<128x2xi32>
    %iota3A_7 = tpu.iota {dimensions = array<i32: 1>} : vector<128x2xi32>
    %jit3A = arith.constant 64 : i32
    %div3A = vector.broadcast %jit3A : i32 to vector<128x2xi32>
    %div3A_8 = arith.divsi %iota3A, %div3A : vector<128x2xi32>
    %sign3A = arith.constant 0 : i32
    %sign3A_9 = vector.broadcast %sign3A : i32 to vector<128x2xi32>
    %sign3A_10 = arith.cmpi sgt, %iota3A, %sign3A_9 : vector<128x2xi32>
    %sign3A_11 = arith.extui %sign3A_10 : vector<128x2xi1> to vector<128x2xi32>
    %sign3A_12 = arith.constant 0 : i32
    %sign3A_13 = vector.broadcast %sign3A_12 : i32 to vector<128x2xi32>
    %sign3A_14 = arith.cmpi slt, %iota3A, %sign3A_13 : vector<128x2xi32>
    %sign3A_15 = arith.extui %sign3A_14 : vector<128x2xi1> to vector<128x2xi32>
    %sign3A_16 = arith.subi %sign3A_11, %sign3A_15 : vector<128x2xi32>
    %sign3A_17 = arith.constant 0 : i32
    %sign3A_18 = arith.cmpi sgt, %jit3A, %sign3A_17 : i32
    %sign3A_19 = arith.extui %sign3A_18 : i1 to i32
    %sign3A_20 = arith.constant 0 : i32
    %sign3A_21 = arith.cmpi slt, %jit3A, %sign3A_20 : i32
    %sign3A_22 = arith.extui %sign3A_21 : i1 to i32
    %sign3A_23 = arith.subi %sign3A_19, %sign3A_22 : i32
    %ne3A = vector.broadcast %sign3A_23 : i32 to vector<128x2xi32>
    %ne3A_24 = arith.cmpi ne, %sign3A_16, %ne3A : vector<128x2xi32>
    %rem3A = vector.broadcast %jit3A : i32 to vector<128x2xi32>
    %rem3A_25 = arith.remsi %iota3A, %rem3A : vector<128x2xi32>
    %ne3A_26 = arith.constant 0 : i32
    %ne3A_27 = vector.broadcast %ne3A_26 : i32 to vector<128x2xi32>
    %ne3A_28 = arith.cmpi ne, %rem3A_25, %ne3A_27 : vector<128x2xi32>
    %and3A = arith.andi %ne3A_24, %ne3A_28 : vector<128x2xi1>
    %sub3A = arith.constant 1 : i32
    %sub3A_29 = vector.broadcast %sub3A : i32 to vector<128x2xi32>
    %sub3A_30 = arith.subi %div3A_8, %sub3A_29 : vector<128x2xi32>
    %select_n3A = arith.select %and3A, %sub3A_30, %div3A_8 : vector<128x2xi1>, vector<128x2xi32>
    %eq3A = arith.cmpi eq, %select_n3A, %iota3A_7 : vector<128x2xi32>
    %jit3A_31 = arith.constant 1.562500e-02 : f32
    %jit3A_32 = arith.constant 0.000000e+00 : f32
    %broadcast_in_dim3A = vector.broadcast %jit3A_31 : f32 to vector<128x2xf32>
    %broadcast_in_dim3A_33 = vector.broadcast %jit3A_32 : f32 to vector<128x2xf32>
    %select_n3A_34 = arith.select %eq3A, %broadcast_in_dim3A, %broadcast_in_dim3A_33 : vector<128x2xi1>, vector<128x2xf32>
    %jit3A_35 = arith.constant 1.000000e+00 : f32
    %jit3A_36 = arith.constant 0.000000e+00 : f32
    %broadcast_in_dim3A_37 = vector.broadcast %jit3A_35 : f32 to vector<128x2xf32>
    %broadcast_in_dim3A_38 = vector.broadcast %jit3A_36 : f32 to vector<128x2xf32>
    %select_n3A_39 = arith.select %eq3A, %broadcast_in_dim3A_37, %broadcast_in_dim3A_38 : vector<128x2xi1>, vector<128x2xf32>
    %transpose3A = tpu.transpose %select_n3A_39, [1, 0] : vector<128x2xf32> -> vector<2x128xf32>
    %dot_general3A = arith.constant dense<0.000000e+00> : vector<128x100x2xf32>
    %dot_general3A_40 = tpu.matmul %add3A_6, %select_n3A_34, %dot_general3A {dimension_numbers = #tpu.dot_dimension_numbers<[2], [0], [0, 1], [1], [0, 0, 0, 1, 1, 1], [], []>, transpose_lhs_hint = false} : vector<128x100x128xf32>, vector<128x2xf32>, vector<128x100x2xf32> -> vector<128x100x2xf32>
    %dot_general3A_41 = arith.constant dense<0.000000e+00> : vector<128x100x128xf32>
    %dot_general3A_42 = tpu.matmul %dot_general3A_40, %transpose3A, %dot_general3A_41 {dimension_numbers = #tpu.dot_dimension_numbers<[2], [0], [0, 1], [1], [0, 0, 0, 1, 1, 1], [], []>, transpose_lhs_hint = false} : vector<128x100x2xf32>, vector<2x128xf32>, vector<128x100x128xf32> -> vector<128x100x128xf32>
    %sub3A_43 = arith.subf %add3A_6, %dot_general3A_42 : vector<128x100x128xf32>
    %mul3A = arith.mulf %sub3A_43, %sub3A_43 : vector<128x100x128xf32>
    %dot_general3A_44 = arith.constant dense<0.000000e+00> : vector<128x100x2xf32>
    %dot_general3A_45 = tpu.matmul %mul3A, %select_n3A_34, %dot_general3A_44 {dimension_numbers = #tpu.dot_dimension_numbers<[2], [0], [0, 1], [1], [0, 0, 0, 1, 1, 1], [], []>, transpose_lhs_hint = false} : vector<128x100x128xf32>, vector<128x2xf32>, vector<128x100x2xf32> -> vector<128x100x2xf32>
    %dot_general3A_46 = arith.constant dense<0.000000e+00> : vector<128x100x128xf32>
    %dot_general3A_47 = tpu.matmul %dot_general3A_45, %transpose3A, %dot_general3A_46 {dimension_numbers = #tpu.dot_dimension_numbers<[2], [0], [0, 1], [1], [0, 0, 0, 1, 1, 1], [], []>, transpose_lhs_hint = false} : vector<128x100x2xf32>, vector<2x128xf32>, vector<128x100x128xf32> -> vector<128x100x128xf32>
    %add3A_48 = arith.constant 9.99999996E-13 : f32
    %add3A_49 = vector.broadcast %add3A_48 : f32 to vector<128x100x128xf32>
    %add3A_50 = arith.addf %dot_general3A_47, %add3A_49 : vector<128x100x128xf32>
    %rsqrt3A = math.rsqrt %add3A_50 : vector<128x100x128xf32>
    %mul3A_51 = arith.mulf %sub3A_43, %rsqrt3A : vector<128x100x128xf32>
    %get3A_52 = arith.constant 0 : index
    %get3A_53 = arith.constant 0 : index
    %get3A_54 = arith.constant 0 : index
    %get3A_55 = vector.load %arg3[%get3A_52, %get3A_53, %get3A_54] : memref<1x1x128xf32, #tpu.memory_space<vmem>>, vector<1x1x128xf32>
    %mul3A_56 = vector.broadcast %get3A_55 : vector<1x1x128xf32> to vector<128x100x128xf32>
    %mul3A_57 = arith.mulf %mul3A_51, %mul3A_56 : vector<128x100x128xf32>
    %get3A_58 = arith.constant 0 : index
    %get3A_59 = arith.constant 0 : index
    %get3A_60 = arith.constant 0 : index
    %get3A_61 = vector.load %arg4[%get3A_58, %get3A_59, %get3A_60] : memref<1x1x128xf32, #tpu.memory_space<vmem>>, vector<1x1x128xf32>
    %add3A_62 = vector.broadcast %get3A_61 : vector<1x1x128xf32> to vector<128x100x128xf32>
    %add3A_63 = arith.addf %mul3A_57, %add3A_62 : vector<128x100x128xf32>
    %slice3A = vector.extract_strided_slice %add3A_63 {offsets = [0, 0, 0], sizes = [128, 1, 128], strides = [1, 1, 1]} : vector<128x100x128xf32> to vector<128x1x128xf32>
    %squeeze3A = vector.shape_cast %slice3A : vector<128x1x128xf32> to vector<128x128xf32>
    %transpose3A_64 = tpu.transpose %squeeze3A, [1, 0] : vector<128x128xf32> -> vector<128x128xf32>
    %reshape3A_65 = vector.shape_cast %transpose3A_64 : vector<128x128xf32> to vector<2x8x8x128xf32>
    %slice3A_66 = vector.extract_strided_slice %reshape3A_65 {offsets = [0, 0, 0, 0], sizes = [1, 8, 8, 128], strides = [1, 1, 1, 1]} : vector<2x8x8x128xf32> to vector<1x8x8x128xf32>
    %squeeze3A_67 = vector.shape_cast %slice3A_66 : vector<1x8x8x128xf32> to vector<8x8x128xf32>
    %swap3A = arith.constant 0 : index
    %swap3A_68 = arith.constant 0 : index
    %swap3A_69 = arith.constant 0 : index
    %swap3A_70 = arith.constant 0 : index
    %swap3A_71 = arith.constant 0 : index
    %swap3A_72 = vector.load %arg5[%swap3A, %swap3A_68, %swap3A_69, %swap3A_70, %swap3A_71] : memref<200x8x1x8x128xf32, #tpu.memory_space<vmem>>, vector<1x8x1x8x128xf32>
    %swap3A_73 = vector.shape_cast %swap3A_72 : vector<1x8x1x8x128xf32> to vector<8x8x128xf32>
    %swap3A_74 = vector.shape_cast %squeeze3A_67 : vector<8x8x128xf32> to vector<1x8x1x8x128xf32>
    tpu.vector_store %arg5[%swap3A, %swap3A_68, %swap3A_69, %swap3A_70, %swap3A_71], %swap3A_74 {strides = array<i32>} : memref<200x8x1x8x128xf32, #tpu.memory_space<vmem>>, vector<1x8x1x8x128xf32>,
    %slice3A_75 = vector.extract_strided_slice %reshape3A_65 {offsets = [1, 0, 0, 0], sizes = [1, 8, 8, 128], strides = [1, 1, 1, 1]} : vector<2x8x8x128xf32> to vector<1x8x8x128xf32>
    %squeeze3A_76 = vector.shape_cast %slice3A_75 : vector<1x8x8x128xf32> to vector<8x8x128xf32>
    %swap3A_77 = arith.constant 1 : index
    %swap3A_78 = arith.constant 0 : index
    %swap3A_79 = arith.constant 0 : index
    %swap3A_80 = arith.constant 0 : index
    %swap3A_81 = arith.constant 0 : index
    %swap3A_82 = vector.load %arg5[%swap3A_77, %swap3A_78, %swap3A_79, %swap3A_80, %swap3A_81] : memref<200x8x1x8x128xf32, #tpu.memory_space<vmem>>, vector<1x8x1x8x128xf32>
    %swap3A_83 = vector.shape_cast %swap3A_82 : vector<1x8x1x8x128xf32> to vector<8x8x128xf32>
    %swap3A_84 = vector.shape_cast %squeeze3A_76 : vector<8x8x128xf32> to vector<1x8x1x8x128xf32>
    tpu.vector_store %arg5[%swap3A_77, %swap3A_78, %swap3A_79, %swap3A_80, %swap3A_81], %swap3A_84 {strides = array<i32>} : memref<200x8x1x8x128xf32, #tpu.memory_space<vmem>>, vector<1x8x1x8x128xf32>,
    %slice3A_85 = vector.extract_strided_slice %add3A_63 {offsets = [0, 1, 0], sizes = [128, 1, 128], strides = [1, 1, 1]} : vector<128x100x128xf32> to vector<128x1x128xf32>
    %squeeze3A_86 = vector.shape_cast %slice3A_85 : vector<128x1x128xf32> to vector<128x128xf32>
    %transpose3A_87 = tpu.transpose %squeeze3A_86, [1, 0] : vector<128x128xf32> -> vector<128x128xf32>
    %reshape3A_88 = vector.shape_cast %transpose3A_87 : vector<128x128xf32> to vector<2x8x8x128xf32>
    %slice3A_89 = vector.extract_strided_slice %reshape3A_88 {offsets = [0, 0, 0, 0], sizes = [1, 8, 8, 128], strides = [1, 1, 1, 1]} : vector<2x8x8x128xf32> to vector<1x8x8x128xf32>
    %squeeze3A_90 = vector.shape_cast %slice3A_89 : vector<1x8x8x128xf32> to vector<8x8x128xf32>
    %swap3A_91 = arith.constant 2 : index
    %swap3A_92 = arith.constant 0 : index
    %swap3A_93 = arith.constant 0 : index
    %swap3A_94 = arith.constant 0 : index
    %swap3A_95 = arith.constant 0 : index
    %swap3A_96 = vector.load %arg5[%swap3A_91, %swap3A_92, %swap3A_93, %swap3A_94, %swap3A_95] : memref<200x8x1x8x128xf32, #tpu.memory_space<vmem>>, vector<1x8x1x8x128xf32>
    %swap3A_97 = vector.shape_cast %swap3A_96 : vector<1x8x1x8x128xf32> to vector<8x8x128xf32>
    %swap3A_98 = vector.shape_cast %squeeze3A_90 : vector<8x8x128xf32> to vector<1x8x1x8x128xf32>
    tpu.vector_store %arg5[%swap3A_91, %swap3A_92, %swap3A_93, %swap3A_94, %swap3A_95], %swap3A_98 {strides = array<i32>} : memref<200x8x1x8x128xf32, #tpu.memory_space<vmem>>, vector<1x8x1x8x128xf32>,
    %slice3A_99 = vector.extract_strided_slice %reshape3A_88 {offsets = [1, 0, 0, 0], sizes = [1, 8, 8, 128], strides = [1, 1, 1, 1]} : vector<2x8x8x128xf32> to vector<1x8x8x128xf32>
    %squeeze3A_100 = vector.shape_cast %slice3A_99 : vector<1x8x8x128xf32> to vector<8x8x128xf32>
    %swap3A_101 = arith.constant 3 : index
    %swap3A_102 = arith.constant 0 : index
    %swap3A_103 = arith.constant 0 : index
    %swap3A_104 = arith.constant 0 : index
    %swap3A_105 = arith.constant 0 : index
    %swap3A_106 = vector.load %arg5[%swap3A_101, %swap3A_102, %swap3A_103, %swap3A_104, %swap3A_105] : memref<200x8x1x8x128xf32, #tpu.memory_space<vmem>>, vector<1x8x1x8x128xf32>
    %swap3A_107 = vector.shape_cast %swap3A_106 : vector<1x8x1x8x128xf32> to vector<8x8x128xf32>
    %swap3A_108 = vector.shape_cast %squeeze3A_100 : vector<8x8x128xf32> to vector<1x8x1x8x128xf32>
    tpu.vector_store %arg5[%swap3A_101, %swap3A_102, %swap3A_103, %swap3A_104, %swap3A_105], %swap3A_108 {strides = array<i32>} : memref<200x8x1x8x128xf32, #tpu.memory_space<vmem>>, vector<1x8x1x8x128xf32>,
    %slice3A_109 = vector.extract_strided_slice %add3A_63 {offsets = [0, 2, 0], sizes = [128, 1, 128], strides = [1, 1, 1]} : vector<128x100x128xf32> to vector<128x1x128xf32>
    %squeeze3A_110 = vector.shape_cast %slice3A_109 : vector<128x1x128xf32> to vector<128x128xf32>
    %transpose3A_111 = tpu.transpose %squeeze3A_110, [1, 0] : vector<128x128xf32> -> vector<128x128xf32>
    %reshape3A_112 = vector.shape_cast %transpose3A_111 : vector<128x128xf32> to vector<2x8x8x128xf32>
    %slice3A_113 = vector.extract_strided_slice %reshape3A_112 {offsets = [0, 0, 0, 0], sizes = [1, 8, 8, 128], strides = [1, 1, 1, 1]} : vector<2x8x8x128xf32> to vector<1x8x8x128xf32>
    %squeeze3A_114 = vector.shape_cast %slice3A_113 : vector<1x8x8x128xf32> to vector<8x8x128xf32>
    %swap3A_115 = arith.constant 4 : index
    %swap3A_116 = arith.constant 0 : index
    %swap3A_117 = arith.constant 0 : index
    %swap3A_118 = arith.constant 0 : index
    %swap3A_119 = arith.constant 0 : index
    %swap3A_120 = vector.load %arg5[%swap3A_115, %swap3A_116, %swap3A_117, %swap3A_118, %swap3A_119] : memref<200x8x1x8x128xf32, #tpu.memory_space<vmem>>, vector<1x8x1x8x128xf32>
    %swap3A_121 = vector.shape_cast %swap3A_120 : vector<1x8x1x8x128xf32> to vector<8x8x128xf32>
    %swap3A_122 = vector.shape_cast %squeeze3A_114 : vector<8x8x128xf32> to vector<1x8x1x8x128xf32>
    tpu.vector_store %arg5[%swap3A_115, %swap3A_116, %swap3A_117, %swap3A_118, %swap3A_119], %swap3A_122 {strides = array<i32>} : memref<200x8x1x8x128xf32, #tpu.memory_space<vmem>>, vector<1x8x1x8x128xf32>,
    %slice3A_123 = vector.extract_strided_slice %reshape3A_112 {offsets = [1, 0, 0, 0], sizes = [1, 8, 8, 128], strides = [1, 1, 1, 1]} : vector<2x8x8x128xf32> to vector<1x8x8x128xf32>
    %squeeze3A_124 = vector.shape_cast %slice3A_123 : vector<1x8x8x128xf32> to vector<8x8x128xf32>
    %swap3A_125 = arith.constant 5 : index
    %swap3A_126 = arith.constant 0 : index
    %swap3A_127 = arith.constant 0 : index
    %swap3A_128 = arith.constant 0 : index
    %swap3A_129 = arith.constant 0 : index
    %swap3A_130 = vector.load %arg5[%swap3A_125, %swap3A_126, %swap3A_127, %swap3A_128, %swap3A_129] : memref<200x8x1x8x128xf32, #tpu.memory_space<vmem>>, vector<1x8x1x8x128xf32>
    %swap3A_131 = vector.shape_cast %swap3A_130 : vector<1x8x1x8x128xf32> to vector<8x8x128xf32>
    %swap3A_132 = vector.shape_cast %squeeze3A_124 : vector<8x8x128xf32> to vector<1x8x1x8x128xf32>
    tpu.vector_store %arg5[%swap3A_125, %swap3A_126, %swap3A_127, %swap3A_128, %swap3A_129], %swap3A_132 {strides = array<i32>} : memref<200x8x1x8x128xf32, #tpu.memory_space<vmem>>, vector<1x8x1x8x128xf32>,
    %slice3A_133 = vector.extract_strided_slice %add3A_63 {offsets = [0, 3, 0], sizes = [128, 1, 128], strides = [1, 1, 1]} : vector<128x100x128xf32> to vector<128x1x128xf32>
    %squeeze3A_134 = vector.shape_cast %slice3A_133 : vector<128x1x128xf32> to vector<128x128xf32>
    %transpose3A_135 = tpu.transpose %squeeze3A_134, [1, 0] : vector<128x128xf32> -> vector<128x128xf32>
    %reshape3A_136 = vector.shape_cast %transpose3A_135 : vector<128x128xf32> to vector<2x8x8x128xf32>
    %slice3A_137 = vector.extract_strided_slice %reshape3A_136 {offsets = [0, 0, 0, 0], sizes = [1, 8, 8, 128], strides = [1, 1, 1, 1]} : vector<2x8x8x128xf32> to vector<1x8x8x128xf32>
    %squeeze3A_138 = vector.shape_cast %slice3A_137 : vector<1x8x8x128xf32> to vector<8x8x128xf32>
    %swap3A_139 = arith.constant 6 : index
    %swap3A_140 = arith.constant 0 : index
    %swap3A_141 = arith.constant 0 : index
    %swap3A_142 = arith.constant 0 : index
    %swap3A_143 = arith.constant 0 : index
    %swap3A_144 = vector.load %arg5[%swap3A_139, %swap3A_140, %swap3A_141, %swap3A_142, %swap3A_143] : memref<200x8x1x8x128xf32, #tpu.memory_space<vmem>>, vector<1x8x1x8x128xf32>
    %swap3A_145 = vector.shape_cast %swap3A_144 : vector<1x8x1x8x128xf32> to vector<8x8x128xf32>
    %swap3A_146 = vector.shape_cast %squeeze3A_138 : vector<8x8x128xf32> to vector<1x8x1x8x128xf32>
    tpu.vector_store %arg5[%swap3A_139, %swap3A_140, %swap3A_141, %swap3A_142, %swap3A_143], %swap3A_146 {strides = array<i32>} : memref<200x8x1x8x128xf32, #tpu.memory_space<vmem>>, vector<1x8x1x8x128xf32>,
    %slice3A_147 = vector.extract_strided_slice %reshape3A_136 {offsets = [1, 0, 0, 0], sizes = [1, 8, 8, 128], strides = [1, 1, 1, 1]} : vector<2x8x8x128xf32> to vector<1x8x8x128xf32>
    %squeeze3A_148 = vector.shape_cast %slice3A_147 : vector<1x8x8x128xf32> to vector<8x8x128xf32>
    %swap3A_149 = arith.constant 7 : index
    %swap3A_150 = arith.constant 0 : index
    %swap3A_151 = arith.constant 0 : index
    %swap3A_152 = arith.constant 0 : index
    %swap3A_153 = arith.constant 0 : index
    %swap3A_154 = vector.load %arg5[%swap3A_149, %swap3A_150, %swap3A_151, %swap3A_152, %swap3A_153] : memref<200x8x1x8x128xf32, #tpu.memory_space<vmem>>, vector<1x8x1x8x128xf32>
    %swap3A_155 = vector.shape_cast %swap3A_154 : vector<1x8x1x8x128xf32> to vector<8x8x128xf32>
    %swap3A_156 = vector.shape_cast %squeeze3A_148 : vector<8x8x128xf32> to vector<1x8x1x8x128xf32>
    tpu.vector_store %arg5[%swap3A_149, %swap3A_150, %swap3A_151, %swap3A_152, %swap3A_153], %swap3A_156 {strides = array<i32>} : memref<200x8x1x8x128xf32, #tpu.memory_space<vmem>>, vector<1x8x1x8x128xf32>,
    %slice3A_157 = vector.extract_strided_slice %add3A_63 {offsets = [0, 4, 0], sizes = [128, 1, 128], strides = [1, 1, 1]} : vector<128x100x128xf32> to vector<128x1x128xf32>
    %squeeze3A_158 = vector.shape_cast %slice3A_157 : vector<128x1x128xf32> to vector<128x128xf32>
    %transpose3A_159 = tpu.transpose %squeeze3A_158, [1, 0] : vector<128x128xf32> -> vector<128x128xf32>
    %reshape3A_160 = vector.shape_cast %transpose3A_159 : vector<128x128xf32> to vector<2x8x8x128xf32>
    %slice3A_161 = vector.extract_strided_slice %reshape3A_160 {offsets = [0, 0, 0, 0], sizes = [1, 8, 8, 128], strides = [1, 1, 1, 1]} : vector<2x8x8x128xf32> to vector<1x8x8x128xf32>
    %squeeze3A_162 = vector.shape_cast %slice3A_161 : vector<1x8x8x128xf32> to vector<8x8x128xf32>
    %swap3A_163 = arith.constant 8 : index
    %swap3A_164 = arith.constant 0 : index
    %swap3A_165 = arith.constant 0 : index
    %swap3A_166 = arith.constant 0 : index
    %swap3A_167 = arith.constant 0 : index
    %swap3A_168 = vector.load %arg5[%swap3A_163, %swap3A_164, %swap3A_165, %swap3A_166, %swap3A_167] : memref<200x8x1x8x128xf32, #tpu.memory_space<vmem>>, vector<1x8x1x8x128xf32>
    %swap3A_169 = vector.shape_cast %swap3A_168 : vector<1x8x1x8x128xf32> to vector<8x8x128xf32>
    %swap3A_170 = vector.shape_cast %squeeze3A_162 : vector<8x8x128xf32> to vector<1x8x1x8x128xf32>
    tpu.vector_store %arg5[%swap3A_163, %swap3A_164, %swap3A_165, %swap3A_166, %swap3A_167], %swap3A_170 {strides = array<i32>} : memref<200x8x1x8x128xf32, #tpu.memory_space<vmem>>, vector<1x8x1x8x128xf32>,
    %slice3A_171 = vector.extract_strided_slice %reshape3A_160 {offsets = [1, 0, 0, 0], sizes = [1, 8, 8, 128], strides = [1, 1, 1, 1]} : vector<2x8x8x128xf32> to vector<1x8x8x128xf32>
    %squeeze3A_172 = vector.shape_cast %slice3A_171 : vector<1x8x8x128xf32> to vector<8x8x128xf32>
    %swap3A_173 = arith.constant 9 : index
    %swap3A_174 = arith.constant 0 : index
    %swap3A_175 = arith.constant 0 : index
    %swap3A_176 = arith.constant 0 : index
    %swap3A_177 = arith.constant 0 : index
    %swap3A_178 = vector.load %arg5[%swap3A_173, %swap3A_174, %swap3A_175, %swap3A_176, %swap3A_177] : memref<200x8x1x8x128xf32, #tpu.memory_space<vmem>>, vector<1x8x1x8x128xf32>
    %swap3A_179 = vector.shape_cast %swap3A_178 : vector<1x8x1x8x128xf32> to vector<8x8x128xf32>
    %swap3A_180 = vector.shape_cast %squeeze3A_172 : vector<8x8x128xf32> to vector<1x8x1x8x128xf32>
    tpu.vector_store %arg5[%swap3A_173, %swap3A_174, %swap3A_175, %swap3A_176, %swap3A_177], %swap3A_180 {strides = array<i32>} : memref<200x8x1x8x128xf32, #tpu.memory_space<vmem>>, vector<1x8x1x8x128xf32>,
    %slice3A_181 = vector.extract_strided_slice %add3A_63 {offsets = [0, 5, 0], sizes = [128, 1, 128], strides = [1, 1, 1]} : vector<128x100x128xf32> to vector<128x1x128xf32>
    %squeeze3A_182 = vector.shape_cast %slice3A_181 : vector<128x1x128xf32> to vector<128x128xf32>
    %transpose3A_183 = tpu.transpose %squeeze3A_182, [1, 0] : vector<128x128xf32> -> vector<128x128xf32>
    %reshape3A_184 = vector.shape_cast %transpose3A_183 : vector<128x128xf32> to vector<2x8x8x128xf32>
    %slice3A_185 = vector.extract_strided_slice %reshape3A_184 {offsets = [0, 0, 0, 0], sizes = [1, 8, 8, 128], strides = [1, 1, 1, 1]} : vector<2x8x8x128xf32> to vector<1x8x8x128xf32>
    %squeeze3A_186 = vector.shape_cast %slice3A_185 : vector<1x8x8x128xf32> to vector<8x8x128xf32>
    %swap3A_187 = arith.constant 10 : index
    %swap3A_188 = arith.constant 0 : index
    %swap3A_189 = arith.constant 0 : index
    %swap3A_190 = arith.constant 0 : index
    %swap3A_191 = arith.constant 0 : index
    %swap3A_192 = vector.load %arg5[%swap3A_187, %swap3A_188, %swap3A_189, %swap3A_190, %swap3A_191] : memref<200x8x1x8x128xf32, #tpu.memory_space<vmem>>, vector<1x8x1x8x128xf32>
    %swap3A_193 = vector.shape_cast %swap3A_192 : vector<1x8x1x8x128xf32> to vector<8x8x128xf32>
    %swap3A_194 = vector.shape_cast %squeeze3A_186 : vector<8x8x128xf32> to vector<1x8x1x8x128xf32>
    tpu.vector_store %arg5[%swap3A_187, %swap3A_188, %swap3A_189, %swap3A_190, %swap3A_191], %swap3A_194 {strides = array<i32>} : memref<200x8x1x8x128xf32, #tpu.memory_space<vmem>>, vector<1x8x1x8x128xf32>,
    %slice3A_195 = vector.extract_strided_slice %reshape3A_184 {offsets = [1, 0, 0, 0], sizes = [1, 8, 8, 128], strides = [1, 1, 1, 1]} : vector<2x8x8x128xf32> to vector<1x8x8x128xf32>
    %squeeze3A_196 = vector.shape_cast %slice3A_195 : vector<1x8x8x128xf32> to vector<8x8x128xf32>
    %swap3A_197 = arith.constant 11 : index
    %swap3A_198 = arith.constant 0 : index
    %swap3A_199 = arith.constant 0 : index
    %swap3A_200 = arith.constant 0 : index
    %swap3A_201 = arith.constant 0 : index
    %swap3A_202 = vector.load %arg5[%swap3A_197, %swap3A_198, %swap3A_199, %swap3A_200, %swap3A_201] : memref<200x8x1x8x128xf32, #tpu.memory_space<vmem>>, vector<1x8x1x8x128xf32>
    %swap3A_203 = vector.shape_cast %swap3A_202 : vector<1x8x1x8x128xf32> to vector<8x8x128xf32>
    %swap3A_204 = vector.shape_cast %squeeze3A_196 : vector<8x8x128xf32> to vector<1x8x1x8x128xf32>
    tpu.vector_store %arg5[%swap3A_197, %swap3A_198, %swap3A_199, %swap3A_200, %swap3A_201], %swap3A_204 {strides = array<i32>} : memref<200x8x1x8x128xf32, #tpu.memory_space<vmem>>, vector<1x8x1x8x128xf32>,
    %slice3A_205 = vector.extract_strided_slice %add3A_63 {offsets = [0, 6, 0], sizes = [128, 1, 128], strides = [1, 1, 1]} : vector<128x100x128xf32> to vector<128x1x128xf32>
    %squeeze3A_206 = vector.shape_cast %slice3A_205 : vector<128x1x128xf32> to vector<128x128xf32>
    %transpose3A_207 = tpu.transpose %squeeze3A_206, [1, 0] : vector<128x128xf32> -> vector<128x128xf32>
    %reshape3A_208 = vector.shape_cast %transpose3A_207 : vector<128x128xf32> to vector<2x8x8x128xf32>
    %slice3A_209 = vector.extract_strided_slice %reshape3A_208 {offsets = [0, 0, 0, 0], sizes = [1, 8, 8, 128], strides = [1, 1, 1, 1]} : vector<2x8x8x128xf32> to vector<1x8x8x128xf32>
    %squeeze3A_210 = vector.shape_cast %slice3A_209 : vector<1x8x8x128xf32> to vector<8x8x128xf32>
    %swap3A_211 = arith.constant 12 : index
    %swap3A_212 = arith.constant 0 : index
    %swap3A_213 = arith.constant 0 : index
    %swap3A_214 = arith.constant 0 : index
    %swap3A_215 = arith.constant 0 : index
    %swap3A_216 = vector.load %arg5[%swap3A_211, %swap3A_212, %swap3A_213, %swap3A_214, %swap3A_215] : memref<200x8x1x8x128xf32, #tpu.memory_space<vmem>>, vector<1x8x1x8x128xf32>
    %swap3A_217 = vector.shape_cast %swap3A_216 : vector<1x8x1x8x128xf32> to vector<8x8x128xf32>
    %swap3A_218 = vector.shape_cast %squeeze3A_210 : vector<8x8x128xf32> to vector<1x8x1x8x128xf32>
    tpu.vector_store %arg5[%swap3A_211, %swap3A_212, %swap3A_213, %swap3A_214, %swap3A_215], %swap3A_218 {strides = array<i32>} : memref<200x8x1x8x128xf32, #tpu.memory_space<vmem>>, vector<1x8x1x8x128xf32>,
    %slice3A_219 = vector.extract_strided_slice %reshape3A_208 {offsets = [1, 0, 0, 0], sizes = [1, 8, 8, 128], strides = [1, 1, 1, 1]} : vector<2x8x8x128xf32> to vector<1x8x8x128xf32>
    %squeeze3A_220 = vector.shape_cast %slice3A_219 : vector<1x8x8x128xf32> to vector<8x8x128xf32>
    %swap3A_221 = arith.constant 13 : index
    %swap3A_222 = arith.constant 0 : index
    %swap3A_223 = arith.constant 0 : index
    %swap3A_224 = arith.constant 0 : index
    %swap3A_225 = arith.constant 0 : index
    %swap3A_226 = vector.load %arg5[%swap3A_221, %swap3A_222, %swap3A_223, %swap3A_224, %swap3A_225] : memref<200x8x1x8x128xf32, #tpu.memory_space<vmem>>, vector<1x8x1x8x128xf32>
    %swap3A_227 = vector.shape_cast %swap3A_226 : vector<1x8x1x8x128xf32> to vector<8x8x128xf32>
    %swap3A_228 = vector.shape_cast %squeeze3A_220 : vector<8x8x128xf32> to vector<1x8x1x8x128xf32>
    tpu.vector_store %arg5[%swap3A_221, %swap3A_222, %swap3A_223, %swap3A_224, %swap3A_225], %swap3A_228 {strides = array<i32>} : memref<200x8x1x8x128xf32, #tpu.memory_space<vmem>>, vector<1x8x1x8x128xf32>,
    %slice3A_229 = vector.extract_strided_slice %add3A_63 {offsets = [0, 7, 0], sizes = [128, 1, 128], strides = [1, 1, 1]} : vector<128x100x128xf32> to vector<128x1x128xf32>
    %squeeze3A_230 = vector.shape_cast %slice3A_229 : vector<128x1x128xf32> to vector<128x128xf32>
    %transpose3A_231 = tpu.transpose %squeeze3A_230, [1, 0] : vector<128x128xf32> -> vector<128x128xf32>
    %reshape3A_232 = vector.shape_cast %transpose3A_231 : vector<128x128xf32> to vector<2x8x8x128xf32>
    %slice3A_233 = vector.extract_strided_slice %reshape3A_232 {offsets = [0, 0, 0, 0], sizes = [1, 8, 8, 128], strides = [1, 1, 1, 1]} : vector<2x8x8x128xf32> to vector<1x8x8x128xf32>
    %squeeze3A_234 = vector.shape_cast %slice3A_233 : vector<1x8x8x128xf32> to vector<8x8x128xf32>
    %swap3A_235 = arith.constant 14 : index
    %swap3A_236 = arith.constant 0 : index
    %swap3A_237 = arith.constant 0 : index
    %swap3A_238 = arith.constant 0 : index
    %swap3A_239 = arith.constant 0 : index
    %swap3A_240 = vector.load %arg5[%swap3A_235, %swap3A_236, %swap3A_237, %swap3A_238, %swap3A_239] : memref<200x8x1x8x128xf32, #tpu.memory_space<vmem>>, vector<1x8x1x8x128xf32>
    %swap3A_241 = vector.shape_cast %swap3A_240 : vector<1x8x1x8x128xf32> to vector<8x8x128xf32>
    %swap3A_242 = vector.shape_cast %squeeze3A_234 : vector<8x8x128xf32> to vector<1x8x1x8x128xf32>
    tpu.vector_store %arg5[%swap3A_235, %swap3A_236, %swap3A_237, %swap3A_238, %swap3A_239], %swap3A_242 {strides = array<i32>} : memref<200x8x1x8x128xf32, #tpu.memory_space<vmem>>, vector<1x8x1x8x128xf32>,
    %slice3A_243 = vector.extract_strided_slice %reshape3A_232 {offsets = [1, 0, 0, 0], sizes = [1, 8, 8, 128], strides = [1, 1, 1, 1]} : vector<2x8x8x128xf32> to vector<1x8x8x128xf32>
    %squeeze3A_244 = vector.shape_cast %slice3A_243 : vector<1x8x8x128xf32> to vector<8x8x128xf32>
    %swap3A_245 = arith.constant 15 : index
    %swap3A_246 = arith.constant 0 : index
    %swap3A_247 = arith.constant 0 : index
    %swap3A_248 = arith.constant 0 : index
    %swap3A_249 = arith.constant 0 : index
    %swap3A_250 = vector.load %arg5[%swap3A_245, %swap3A_246, %swap3A_247, %swap3A_248, %swap3A_249] : memref<200x8x1x8x128xf32, #tpu.memory_space<vmem>>, vector<1x8x1x8x128xf32>
    %swap3A_251 = vector.shape_cast %swap3A_250 : vector<1x8x1x8x128xf32> to vector<8x8x128xf32>
    %swap3A_252 = vector.shape_cast %squeeze3A_244 : vector<8x8x128xf32> to vector<1x8x1x8x128xf32>
    tpu.vector_store %arg5[%swap3A_245, %swap3A_246, %swap3A_247, %swap3A_248, %swap3A_249], %swap3A_252 {strides = array<i32>} : memref<200x8x1x8x128xf32, #tpu.memory_space<vmem>>, vector<1x8x1x8x128xf32>,
    %slice3A_253 = vector.extract_strided_slice %add3A_63 {offsets = [0, 8, 0], sizes = [128, 1, 128], strides = [1, 1, 1]} : vector<128x100x128xf32> to vector<128x1x128xf32>
    %squeeze3A_254 = vector.shape_cast %slice3A_253 : vector<128x1x128xf32> to vector<128x128xf32>
    %transpose3A_255 = tpu.transpose %squeeze3A_254, [1, 0] : vector<128x128xf32> -> vector<128x128xf32>
    %reshape3A_256 = vector.shape_cast %transpose3A_255 : vector<128x128xf32> to vector<2x8x8x128xf32>
    %slice3A_257 = vector.extract_strided_slice %reshape3A_256 {offsets = [0, 0, 0, 0], sizes = [1, 8, 8, 128], strides = [1, 1, 1, 1]} : vector<2x8x8x128xf32> to vector<1x8x8x128xf32>
    %squeeze3A_258 = vector.shape_cast %slice3A_257 : vector<1x8x8x128xf32> to vector<8x8x128xf32>
    %swap3A_259 = arith.constant 16 : index
    %swap3A_260 = arith.constant 0 : index
    %swap3A_261 = arith.constant 0 : index
    %swap3A_262 = arith.constant 0 : index
    %swap3A_263 = arith.constant 0 : index
    %swap3A_264 = vector.load %arg5[%swap3A_259, %swap3A_260, %swap3A_261, %swap3A_262, %swap3A_263] : memref<200x8x1x8x128xf32, #tpu.memory_space<vmem>>, vector<1x8x1x8x128xf32>
    %swap3A_265 = vector.shape_cast %swap3A_264 : vector<1x8x1x8x128xf32> to vector<8x8x128xf32>
    %swap3A_266 = vector.shape_cast %squeeze3A_258 : vector<8x8x128xf32> to vector<1x8x1x8x128xf32>
    tpu.vector_store %arg5[%swap3A_259, %swap3A_260, %swap3A_261, %swap3A_262, %swap3A_263], %swap3A_266 {strides = array<i32>} : memref<200x8x1x8x128xf32, #tpu.memory_space<vmem>>, vector<1x8x1x8x128xf32>,
    %slice3A_267 = vector.extract_strided_slice %reshape3A_256 {offsets = [1, 0, 0, 0], sizes = [1, 8, 8, 128], strides = [1, 1, 1, 1]} : vector<2x8x8x128xf32> to vector<1x8x8x128xf32>
    %squeeze3A_268 = vector.shape_cast %slice3A_267 : vector<1x8x8x128xf32> to vector<8x8x128xf32>
    %swap3A_269 = arith.constant 17 : index
    %swap3A_270 = arith.constant 0 : index
    %swap3A_271 = arith.constant 0 : index
    %swap3A_272 = arith.constant 0 : index
    %swap3A_273 = arith.constant 0 : index
    %swap3A_274 = vector.load %arg5[%swap3A_269, %swap3A_270, %swap3A_271, %swap3A_272, %swap3A_273] : memref<200x8x1x8x128xf32, #tpu.memory_space<vmem>>, vector<1x8x1x8x128xf32>
    %swap3A_275 = vector.shape_cast %swap3A_274 : vector<1x8x1x8x128xf32> to vector<8x8x128xf32>
    %swap3A_276 = vector.shape_cast %squeeze3A_268 : vector<8x8x128xf32> to vector<1x8x1x8x128xf32>
    tpu.vector_store %arg5[%swap3A_269, %swap3A_270, %swap3A_271, %swap3A_272, %swap3A_273], %swap3A_276 {strides = array<i32>} : memref<200x8x1x8x128xf32, #tpu.memory_space<vmem>>, vector<1x8x1x8x128xf32>,
    %slice3A_277 = vector.extract_strided_slice %add3A_63 {offsets = [0, 9, 0], sizes = [128, 1, 128], strides = [1, 1, 1]} : vector<128x100x128xf32> to vector<128x1x128xf32>
    %squeeze3A_278 = vector.shape_cast %slice3A_277 : vector<128x1x128xf32> to vector<128x128xf32>
    %transpose3A_279 = tpu.transpose %squeeze3A_278, [1, 0] : vector<128x128xf32> -> vector<128x128xf32>
    %reshape3A_280 = vector.shape_cast %transpose3A_279 : vector<128x128xf32> to vector<2x8x8x128xf32>
    %slice3A_281 = vector.extract_strided_slice %reshape3A_280 {offsets = [0, 0, 0, 0], sizes = [1, 8, 8, 128], strides = [1, 1, 1, 1]} : vector<2x8x8x128xf32> to vector<1x8x8x128xf32>
    %squeeze3A_282 = vector.shape_cast %slice3A_281 : vector<1x8x8x128xf32> to vector<8x8x128xf32>
    %swap3A_283 = arith.constant 18 : index
    %swap3A_284 = arith.constant 0 : index
    %swap3A_285 = arith.constant 0 : index
    %swap3A_286 = arith.constant 0 : index
    %swap3A_287 = arith.constant 0 : index
    %swap3A_288 = vector.load %arg5[%swap3A_283, %swap3A_284, %swap3A_285, %swap3A_286, %swap3A_287] : memref<200x8x1x8x128xf32, #tpu.memory_space<vmem>>, vector<1x8x1x8x128xf32>
    %swap3A_289 = vector.shape_cast %swap3A_288 : vector<1x8x1x8x128xf32> to vector<8x8x128xf32>
    %swap3A_290 = vector.shape_cast %squeeze3A_282 : vector<8x8x128xf32> to vector<1x8x1x8x128xf32>
    tpu.vector_store %arg5[%swap3A_283, %swap3A_284, %swap3A_285, %swap3A_286, %swap3A_287], %swap3A_290 {strides = array<i32>} : memref<200x8x1x8x128xf32, #tpu.memory_space<vmem>>, vector<1x8x1x8x128xf32>,
    %slice3A_291 = vector.extract_strided_slice %reshape3A_280 {offsets = [1, 0, 0, 0], sizes = [1, 8, 8, 128], strides = [1, 1, 1, 1]} : vector<2x8x8x128xf32> to vector<1x8x8x128xf32>
    %squeeze3A_292 = vector.shape_cast %slice3A_291 : vector<1x8x8x128xf32> to vector<8x8x128xf32>
    %swap3A_293 = arith.constant 19 : index
    %swap3A_294 = arith.constant 0 : index
    %swap3A_295 = arith.constant 0 : index
    %swap3A_296 = arith.constant 0 : index
    %swap3A_297 = arith.constant 0 : index
    %swap3A_298 = vector.load %arg5[%swap3A_293, %swap3A_294, %swap3A_295, %swap3A_296, %swap3A_297] : memref<200x8x1x8x128xf32, #tpu.memory_space<vmem>>, vector<1x8x1x8x128xf32>
    %swap3A_299 = vector.shape_cast %swap3A_298 : vector<1x8x1x8x128xf32> to vector<8x8x128xf32>
    %swap3A_300 = vector.shape_cast %squeeze3A_292 : vector<8x8x128xf32> to vector<1x8x1x8x128xf32>
    tpu.vector_store %arg5[%swap3A_293, %swap3A_294, %swap3A_295, %swap3A_296, %swap3A_297], %swap3A_300 {strides = array<i32>} : memref<200x8x1x8x128xf32, #tpu.memory_space<vmem>>, vector<1x8x1x8x128xf32>,
    %slice3A_301 = vector.extract_strided_slice %add3A_63 {offsets = [0, 10, 0], sizes = [128, 1, 128], strides = [1, 1, 1]} : vector<128x100x128xf32> to vector<128x1x128xf32>
    %squeeze3A_302 = vector.shape_cast %slice3A_301 : vector<128x1x128xf32> to vector<128x128xf32>
    %transpose3A_303 = tpu.transpose %squeeze3A_302, [1, 0] : vector<128x128xf32> -> vector<128x128xf32>
    %reshape3A_304 = vector.shape_cast %transpose3A_303 : vector<128x128xf32> to vector<2x8x8x128xf32>
    %slice3A_305 = vector.extract_strided_slice %reshape3A_304 {offsets = [0, 0, 0, 0], sizes = [1, 8, 8, 128], strides = [1, 1, 1, 1]} : vector<2x8x8x128xf32> to vector<1x8x8x128xf32>
    %squeeze3A_306 = vector.shape_cast %slice3A_305 : vector<1x8x8x128xf32> to vector<8x8x128xf32>
    %swap3A_307 = arith.constant 20 : index
    %swap3A_308 = arith.constant 0 : index
    %swap3A_309 = arith.constant 0 : index
    %swap3A_310 = arith.constant 0 : index
    %swap3A_311 = arith.constant 0 : index
    %swap3A_312 = vector.load %arg5[%swap3A_307, %swap3A_308, %swap3A_309, %swap3A_310, %swap3A_311] : memref<200x8x1x8x128xf32, #tpu.memory_space<vmem>>, vector<1x8x1x8x128xf32>
    %swap3A_313 = vector.shape_cast %swap3A_312 : vector<1x8x1x8x128xf32> to vector<8x8x128xf32>
    %swap3A_314 = vector.shape_cast %squeeze3A_306 : vector<8x8x128xf32> to vector<1x8x1x8x128xf32>
    tpu.vector_store %arg5[%swap3A_307, %swap3A_308, %swap3A_309, %swap3A_310, %swap3A_311], %swap3A_314 {strides = array<i32>} : memref<200x8x1x8x128xf32, #tpu.memory_space<vmem>>, vector<1x8x1x8x128xf32>,
    %slice3A_315 = vector.extract_strided_slice %reshape3A_304 {offsets = [1, 0, 0, 0], sizes = [1, 8, 8, 128], strides = [1, 1, 1, 1]} : vector<2x8x8x128xf32> to vector<1x8x8x128xf32>
    %squeeze3A_316 = vector.shape_cast %slice3A_315 : vector<1x8x8x128xf32> to vector<8x8x128xf32>
    %swap3A_317 = arith.constant 21 : index
    %swap3A_318 = arith.constant 0 : index
    %swap3A_319 = arith.constant 0 : index
    %swap3A_320 = arith.constant 0 : index
    %swap3A_321 = arith.constant 0 : index
    %swap3A_322 = vector.load %arg5[%swap3A_317, %swap3A_318, %swap3A_319, %swap3A_320, %swap3A_321] : memref<200x8x1x8x128xf32, #tpu.memory_space<vmem>>, vector<1x8x1x8x128xf32>
    %swap3A_323 = vector.shape_cast %swap3A_322 : vector<1x8x1x8x128xf32> to vector<8x8x128xf32>
    %swap3A_324 = vector.shape_cast %squeeze3A_316 : vector<8x8x128xf32> to vector<1x8x1x8x128xf32>
    tpu.vector_store %arg5[%swap3A_317, %swap3A_318, %swap3A_319, %swap3A_320, %swap3A_321], %swap3A_324 {strides = array<i32>} : memref<200x8x1x8x128xf32, #tpu.memory_space<vmem>>, vector<1x8x1x8x128xf32>,
    %slice3A_325 = vector.extract_strided_slice %add3A_63 {offsets = [0, 11, 0], sizes = [128, 1, 128], strides = [1, 1, 1]} : vector<128x100x128xf32> to vector<128x1x128xf32>
    %squeeze3A_326 = vector.shape_cast %slice3A_325 : vector<128x1x128xf32> to vector<128x128xf32>
    %transpose3A_327 = tpu.transpose %squeeze3A_326, [1, 0] : vector<128x128xf32> -> vector<128x128xf32>
    %reshape3A_328 = vector.shape_cast %transpose3A_327 : vector<128x128xf32> to vector<2x8x8x128xf32>
    %slice3A_329 = vector.extract_strided_slice %reshape3A_328 {offsets = [0, 0, 0, 0], sizes = [1, 8, 8, 128], strides = [1, 1, 1, 1]} : vector<2x8x8x128xf32> to vector<1x8x8x128xf32>
    %squeeze3A_330 = vector.shape_cast %slice3A_329 : vector<1x8x8x128xf32> to vector<8x8x128xf32>
    %swap3A_331 = arith.constant 22 : index
    %swap3A_332 = arith.constant 0 : index
    %swap3A_333 = arith.constant 0 : index
    %swap3A_334 = arith.constant 0 : index
    %swap3A_335 = arith.constant 0 : index
    %swap3A_336 = vector.load %arg5[%swap3A_331, %swap3A_332, %swap3A_333, %swap3A_334, %swap3A_335] : memref<200x8x1x8x128xf32, #tpu.memory_space<vmem>>, vector<1x8x1x8x128xf32>
    %swap3A_337 = vector.shape_cast %swap3A_336 : vector<1x8x1x8x128xf32> to vector<8x8x128xf32>
    %swap3A_338 = vector.shape_cast %squeeze3A_330 : vector<8x8x128xf32> to vector<1x8x1x8x128xf32>
    tpu.vector_store %arg5[%swap3A_331, %swap3A_332, %swap3A_333, %swap3A_334, %swap3A_335], %swap3A_338 {strides = array<i32>} : memref<200x8x1x8x128xf32, #tpu.memory_space<vmem>>, vector<1x8x1x8x128xf32>,
    %slice3A_339 = vector.extract_strided_slice %reshape3A_328 {offsets = [1, 0, 0, 0], sizes = [1, 8, 8, 128], strides = [1, 1, 1, 1]} : vector<2x8x8x128xf32> to vector<1x8x8x128xf32>
    %squeeze3A_340 = vector.shape_cast %slice3A_339 : vector<1x8x8x128xf32> to vector<8x8x128xf32>
    %swap3A_341 = arith.constant 23 : index
    %swap3A_342 = arith.constant 0 : index
    %swap3A_343 = arith.constant 0 : index
    %swap3A_344 = arith.constant 0 : index
    %swap3A_345 = arith.constant 0 : index
    %swap3A_346 = vector.load %arg5[%swap3A_341, %swap3A_342, %swap3A_343, %swap3A_344, %swap3A_345] : memref<200x8x1x8x128xf32, #tpu.memory_space<vmem>>, vector<1x8x1x8x128xf32>
    %swap3A_347 = vector.shape_cast %swap3A_346 : vector<1x8x1x8x128xf32> to vector<8x8x128xf32>
    %swap3A_348 = vector.shape_cast %squeeze3A_340 : vector<8x8x128xf32> to vector<1x8x1x8x128xf32>
    tpu.vector_store %arg5[%swap3A_341, %swap3A_342, %swap3A_343, %swap3A_344, %swap3A_345], %swap3A_348 {strides = array<i32>} : memref<200x8x1x8x128xf32, #tpu.memory_space<vmem>>, vector<1x8x1x8x128xf32>,
    %slice3A_349 = vector.extract_strided_slice %add3A_63 {offsets = [0, 12, 0], sizes = [128, 1, 128], strides = [1, 1, 1]} : vector<128x100x128xf32> to vector<128x1x128xf32>
    %squeeze3A_350 = vector.shape_cast %slice3A_349 : vector<128x1x128xf32> to vector<128x128xf32>
    %transpose3A_351 = tpu.transpose %squeeze3A_350, [1, 0] : vector<128x128xf32> -> vector<128x128xf32>
    %reshape3A_352 = vector.shape_cast %transpose3A_351 : vector<128x128xf32> to vector<2x8x8x128xf32>
    %slice3A_353 = vector.extract_strided_slice %reshape3A_352 {offsets = [0, 0, 0, 0], sizes = [1, 8, 8, 128], strides = [1, 1, 1, 1]} : vector<2x8x8x128xf32> to vector<1x8x8x128xf32>
    %squeeze3A_354 = vector.shape_cast %slice3A_353 : vector<1x8x8x128xf32> to vector<8x8x128xf32>
    %swap3A_355 = arith.constant 24 : index
    %swap3A_356 = arith.constant 0 : index
    %swap3A_357 = arith.constant 0 : index
    %swap3A_358 = arith.constant 0 : index
    %swap3A_359 = arith.constant 0 : index
    %swap3A_360 = vector.load %arg5[%swap3A_355, %swap3A_356, %swap3A_357, %swap3A_358, %swap3A_359] : memref<200x8x1x8x128xf32, #tpu.memory_space<vmem>>, vector<1x8x1x8x128xf32>
    %swap3A_361 = vector.shape_cast %swap3A_360 : vector<1x8x1x8x128xf32> to vector<8x8x128xf32>
    %swap3A_362 = vector.shape_cast %squeeze3A_354 : vector<8x8x128xf32> to vector<1x8x1x8x128xf32>
    tpu.vector_store %arg5[%swap3A_355, %swap3A_356, %swap3A_357, %swap3A_358, %swap3A_359], %swap3A_362 {strides = array<i32>} : memref<200x8x1x8x128xf32, #tpu.memory_space<vmem>>, vector<1x8x1x8x128xf32>,
    %slice3A_363 = vector.extract_strided_slice %reshape3A_352 {offsets = [1, 0, 0, 0], sizes = [1, 8, 8, 128], strides = [1, 1, 1, 1]} : vector<2x8x8x128xf32> to vector<1x8x8x128xf32>
    %squeeze3A_364 = vector.shape_cast %slice3A_363 : vector<1x8x8x128xf32> to vector<8x8x128xf32>
    %swap3A_365 = arith.constant 25 : index
    %swap3A_366 = arith.constant 0 : index
    %swap3A_367 = arith.constant 0 : index
    %swap3A_368 = arith.constant 0 : index
    %swap3A_369 = arith.constant 0 : index
    %swap3A_370 = vector.load %arg5[%swap3A_365, %swap3A_366, %swap3A_367, %swap3A_368, %swap3A_369] : memref<200x8x1x8x128xf32, #tpu.memory_space<vmem>>, vector<1x8x1x8x128xf32>
    %swap3A_371 = vector.shape_cast %swap3A_370 : vector<1x8x1x8x128xf32> to vector<8x8x128xf32>
    %swap3A_372 = vector.shape_cast %squeeze3A_364 : vector<8x8x128xf32> to vector<1x8x1x8x128xf32>
    tpu.vector_store %arg5[%swap3A_365, %swap3A_366, %swap3A_367, %swap3A_368, %swap3A_369], %swap3A_372 {strides = array<i32>} : memref<200x8x1x8x128xf32, #tpu.memory_space<vmem>>, vector<1x8x1x8x128xf32>,
    %slice3A_373 = vector.extract_strided_slice %add3A_63 {offsets = [0, 13, 0], sizes = [128, 1, 128], strides = [1, 1, 1]} : vector<128x100x128xf32> to vector<128x1x128xf32>
    %squeeze3A_374 = vector.shape_cast %slice3A_373 : vector<128x1x128xf32> to vector<128x128xf32>
    %transpose3A_375 = tpu.transpose %squeeze3A_374, [1, 0] : vector<128x128xf32> -> vector<128x128xf32>
    %reshape3A_376 = vector.shape_cast %transpose3A_375 : vector<128x128xf32> to vector<2x8x8x128xf32>
    %slice3A_377 = vector.extract_strided_slice %reshape3A_376 {offsets = [0, 0, 0, 0], sizes = [1, 8, 8, 128], strides = [1, 1, 1, 1]} : vector<2x8x8x128xf32> to vector<1x8x8x128xf32>
    %squeeze3A_378 = vector.shape_cast %slice3A_377 : vector<1x8x8x128xf32> to vector<8x8x128xf32>
    %swap3A_379 = arith.constant 26 : index
    %swap3A_380 = arith.constant 0 : index
    %swap3A_381 = arith.constant 0 : index
    %swap3A_382 = arith.constant 0 : index
    %swap3A_383 = arith.constant 0 : index
    %swap3A_384 = vector.load %arg5[%swap3A_379, %swap3A_380, %swap3A_381, %swap3A_382, %swap3A_383] : memref<200x8x1x8x128xf32, #tpu.memory_space<vmem>>, vector<1x8x1x8x128xf32>
    %swap3A_385 = vector.shape_cast %swap3A_384 : vector<1x8x1x8x128xf32> to vector<8x8x128xf32>
    %swap3A_386 = vector.shape_cast %squeeze3A_378 : vector<8x8x128xf32> to vector<1x8x1x8x128xf32>
    tpu.vector_store %arg5[%swap3A_379, %swap3A_380, %swap3A_381, %swap3A_382, %swap3A_383], %swap3A_386 {strides = array<i32>} : memref<200x8x1x8x128xf32, #tpu.memory_space<vmem>>, vector<1x8x1x8x128xf32>,
    %slice3A_387 = vector.extract_strided_slice %reshape3A_376 {offsets = [1, 0, 0, 0], sizes = [1, 8, 8, 128], strides = [1, 1, 1, 1]} : vector<2x8x8x128xf32> to vector<1x8x8x128xf32>
    %squeeze3A_388 = vector.shape_cast %slice3A_387 : vector<1x8x8x128xf32> to vector<8x8x128xf32>
    %swap3A_389 = arith.constant 27 : index
    %swap3A_390 = arith.constant 0 : index
    %swap3A_391 = arith.constant 0 : index
    %swap3A_392 = arith.constant 0 : index
    %swap3A_393 = arith.constant 0 : index
    %swap3A_394 = vector.load %arg5[%swap3A_389, %swap3A_390, %swap3A_391, %swap3A_392, %swap3A_393] : memref<200x8x1x8x128xf32, #tpu.memory_space<vmem>>, vector<1x8x1x8x128xf32>
    %swap3A_395 = vector.shape_cast %swap3A_394 : vector<1x8x1x8x128xf32> to vector<8x8x128xf32>
    %swap3A_396 = vector.shape_cast %squeeze3A_388 : vector<8x8x128xf32> to vector<1x8x1x8x128xf32>
    tpu.vector_store %arg5[%swap3A_389, %swap3A_390, %swap3A_391, %swap3A_392, %swap3A_393], %swap3A_396 {strides = array<i32>} : memref<200x8x1x8x128xf32, #tpu.memory_space<vmem>>, vector<1x8x1x8x128xf32>,
    %slice3A_397 = vector.extract_strided_slice %add3A_63 {offsets = [0, 14, 0], sizes = [128, 1, 128], strides = [1, 1, 1]} : vector<128x100x128xf32> to vector<128x1x128xf32>
    %squeeze3A_398 = vector.shape_cast %slice3A_397 : vector<128x1x128xf32> to vector<128x128xf32>
    %transpose3A_399 = tpu.transpose %squeeze3A_398, [1, 0] : vector<128x128xf32> -> vector<128x128xf32>
    %reshape3A_400 = vector.shape_cast %transpose3A_399 : vector<128x128xf32> to vector<2x8x8x128xf32>
    %slice3A_401 = vector.extract_strided_slice %reshape3A_400 {offsets = [0, 0, 0, 0], sizes = [1, 8, 8, 128], strides = [1, 1, 1, 1]} : vector<2x8x8x128xf32> to vector<1x8x8x128xf32>
    %squeeze3A_402 = vector.shape_cast %slice3A_401 : vector<1x8x8x128xf32> to vector<8x8x128xf32>
    %swap3A_403 = arith.constant 28 : index
    %swap3A_404 = arith.constant 0 : index
    %swap3A_405 = arith.constant 0 : index
    %swap3A_406 = arith.constant 0 : index
    %swap3A_407 = arith.constant 0 : index
    %swap3A_408 = vector.load %arg5[%swap3A_403, %swap3A_404, %swap3A_405, %swap3A_406, %swap3A_407] : memref<200x8x1x8x128xf32, #tpu.memory_space<vmem>>, vector<1x8x1x8x128xf32>
    %swap3A_409 = vector.shape_cast %swap3A_408 : vector<1x8x1x8x128xf32> to vector<8x8x128xf32>
    %swap3A_410 = vector.shape_cast %squeeze3A_402 : vector<8x8x128xf32> to vector<1x8x1x8x128xf32>
    tpu.vector_store %arg5[%swap3A_403, %swap3A_404, %swap3A_405, %swap3A_406, %swap3A_407], %swap3A_410 {strides = array<i32>} : memref<200x8x1x8x128xf32, #tpu.memory_space<vmem>>, vector<1x8x1x8x128xf32>,
    %slice3A_411 = vector.extract_strided_slice %reshape3A_400 {offsets = [1, 0, 0, 0], sizes = [1, 8, 8, 128], strides = [1, 1, 1, 1]} : vector<2x8x8x128xf32> to vector<1x8x8x128xf32>
    %squeeze3A_412 = vector.shape_cast %slice3A_411 : vector<1x8x8x128xf32> to vector<8x8x128xf32>
    %swap3A_413 = arith.constant 29 : index
    %swap3A_414 = arith.constant 0 : index
    %swap3A_415 = arith.constant 0 : index
    %swap3A_416 = arith.constant 0 : index
    %swap3A_417 = arith.constant 0 : index
    %swap3A_418 = vector.load %arg5[%swap3A_413, %swap3A_414, %swap3A_415, %swap3A_416, %swap3A_417] : memref<200x8x1x8x128xf32, #tpu.memory_space<vmem>>, vector<1x8x1x8x128xf32>
    %swap3A_419 = vector.shape_cast %swap3A_418 : vector<1x8x1x8x128xf32> to vector<8x8x128xf32>
    %swap3A_420 = vector.shape_cast %squeeze3A_412 : vector<8x8x128xf32> to vector<1x8x1x8x128xf32>
    tpu.vector_store %arg5[%swap3A_413, %swap3A_414, %swap3A_415, %swap3A_416, %swap3A_417], %swap3A_420 {strides = array<i32>} : memref<200x8x1x8x128xf32, #tpu.memory_space<vmem>>, vector<1x8x1x8x128xf32>,
    %slice3A_421 = vector.extract_strided_slice %add3A_63 {offsets = [0, 15, 0], sizes = [128, 1, 128], strides = [1, 1, 1]} : vector<128x100x128xf32> to vector<128x1x128xf32>
    %squeeze3A_422 = vector.shape_cast %slice3A_421 : vector<128x1x128xf32> to vector<128x128xf32>
    %transpose3A_423 = tpu.transpose %squeeze3A_422, [1, 0] : vector<128x128xf32> -> vector<128x128xf32>
    %reshape3A_424 = vector.shape_cast %transpose3A_423 : vector<128x128xf32> to vector<2x8x8x128xf32>
    %slice3A_425 = vector.extract_strided_slice %reshape3A_424 {offsets = [0, 0, 0, 0], sizes = [1, 8, 8, 128], strides = [1, 1, 1, 1]} : vector<2x8x8x128xf32> to vector<1x8x8x128xf32>
    %squeeze3A_426 = vector.shape_cast %slice3A_425 : vector<1x8x8x128xf32> to vector<8x8x128xf32>
    %swap3A_427 = arith.constant 30 : index
    %swap3A_428 = arith.constant 0 : index
    %swap3A_429 = arith.constant 0 : index
    %swap3A_430 = arith.constant 0 : index
    %swap3A_431 = arith.constant 0 : index
    %swap3A_432 = vector.load %arg5[%swap3A_427, %swap3A_428, %swap3A_429, %swap3A_430, %swap3A_431] : memref<200x8x1x8x128xf32, #tpu.memory_space<vmem>>, vector<1x8x1x8x128xf32>
    %swap3A_433 = vector.shape_cast %swap3A_432 : vector<1x8x1x8x128xf32> to vector<8x8x128xf32>
    %swap3A_434 = vector.shape_cast %squeeze3A_426 : vector<8x8x128xf32> to vector<1x8x1x8x128xf32>
    tpu.vector_store %arg5[%swap3A_427, %swap3A_428, %swap3A_429, %swap3A_430, %swap3A_431], %swap3A_434 {strides = array<i32>} : memref<200x8x1x8x128xf32, #tpu.memory_space<vmem>>, vector<1x8x1x8x128xf32>,
    %slice3A_435 = vector.extract_strided_slice %reshape3A_424 {offsets = [1, 0, 0, 0], sizes = [1, 8, 8, 128], strides = [1, 1, 1, 1]} : vector<2x8x8x128xf32> to vector<1x8x8x128xf32>
    %squeeze3A_436 = vector.shape_cast %slice3A_435 : vector<1x8x8x128xf32> to vector<8x8x128xf32>
    %swap3A_437 = arith.constant 31 : index
    %swap3A_438 = arith.constant 0 : index
    %swap3A_439 = arith.constant 0 : index
    %swap3A_440 = arith.constant 0 : index
    %swap3A_441 = arith.constant 0 : index
    %swap3A_442 = vector.load %arg5[%swap3A_437, %swap3A_438, %swap3A_439, %swap3A_440, %swap3A_441] : memref<200x8x1x8x128xf32, #tpu.memory_space<vmem>>, vector<1x8x1x8x128xf32>
    %swap3A_443 = vector.shape_cast %swap3A_442 : vector<1x8x1x8x128xf32> to vector<8x8x128xf32>
    %swap3A_444 = vector.shape_cast %squeeze3A_436 : vector<8x8x128xf32> to vector<1x8x1x8x128xf32>
    tpu.vector_store %arg5[%swap3A_437, %swap3A_438, %swap3A_439, %swap3A_440, %swap3A_441], %swap3A_444 {strides = array<i32>} : memref<200x8x1x8x128xf32, #tpu.memory_space<vmem>>, vector<1x8x1x8x128xf32>,
    %slice3A_445 = vector.extract_strided_slice %add3A_63 {offsets = [0, 16, 0], sizes = [128, 1, 128], strides = [1, 1, 1]} : vector<128x100x128xf32> to vector<128x1x128xf32>
    %squeeze3A_446 = vector.shape_cast %slice3A_445 : vector<128x1x128xf32> to vector<128x128xf32>
    %transpose3A_447 = tpu.transpose %squeeze3A_446, [1, 0] : vector<128x128xf32> -> vector<128x128xf32>
    %reshape3A_448 = vector.shape_cast %transpose3A_447 : vector<128x128xf32> to vector<2x8x8x128xf32>
    %slice3A_449 = vector.extract_strided_slice %reshape3A_448 {offsets = [0, 0, 0, 0], sizes = [1, 8, 8, 128], strides = [1, 1, 1, 1]} : vector<2x8x8x128xf32> to vector<1x8x8x128xf32>
    %squeeze3A_450 = vector.shape_cast %slice3A_449 : vector<1x8x8x128xf32> to vector<8x8x128xf32>
    %swap3A_451 = arith.constant 32 : index
    %swap3A_452 = arith.constant 0 : index
    %swap3A_453 = arith.constant 0 : index
    %swap3A_454 = arith.constant 0 : index
    %swap3A_455 = arith.constant 0 : index
    %swap3A_456 = vector.load %arg5[%swap3A_451, %swap3A_452, %swap3A_453, %swap3A_454, %swap3A_455] : memref<200x8x1x8x128xf32, #tpu.memory_space<vmem>>, vector<1x8x1x8x128xf32>
    %swap3A_457 = vector.shape_cast %swap3A_456 : vector<1x8x1x8x128xf32> to vector<8x8x128xf32>
    %swap3A_458 = vector.shape_cast %squeeze3A_450 : vector<8x8x128xf32> to vector<1x8x1x8x128xf32>
    tpu.vector_store %arg5[%swap3A_451, %swap3A_452, %swap3A_453, %swap3A_454, %swap3A_455], %swap3A_458 {strides = array<i32>} : memref<200x8x1x8x128xf32, #tpu.memory_space<vmem>>, vector<1x8x1x8x128xf32>,
    %slice3A_459 = vector.extract_strided_slice %reshape3A_448 {offsets = [1, 0, 0, 0], sizes = [1, 8, 8, 128], strides = [1, 1, 1, 1]} : vector<2x8x8x128xf32> to vector<1x8x8x128xf32>
    %squeeze3A_460 = vector.shape_cast %slice3A_459 : vector<1x8x8x128xf32> to vector<8x8x128xf32>
    %swap3A_461 = arith.constant 33 : index
    %swap3A_462 = arith.constant 0 : index
    %swap3A_463 = arith.constant 0 : index
    %swap3A_464 = arith.constant 0 : index
    %swap3A_465 = arith.constant 0 : index
    %swap3A_466 = vector.load %arg5[%swap3A_461, %swap3A_462, %swap3A_463, %swap3A_464, %swap3A_465] : memref<200x8x1x8x128xf32, #tpu.memory_space<vmem>>, vector<1x8x1x8x128xf32>
    %swap3A_467 = vector.shape_cast %swap3A_466 : vector<1x8x1x8x128xf32> to vector<8x8x128xf32>
    %swap3A_468 = vector.shape_cast %squeeze3A_460 : vector<8x8x128xf32> to vector<1x8x1x8x128xf32>
    tpu.vector_store %arg5[%swap3A_461, %swap3A_462, %swap3A_463, %swap3A_464, %swap3A_465], %swap3A_468 {strides = array<i32>} : memref<200x8x1x8x128xf32, #tpu.memory_space<vmem>>, vector<1x8x1x8x128xf32>,
    %slice3A_469 = vector.extract_strided_slice %add3A_63 {offsets = [0, 17, 0], sizes = [128, 1, 128], strides = [1, 1, 1]} : vector<128x100x128xf32> to vector<128x1x128xf32>
    %squeeze3A_470 = vector.shape_cast %slice3A_469 : vector<128x1x128xf32> to vector<128x128xf32>
    %transpose3A_471 = tpu.transpose %squeeze3A_470, [1, 0] : vector<128x128xf32> -> vector<128x128xf32>
    %reshape3A_472 = vector.shape_cast %transpose3A_471 : vector<128x128xf32> to vector<2x8x8x128xf32>
    %slice3A_473 = vector.extract_strided_slice %reshape3A_472 {offsets = [0, 0, 0, 0], sizes = [1, 8, 8, 128], strides = [1, 1, 1, 1]} : vector<2x8x8x128xf32> to vector<1x8x8x128xf32>
    %squeeze3A_474 = vector.shape_cast %slice3A_473 : vector<1x8x8x128xf32> to vector<8x8x128xf32>
    %swap3A_475 = arith.constant 34 : index
    %swap3A_476 = arith.constant 0 : index
    %swap3A_477 = arith.constant 0 : index
    %swap3A_478 = arith.constant 0 : index
    %swap3A_479 = arith.constant 0 : index
    %swap3A_480 = vector.load %arg5[%swap3A_475, %swap3A_476, %swap3A_477, %swap3A_478, %swap3A_479] : memref<200x8x1x8x128xf32, #tpu.memory_space<vmem>>, vector<1x8x1x8x128xf32>
    %swap3A_481 = vector.shape_cast %swap3A_480 : vector<1x8x1x8x128xf32> to vector<8x8x128xf32>
    %swap3A_482 = vector.shape_cast %squeeze3A_474 : vector<8x8x128xf32> to vector<1x8x1x8x128xf32>
    tpu.vector_store %arg5[%swap3A_475, %swap3A_476, %swap3A_477, %swap3A_478, %swap3A_479], %swap3A_482 {strides = array<i32>} : memref<200x8x1x8x128xf32, #tpu.memory_space<vmem>>, vector<1x8x1x8x128xf32>,
    %slice3A_483 = vector.extract_strided_slice %reshape3A_472 {offsets = [1, 0, 0, 0], sizes = [1, 8, 8, 128], strides = [1, 1, 1, 1]} : vector<2x8x8x128xf32> to vector<1x8x8x128xf32>
    %squeeze3A_484 = vector.shape_cast %slice3A_483 : vector<1x8x8x128xf32> to vector<8x8x128xf32>
    %swap3A_485 = arith.constant 35 : index
    %swap3A_486 = arith.constant 0 : index
    %swap3A_487 = arith.constant 0 : index
    %swap3A_488 = arith.constant 0 : index
    %swap3A_489 = arith.constant 0 : index
    %swap3A_490 = vector.load %arg5[%swap3A_485, %swap3A_486, %swap3A_487, %swap3A_488, %swap3A_489] : memref<200x8x1x8x128xf32, #tpu.memory_space<vmem>>, vector<1x8x1x8x128xf32>
    %swap3A_491 = vector.shape_cast %swap3A_490 : vector<1x8x1x8x128xf32> to vector<8x8x128xf32>
    %swap3A_492 = vector.shape_cast %squeeze3A_484 : vector<8x8x128xf32> to vector<1x8x1x8x128xf32>
    tpu.vector_store %arg5[%swap3A_485, %swap3A_486, %swap3A_487, %swap3A_488, %swap3A_489], %swap3A_492 {strides = array<i32>} : memref<200x8x1x8x128xf32, #tpu.memory_space<vmem>>, vector<1x8x1x8x128xf32>,
    %slice3A_493 = vector.extract_strided_slice %add3A_63 {offsets = [0, 18, 0], sizes = [128, 1, 128], strides = [1, 1, 1]} : vector<128x100x128xf32> to vector<128x1x128xf32>
    %squeeze3A_494 = vector.shape_cast %slice3A_493 : vector<128x1x128xf32> to vector<128x128xf32>
    %transpose3A_495 = tpu.transpose %squeeze3A_494, [1, 0] : vector<128x128xf32> -> vector<128x128xf32>
    %reshape3A_496 = vector.shape_cast %transpose3A_495 : vector<128x128xf32> to vector<2x8x8x128xf32>
    %slice3A_497 = vector.extract_strided_slice %reshape3A_496 {offsets = [0, 0, 0, 0], sizes = [1, 8, 8, 128], strides = [1, 1, 1, 1]} : vector<2x8x8x128xf32> to vector<1x8x8x128xf32>
    %squeeze3A_498 = vector.shape_cast %slice3A_497 : vector<1x8x8x128xf32> to vector<8x8x128xf32>
    %swap3A_499 = arith.constant 36 : index
    %swap3A_500 = arith.constant 0 : index
    %swap3A_501 = arith.constant 0 : index
    %swap3A_502 = arith.constant 0 : index
    %swap3A_503 = arith.constant 0 : index
    %swap3A_504 = vector.load %arg5[%swap3A_499, %swap3A_500, %swap3A_501, %swap3A_502, %swap3A_503] : memref<200x8x1x8x128xf32, #tpu.memory_space<vmem>>, vector<1x8x1x8x128xf32>
    %swap3A_505 = vector.shape_cast %swap3A_504 : vector<1x8x1x8x128xf32> to vector<8x8x128xf32>
    %swap3A_506 = vector.shape_cast %squeeze3A_498 : vector<8x8x128xf32> to vector<1x8x1x8x128xf32>
    tpu.vector_store %arg5[%swap3A_499, %swap3A_500, %swap3A_501, %swap3A_502, %swap3A_503], %swap3A_506 {strides = array<i32>} : memref<200x8x1x8x128xf32, #tpu.memory_space<vmem>>, vector<1x8x1x8x128xf32>,
    %slice3A_507 = vector.extract_strided_slice %reshape3A_496 {offsets = [1, 0, 0, 0], sizes = [1, 8, 8, 128], strides = [1, 1, 1, 1]} : vector<2x8x8x128xf32> to vector<1x8x8x128xf32>
    %squeeze3A_508 = vector.shape_cast %slice3A_507 : vector<1x8x8x128xf32> to vector<8x8x128xf32>
    %swap3A_509 = arith.constant 37 : index
    %swap3A_510 = arith.constant 0 : index
    %swap3A_511 = arith.constant 0 : index
    %swap3A_512 = arith.constant 0 : index
    %swap3A_513 = arith.constant 0 : index
    %swap3A_514 = vector.load %arg5[%swap3A_509, %swap3A_510, %swap3A_511, %swap3A_512, %swap3A_513] : memref<200x8x1x8x128xf32, #tpu.memory_space<vmem>>, vector<1x8x1x8x128xf32>
    %swap3A_515 = vector.shape_cast %swap3A_514 : vector<1x8x1x8x128xf32> to vector<8x8x128xf32>
    %swap3A_516 = vector.shape_cast %squeeze3A_508 : vector<8x8x128xf32> to vector<1x8x1x8x128xf32>
    tpu.vector_store %arg5[%swap3A_509, %swap3A_510, %swap3A_511, %swap3A_512, %swap3A_513], %swap3A_516 {strides = array<i32>} : memref<200x8x1x8x128xf32, #tpu.memory_space<vmem>>, vector<1x8x1x8x128xf32>,
    %slice3A_517 = vector.extract_strided_slice %add3A_63 {offsets = [0, 19, 0], sizes = [128, 1, 128], strides = [1, 1, 1]} : vector<128x100x128xf32> to vector<128x1x128xf32>
    %squeeze3A_518 = vector.shape_cast %slice3A_517 : vector<128x1x128xf32> to vector<128x128xf32>
    %transpose3A_519 = tpu.transpose %squeeze3A_518, [1, 0] : vector<128x128xf32> -> vector<128x128xf32>
    %reshape3A_520 = vector.shape_cast %transpose3A_519 : vector<128x128xf32> to vector<2x8x8x128xf32>
    %slice3A_521 = vector.extract_strided_slice %reshape3A_520 {offsets = [0, 0, 0, 0], sizes = [1, 8, 8, 128], strides = [1, 1, 1, 1]} : vector<2x8x8x128xf32> to vector<1x8x8x128xf32>
    %squeeze3A_522 = vector.shape_cast %slice3A_521 : vector<1x8x8x128xf32> to vector<8x8x128xf32>
    %swap3A_523 = arith.constant 38 : index
    %swap3A_524 = arith.constant 0 : index
    %swap3A_525 = arith.constant 0 : index
    %swap3A_526 = arith.constant 0 : index
    %swap3A_527 = arith.constant 0 : index
    %swap3A_528 = vector.load %arg5[%swap3A_523, %swap3A_524, %swap3A_525, %swap3A_526, %swap3A_527] : memref<200x8x1x8x128xf32, #tpu.memory_space<vmem>>, vector<1x8x1x8x128xf32>
    %swap3A_529 = vector.shape_cast %swap3A_528 : vector<1x8x1x8x128xf32> to vector<8x8x128xf32>
    %swap3A_530 = vector.shape_cast %squeeze3A_522 : vector<8x8x128xf32> to vector<1x8x1x8x128xf32>
    tpu.vector_store %arg5[%swap3A_523, %swap3A_524, %swap3A_525, %swap3A_526, %swap3A_527], %swap3A_530 {strides = array<i32>} : memref<200x8x1x8x128xf32, #tpu.memory_space<vmem>>, vector<1x8x1x8x128xf32>,
    %slice3A_531 = vector.extract_strided_slice %reshape3A_520 {offsets = [1, 0, 0, 0], sizes = [1, 8, 8, 128], strides = [1, 1, 1, 1]} : vector<2x8x8x128xf32> to vector<1x8x8x128xf32>
    %squeeze3A_532 = vector.shape_cast %slice3A_531 : vector<1x8x8x128xf32> to vector<8x8x128xf32>
    %swap3A_533 = arith.constant 39 : index
    %swap3A_534 = arith.constant 0 : index
    %swap3A_535 = arith.constant 0 : index
    %swap3A_536 = arith.constant 0 : index
    %swap3A_537 = arith.constant 0 : index
    %swap3A_538 = vector.load %arg5[%swap3A_533, %swap3A_534, %swap3A_535, %swap3A_536, %swap3A_537] : memref<200x8x1x8x128xf32, #tpu.memory_space<vmem>>, vector<1x8x1x8x128xf32>
    %swap3A_539 = vector.shape_cast %swap3A_538 : vector<1x8x1x8x128xf32> to vector<8x8x128xf32>
    %swap3A_540 = vector.shape_cast %squeeze3A_532 : vector<8x8x128xf32> to vector<1x8x1x8x128xf32>
    tpu.vector_store %arg5[%swap3A_533, %swap3A_534, %swap3A_535, %swap3A_536, %swap3A_537], %swap3A_540 {strides = array<i32>} : memref<200x8x1x8x128xf32, #tpu.memory_space<vmem>>, vector<1x8x1x8x128xf32>,
    %slice3A_541 = vector.extract_strided_slice %add3A_63 {offsets = [0, 20, 0], sizes = [128, 1, 128], strides = [1, 1, 1]} : vector<128x100x128xf32> to vector<128x1x128xf32>
    %squeeze3A_542 = vector.shape_cast %slice3A_541 : vector<128x1x128xf32> to vector<128x128xf32>
    %transpose3A_543 = tpu.transpose %squeeze3A_542, [1, 0] : vector<128x128xf32> -> vector<128x128xf32>
    %reshape3A_544 = vector.shape_cast %transpose3A_543 : vector<128x128xf32> to vector<2x8x8x128xf32>
    %slice3A_545 = vector.extract_strided_slice %reshape3A_544 {offsets = [0, 0, 0, 0], sizes = [1, 8, 8, 128], strides = [1, 1, 1, 1]} : vector<2x8x8x128xf32> to vector<1x8x8x128xf32>
    %squeeze3A_546 = vector.shape_cast %slice3A_545 : vector<1x8x8x128xf32> to vector<8x8x128xf32>
    %swap3A_547 = arith.constant 40 : index
    %swap3A_548 = arith.constant 0 : index
    %swap3A_549 = arith.constant 0 : index
    %swap3A_550 = arith.constant 0 : index
    %swap3A_551 = arith.constant 0 : index
    %swap3A_552 = vector.load %arg5[%swap3A_547, %swap3A_548, %swap3A_549, %swap3A_550, %swap3A_551] : memref<200x8x1x8x128xf32, #tpu.memory_space<vmem>>, vector<1x8x1x8x128xf32>
    %swap3A_553 = vector.shape_cast %swap3A_552 : vector<1x8x1x8x128xf32> to vector<8x8x128xf32>
    %swap3A_554 = vector.shape_cast %squeeze3A_546 : vector<8x8x128xf32> to vector<1x8x1x8x128xf32>
    tpu.vector_store %arg5[%swap3A_547, %swap3A_548, %swap3A_549, %swap3A_550, %swap3A_551], %swap3A_554 {strides = array<i32>} : memref<200x8x1x8x128xf32, #tpu.memory_space<vmem>>, vector<1x8x1x8x128xf32>,
    %slice3A_555 = vector.extract_strided_slice %reshape3A_544 {offsets = [1, 0, 0, 0], sizes = [1, 8, 8, 128], strides = [1, 1, 1, 1]} : vector<2x8x8x128xf32> to vector<1x8x8x128xf32>
    %squeeze3A_556 = vector.shape_cast %slice3A_555 : vector<1x8x8x128xf32> to vector<8x8x128xf32>
    %swap3A_557 = arith.constant 41 : index
    %swap3A_558 = arith.constant 0 : index
    %swap3A_559 = arith.constant 0 : index
    %swap3A_560 = arith.constant 0 : index
    %swap3A_561 = arith.constant 0 : index
    %swap3A_562 = vector.load %arg5[%swap3A_557, %swap3A_558, %swap3A_559, %swap3A_560, %swap3A_561] : memref<200x8x1x8x128xf32, #tpu.memory_space<vmem>>, vector<1x8x1x8x128xf32>
    %swap3A_563 = vector.shape_cast %swap3A_562 : vector<1x8x1x8x128xf32> to vector<8x8x128xf32>
    %swap3A_564 = vector.shape_cast %squeeze3A_556 : vector<8x8x128xf32> to vector<1x8x1x8x128xf32>
    tpu.vector_store %arg5[%swap3A_557, %swap3A_558, %swap3A_559, %swap3A_560, %swap3A_561], %swap3A_564 {strides = array<i32>} : memref<200x8x1x8x128xf32, #tpu.memory_space<vmem>>, vector<1x8x1x8x128xf32>,
    %slice3A_565 = vector.extract_strided_slice %add3A_63 {offsets = [0, 21, 0], sizes = [128, 1, 128], strides = [1, 1, 1]} : vector<128x100x128xf32> to vector<128x1x128xf32>
    %squeeze3A_566 = vector.shape_cast %slice3A_565 : vector<128x1x128xf32> to vector<128x128xf32>
    %transpose3A_567 = tpu.transpose %squeeze3A_566, [1, 0] : vector<128x128xf32> -> vector<128x128xf32>
    %reshape3A_568 = vector.shape_cast %transpose3A_567 : vector<128x128xf32> to vector<2x8x8x128xf32>
    %slice3A_569 = vector.extract_strided_slice %reshape3A_568 {offsets = [0, 0, 0, 0], sizes = [1, 8, 8, 128], strides = [1, 1, 1, 1]} : vector<2x8x8x128xf32> to vector<1x8x8x128xf32>
    %squeeze3A_570 = vector.shape_cast %slice3A_569 : vector<1x8x8x128xf32> to vector<8x8x128xf32>
    %swap3A_571 = arith.constant 42 : index
    %swap3A_572 = arith.constant 0 : index
    %swap3A_573 = arith.constant 0 : index
    %swap3A_574 = arith.constant 0 : index
    %swap3A_575 = arith.constant 0 : index
    %swap3A_576 = vector.load %arg5[%swap3A_571, %swap3A_572, %swap3A_573, %swap3A_574, %swap3A_575] : memref<200x8x1x8x128xf32, #tpu.memory_space<vmem>>, vector<1x8x1x8x128xf32>
    %swap3A_577 = vector.shape_cast %swap3A_576 : vector<1x8x1x8x128xf32> to vector<8x8x128xf32>
    %swap3A_578 = vector.shape_cast %squeeze3A_570 : vector<8x8x128xf32> to vector<1x8x1x8x128xf32>
    tpu.vector_store %arg5[%swap3A_571, %swap3A_572, %swap3A_573, %swap3A_574, %swap3A_575], %swap3A_578 {strides = array<i32>} : memref<200x8x1x8x128xf32, #tpu.memory_space<vmem>>, vector<1x8x1x8x128xf32>,
    %slice3A_579 = vector.extract_strided_slice %reshape3A_568 {offsets = [1, 0, 0, 0], sizes = [1, 8, 8, 128], strides = [1, 1, 1, 1]} : vector<2x8x8x128xf32> to vector<1x8x8x128xf32>
    %squeeze3A_580 = vector.shape_cast %slice3A_579 : vector<1x8x8x128xf32> to vector<8x8x128xf32>
    %swap3A_581 = arith.constant 43 : index
    %swap3A_582 = arith.constant 0 : index
    %swap3A_583 = arith.constant 0 : index
    %swap3A_584 = arith.constant 0 : index
    %swap3A_585 = arith.constant 0 : index
    %swap3A_586 = vector.load %arg5[%swap3A_581, %swap3A_582, %swap3A_583, %swap3A_584, %swap3A_585] : memref<200x8x1x8x128xf32, #tpu.memory_space<vmem>>, vector<1x8x1x8x128xf32>
    %swap3A_587 = vector.shape_cast %swap3A_586 : vector<1x8x1x8x128xf32> to vector<8x8x128xf32>
    %swap3A_588 = vector.shape_cast %squeeze3A_580 : vector<8x8x128xf32> to vector<1x8x1x8x128xf32>
    tpu.vector_store %arg5[%swap3A_581, %swap3A_582, %swap3A_583, %swap3A_584, %swap3A_585], %swap3A_588 {strides = array<i32>} : memref<200x8x1x8x128xf32, #tpu.memory_space<vmem>>, vector<1x8x1x8x128xf32>,
    %slice3A_589 = vector.extract_strided_slice %add3A_63 {offsets = [0, 22, 0], sizes = [128, 1, 128], strides = [1, 1, 1]} : vector<128x100x128xf32> to vector<128x1x128xf32>
    %squeeze3A_590 = vector.shape_cast %slice3A_589 : vector<128x1x128xf32> to vector<128x128xf32>
    %transpose3A_591 = tpu.transpose %squeeze3A_590, [1, 0] : vector<128x128xf32> -> vector<128x128xf32>
    %reshape3A_592 = vector.shape_cast %transpose3A_591 : vector<128x128xf32> to vector<2x8x8x128xf32>
    %slice3A_593 = vector.extract_strided_slice %reshape3A_592 {offsets = [0, 0, 0, 0], sizes = [1, 8, 8, 128], strides = [1, 1, 1, 1]} : vector<2x8x8x128xf32> to vector<1x8x8x128xf32>
    %squeeze3A_594 = vector.shape_cast %slice3A_593 : vector<1x8x8x128xf32> to vector<8x8x128xf32>
    %swap3A_595 = arith.constant 44 : index
    %swap3A_596 = arith.constant 0 : index
    %swap3A_597 = arith.constant 0 : index
    %swap3A_598 = arith.constant 0 : index
    %swap3A_599 = arith.constant 0 : index
    %swap3A_600 = vector.load %arg5[%swap3A_595, %swap3A_596, %swap3A_597, %swap3A_598, %swap3A_599] : memref<200x8x1x8x128xf32, #tpu.memory_space<vmem>>, vector<1x8x1x8x128xf32>
    %swap3A_601 = vector.shape_cast %swap3A_600 : vector<1x8x1x8x128xf32> to vector<8x8x128xf32>
    %swap3A_602 = vector.shape_cast %squeeze3A_594 : vector<8x8x128xf32> to vector<1x8x1x8x128xf32>
    tpu.vector_store %arg5[%swap3A_595, %swap3A_596, %swap3A_597, %swap3A_598, %swap3A_599], %swap3A_602 {strides = array<i32>} : memref<200x8x1x8x128xf32, #tpu.memory_space<vmem>>, vector<1x8x1x8x128xf32>,
    %slice3A_603 = vector.extract_strided_slice %reshape3A_592 {offsets = [1, 0, 0, 0], sizes = [1, 8, 8, 128], strides = [1, 1, 1, 1]} : vector<2x8x8x128xf32> to vector<1x8x8x128xf32>
    %squeeze3A_604 = vector.shape_cast %slice3A_603 : vector<1x8x8x128xf32> to vector<8x8x128xf32>
    %swap3A_605 = arith.constant 45 : index
    %swap3A_606 = arith.constant 0 : index
    %swap3A_607 = arith.constant 0 : index
    %swap3A_608 = arith.constant 0 : index
    %swap3A_609 = arith.constant 0 : index
    %swap3A_610 = vector.load %arg5[%swap3A_605, %swap3A_606, %swap3A_607, %swap3A_608, %swap3A_609] : memref<200x8x1x8x128xf32, #tpu.memory_space<vmem>>, vector<1x8x1x8x128xf32>
    %swap3A_611 = vector.shape_cast %swap3A_610 : vector<1x8x1x8x128xf32> to vector<8x8x128xf32>
    %swap3A_612 = vector.shape_cast %squeeze3A_604 : vector<8x8x128xf32> to vector<1x8x1x8x128xf32>
    tpu.vector_store %arg5[%swap3A_605, %swap3A_606, %swap3A_607, %swap3A_608, %swap3A_609], %swap3A_612 {strides = array<i32>} : memref<200x8x1x8x128xf32, #tpu.memory_space<vmem>>, vector<1x8x1x8x128xf32>,
    %slice3A_613 = vector.extract_strided_slice %add3A_63 {offsets = [0, 23, 0], sizes = [128, 1, 128], strides = [1, 1, 1]} : vector<128x100x128xf32> to vector<128x1x128xf32>
    %squeeze3A_614 = vector.shape_cast %slice3A_613 : vector<128x1x128xf32> to vector<128x128xf32>
    %transpose3A_615 = tpu.transpose %squeeze3A_614, [1, 0] : vector<128x128xf32> -> vector<128x128xf32>
    %reshape3A_616 = vector.shape_cast %transpose3A_615 : vector<128x128xf32> to vector<2x8x8x128xf32>
    %slice3A_617 = vector.extract_strided_slice %reshape3A_616 {offsets = [0, 0, 0, 0], sizes = [1, 8, 8, 128], strides = [1, 1, 1, 1]} : vector<2x8x8x128xf32> to vector<1x8x8x128xf32>
    %squeeze3A_618 = vector.shape_cast %slice3A_617 : vector<1x8x8x128xf32> to vector<8x8x128xf32>
    %swap3A_619 = arith.constant 46 : index
    %swap3A_620 = arith.constant 0 : index
    %swap3A_621 = arith.constant 0 : index
    %swap3A_622 = arith.constant 0 : index
    %swap3A_623 = arith.constant 0 : index
    %swap3A_624 = vector.load %arg5[%swap3A_619, %swap3A_620, %swap3A_621, %swap3A_622, %swap3A_623] : memref<200x8x1x8x128xf32, #tpu.memory_space<vmem>>, vector<1x8x1x8x128xf32>
    %swap3A_625 = vector.shape_cast %swap3A_624 : vector<1x8x1x8x128xf32> to vector<8x8x128xf32>
    %swap3A_626 = vector.shape_cast %squeeze3A_618 : vector<8x8x128xf32> to vector<1x8x1x8x128xf32>
    tpu.vector_store %arg5[%swap3A_619, %swap3A_620, %swap3A_621, %swap3A_622, %swap3A_623], %swap3A_626 {strides = array<i32>} : memref<200x8x1x8x128xf32, #tpu.memory_space<vmem>>, vector<1x8x1x8x128xf32>,
    %slice3A_627 = vector.extract_strided_slice %reshape3A_616 {offsets = [1, 0, 0, 0], sizes = [1, 8, 8, 128], strides = [1, 1, 1, 1]} : vector<2x8x8x128xf32> to vector<1x8x8x128xf32>
    %squeeze3A_628 = vector.shape_cast %slice3A_627 : vector<1x8x8x128xf32> to vector<8x8x128xf32>
    %swap3A_629 = arith.constant 47 : index
    %swap3A_630 = arith.constant 0 : index
    %swap3A_631 = arith.constant 0 : index
    %swap3A_632 = arith.constant 0 : index
    %swap3A_633 = arith.constant 0 : index
    %swap3A_634 = vector.load %arg5[%swap3A_629, %swap3A_630, %swap3A_631, %swap3A_632, %swap3A_633] : memref<200x8x1x8x128xf32, #tpu.memory_space<vmem>>, vector<1x8x1x8x128xf32>
    %swap3A_635 = vector.shape_cast %swap3A_634 : vector<1x8x1x8x128xf32> to vector<8x8x128xf32>
    %swap3A_636 = vector.shape_cast %squeeze3A_628 : vector<8x8x128xf32> to vector<1x8x1x8x128xf32>
    tpu.vector_store %arg5[%swap3A_629, %swap3A_630, %swap3A_631, %swap3A_632, %swap3A_633], %swap3A_636 {strides = array<i32>} : memref<200x8x1x8x128xf32, #tpu.memory_space<vmem>>, vector<1x8x1x8x128xf32>,
    %slice3A_637 = vector.extract_strided_slice %add3A_63 {offsets = [0, 24, 0], sizes = [128, 1, 128], strides = [1, 1, 1]} : vector<128x100x128xf32> to vector<128x1x128xf32>
    %squeeze3A_638 = vector.shape_cast %slice3A_637 : vector<128x1x128xf32> to vector<128x128xf32>
    %transpose3A_639 = tpu.transpose %squeeze3A_638, [1, 0] : vector<128x128xf32> -> vector<128x128xf32>
    %reshape3A_640 = vector.shape_cast %transpose3A_639 : vector<128x128xf32> to vector<2x8x8x128xf32>
    %slice3A_641 = vector.extract_strided_slice %reshape3A_640 {offsets = [0, 0, 0, 0], sizes = [1, 8, 8, 128], strides = [1, 1, 1, 1]} : vector<2x8x8x128xf32> to vector<1x8x8x128xf32>
    %squeeze3A_642 = vector.shape_cast %slice3A_641 : vector<1x8x8x128xf32> to vector<8x8x128xf32>
    %swap3A_643 = arith.constant 48 : index
    %swap3A_644 = arith.constant 0 : index
    %swap3A_645 = arith.constant 0 : index
    %swap3A_646 = arith.constant 0 : index
    %swap3A_647 = arith.constant 0 : index
    %swap3A_648 = vector.load %arg5[%swap3A_643, %swap3A_644, %swap3A_645, %swap3A_646, %swap3A_647] : memref<200x8x1x8x128xf32, #tpu.memory_space<vmem>>, vector<1x8x1x8x128xf32>
    %swap3A_649 = vector.shape_cast %swap3A_648 : vector<1x8x1x8x128xf32> to vector<8x8x128xf32>
    %swap3A_650 = vector.shape_cast %squeeze3A_642 : vector<8x8x128xf32> to vector<1x8x1x8x128xf32>
    tpu.vector_store %arg5[%swap3A_643, %swap3A_644, %swap3A_645, %swap3A_646, %swap3A_647], %swap3A_650 {strides = array<i32>} : memref<200x8x1x8x128xf32, #tpu.memory_space<vmem>>, vector<1x8x1x8x128xf32>,
    %slice3A_651 = vector.extract_strided_slice %reshape3A_640 {offsets = [1, 0, 0, 0], sizes = [1, 8, 8, 128], strides = [1, 1, 1, 1]} : vector<2x8x8x128xf32> to vector<1x8x8x128xf32>
    %squeeze3A_652 = vector.shape_cast %slice3A_651 : vector<1x8x8x128xf32> to vector<8x8x128xf32>
    %swap3A_653 = arith.constant 49 : index
    %swap3A_654 = arith.constant 0 : index
    %swap3A_655 = arith.constant 0 : index
    %swap3A_656 = arith.constant 0 : index
    %swap3A_657 = arith.constant 0 : index
    %swap3A_658 = vector.load %arg5[%swap3A_653, %swap3A_654, %swap3A_655, %swap3A_656, %swap3A_657] : memref<200x8x1x8x128xf32, #tpu.memory_space<vmem>>, vector<1x8x1x8x128xf32>
    %swap3A_659 = vector.shape_cast %swap3A_658 : vector<1x8x1x8x128xf32> to vector<8x8x128xf32>
    %swap3A_660 = vector.shape_cast %squeeze3A_652 : vector<8x8x128xf32> to vector<1x8x1x8x128xf32>
    tpu.vector_store %arg5[%swap3A_653, %swap3A_654, %swap3A_655, %swap3A_656, %swap3A_657], %swap3A_660 {strides = array<i32>} : memref<200x8x1x8x128xf32, #tpu.memory_space<vmem>>, vector<1x8x1x8x128xf32>,
    %slice3A_661 = vector.extract_strided_slice %add3A_63 {offsets = [0, 25, 0], sizes = [128, 1, 128], strides = [1, 1, 1]} : vector<128x100x128xf32> to vector<128x1x128xf32>
    %squeeze3A_662 = vector.shape_cast %slice3A_661 : vector<128x1x128xf32> to vector<128x128xf32>
    %transpose3A_663 = tpu.transpose %squeeze3A_662, [1, 0] : vector<128x128xf32> -> vector<128x128xf32>
    %reshape3A_664 = vector.shape_cast %transpose3A_663 : vector<128x128xf32> to vector<2x8x8x128xf32>
    %slice3A_665 = vector.extract_strided_slice %reshape3A_664 {offsets = [0, 0, 0, 0], sizes = [1, 8, 8, 128], strides = [1, 1, 1, 1]} : vector<2x8x8x128xf32> to vector<1x8x8x128xf32>
    %squeeze3A_666 = vector.shape_cast %slice3A_665 : vector<1x8x8x128xf32> to vector<8x8x128xf32>
    %swap3A_667 = arith.constant 50 : index
    %swap3A_668 = arith.constant 0 : index
    %swap3A_669 = arith.constant 0 : index
    %swap3A_670 = arith.constant 0 : index
    %swap3A_671 = arith.constant 0 : index
    %swap3A_672 = vector.load %arg5[%swap3A_667, %swap3A_668, %swap3A_669, %swap3A_670, %swap3A_671] : memref<200x8x1x8x128xf32, #tpu.memory_space<vmem>>, vector<1x8x1x8x128xf32>
    %swap3A_673 = vector.shape_cast %swap3A_672 : vector<1x8x1x8x128xf32> to vector<8x8x128xf32>
    %swap3A_674 = vector.shape_cast %squeeze3A_666 : vector<8x8x128xf32> to vector<1x8x1x8x128xf32>
    tpu.vector_store %arg5[%swap3A_667, %swap3A_668, %swap3A_669, %swap3A_670, %swap3A_671], %swap3A_674 {strides = array<i32>} : memref<200x8x1x8x128xf32, #tpu.memory_space<vmem>>, vector<1x8x1x8x128xf32>,
    %slice3A_675 = vector.extract_strided_slice %reshape3A_664 {offsets = [1, 0, 0, 0], sizes = [1, 8, 8, 128], strides = [1, 1, 1, 1]} : vector<2x8x8x128xf32> to vector<1x8x8x128xf32>
    %squeeze3A_676 = vector.shape_cast %slice3A_675 : vector<1x8x8x128xf32> to vector<8x8x128xf32>
    %swap3A_677 = arith.constant 51 : index
    %swap3A_678 = arith.constant 0 : index
    %swap3A_679 = arith.constant 0 : index
    %swap3A_680 = arith.constant 0 : index
    %swap3A_681 = arith.constant 0 : index
    %swap3A_682 = vector.load %arg5[%swap3A_677, %swap3A_678, %swap3A_679, %swap3A_680, %swap3A_681] : memref<200x8x1x8x128xf32, #tpu.memory_space<vmem>>, vector<1x8x1x8x128xf32>
    %swap3A_683 = vector.shape_cast %swap3A_682 : vector<1x8x1x8x128xf32> to vector<8x8x128xf32>
    %swap3A_684 = vector.shape_cast %squeeze3A_676 : vector<8x8x128xf32> to vector<1x8x1x8x128xf32>
    tpu.vector_store %arg5[%swap3A_677, %swap3A_678, %swap3A_679, %swap3A_680, %swap3A_681], %swap3A_684 {strides = array<i32>} : memref<200x8x1x8x128xf32, #tpu.memory_space<vmem>>, vector<1x8x1x8x128xf32>,
    %slice3A_685 = vector.extract_strided_slice %add3A_63 {offsets = [0, 26, 0], sizes = [128, 1, 128], strides = [1, 1, 1]} : vector<128x100x128xf32> to vector<128x1x128xf32>
    %squeeze3A_686 = vector.shape_cast %slice3A_685 : vector<128x1x128xf32> to vector<128x128xf32>
    %transpose3A_687 = tpu.transpose %squeeze3A_686, [1, 0] : vector<128x128xf32> -> vector<128x128xf32>
    %reshape3A_688 = vector.shape_cast %transpose3A_687 : vector<128x128xf32> to vector<2x8x8x128xf32>
    %slice3A_689 = vector.extract_strided_slice %reshape3A_688 {offsets = [0, 0, 0, 0], sizes = [1, 8, 8, 128], strides = [1, 1, 1, 1]} : vector<2x8x8x128xf32> to vector<1x8x8x128xf32>
    %squeeze3A_690 = vector.shape_cast %slice3A_689 : vector<1x8x8x128xf32> to vector<8x8x128xf32>
    %swap3A_691 = arith.constant 52 : index
    %swap3A_692 = arith.constant 0 : index
    %swap3A_693 = arith.constant 0 : index
    %swap3A_694 = arith.constant 0 : index
    %swap3A_695 = arith.constant 0 : index
    %swap3A_696 = vector.load %arg5[%swap3A_691, %swap3A_692, %swap3A_693, %swap3A_694, %swap3A_695] : memref<200x8x1x8x128xf32, #tpu.memory_space<vmem>>, vector<1x8x1x8x128xf32>
    %swap3A_697 = vector.shape_cast %swap3A_696 : vector<1x8x1x8x128xf32> to vector<8x8x128xf32>
    %swap3A_698 = vector.shape_cast %squeeze3A_690 : vector<8x8x128xf32> to vector<1x8x1x8x128xf32>
    tpu.vector_store %arg5[%swap3A_691, %swap3A_692, %swap3A_693, %swap3A_694, %swap3A_695], %swap3A_698 {strides = array<i32>} : memref<200x8x1x8x128xf32, #tpu.memory_space<vmem>>, vector<1x8x1x8x128xf32>,
    %slice3A_699 = vector.extract_strided_slice %reshape3A_688 {offsets = [1, 0, 0, 0], sizes = [1, 8, 8, 128], strides = [1, 1, 1, 1]} : vector<2x8x8x128xf32> to vector<1x8x8x128xf32>
    %squeeze3A_700 = vector.shape_cast %slice3A_699 : vector<1x8x8x128xf32> to vector<8x8x128xf32>
    %swap3A_701 = arith.constant 53 : index
    %swap3A_702 = arith.constant 0 : index
    %swap3A_703 = arith.constant 0 : index
    %swap3A_704 = arith.constant 0 : index
    %swap3A_705 = arith.constant 0 : index
    %swap3A_706 = vector.load %arg5[%swap3A_701, %swap3A_702, %swap3A_703, %swap3A_704, %swap3A_705] : memref<200x8x1x8x128xf32, #tpu.memory_space<vmem>>, vector<1x8x1x8x128xf32>
    %swap3A_707 = vector.shape_cast %swap3A_706 : vector<1x8x1x8x128xf32> to vector<8x8x128xf32>
    %swap3A_708 = vector.shape_cast %squeeze3A_700 : vector<8x8x128xf32> to vector<1x8x1x8x128xf32>
    tpu.vector_store %arg5[%swap3A_701, %swap3A_702, %swap3A_703, %swap3A_704, %swap3A_705], %swap3A_708 {strides = array<i32>} : memref<200x8x1x8x128xf32, #tpu.memory_space<vmem>>, vector<1x8x1x8x128xf32>,
    %slice3A_709 = vector.extract_strided_slice %add3A_63 {offsets = [0, 27, 0], sizes = [128, 1, 128], strides = [1, 1, 1]} : vector<128x100x128xf32> to vector<128x1x128xf32>
    %squeeze3A_710 = vector.shape_cast %slice3A_709 : vector<128x1x128xf32> to vector<128x128xf32>
    %transpose3A_711 = tpu.transpose %squeeze3A_710, [1, 0] : vector<128x128xf32> -> vector<128x128xf32>
    %reshape3A_712 = vector.shape_cast %transpose3A_711 : vector<128x128xf32> to vector<2x8x8x128xf32>
    %slice3A_713 = vector.extract_strided_slice %reshape3A_712 {offsets = [0, 0, 0, 0], sizes = [1, 8, 8, 128], strides = [1, 1, 1, 1]} : vector<2x8x8x128xf32> to vector<1x8x8x128xf32>
    %squeeze3A_714 = vector.shape_cast %slice3A_713 : vector<1x8x8x128xf32> to vector<8x8x128xf32>
    %swap3A_715 = arith.constant 54 : index
    %swap3A_716 = arith.constant 0 : index
    %swap3A_717 = arith.constant 0 : index
    %swap3A_718 = arith.constant 0 : index
    %swap3A_719 = arith.constant 0 : index
    %swap3A_720 = vector.load %arg5[%swap3A_715, %swap3A_716, %swap3A_717, %swap3A_718, %swap3A_719] : memref<200x8x1x8x128xf32, #tpu.memory_space<vmem>>, vector<1x8x1x8x128xf32>
    %swap3A_721 = vector.shape_cast %swap3A_720 : vector<1x8x1x8x128xf32> to vector<8x8x128xf32>
    %swap3A_722 = vector.shape_cast %squeeze3A_714 : vector<8x8x128xf32> to vector<1x8x1x8x128xf32>
    tpu.vector_store %arg5[%swap3A_715, %swap3A_716, %swap3A_717, %swap3A_718, %swap3A_719], %swap3A_722 {strides = array<i32>} : memref<200x8x1x8x128xf32, #tpu.memory_space<vmem>>, vector<1x8x1x8x128xf32>,
    %slice3A_723 = vector.extract_strided_slice %reshape3A_712 {offsets = [1, 0, 0, 0], sizes = [1, 8, 8, 128], strides = [1, 1, 1, 1]} : vector<2x8x8x128xf32> to vector<1x8x8x128xf32>
    %squeeze3A_724 = vector.shape_cast %slice3A_723 : vector<1x8x8x128xf32> to vector<8x8x128xf32>
    %swap3A_725 = arith.constant 55 : index
    %swap3A_726 = arith.constant 0 : index
    %swap3A_727 = arith.constant 0 : index
    %swap3A_728 = arith.constant 0 : index
    %swap3A_729 = arith.constant 0 : index
    %swap3A_730 = vector.load %arg5[%swap3A_725, %swap3A_726, %swap3A_727, %swap3A_728, %swap3A_729] : memref<200x8x1x8x128xf32, #tpu.memory_space<vmem>>, vector<1x8x1x8x128xf32>
    %swap3A_731 = vector.shape_cast %swap3A_730 : vector<1x8x1x8x128xf32> to vector<8x8x128xf32>
    %swap3A_732 = vector.shape_cast %squeeze3A_724 : vector<8x8x128xf32> to vector<1x8x1x8x128xf32>
    tpu.vector_store %arg5[%swap3A_725, %swap3A_726, %swap3A_727, %swap3A_728, %swap3A_729], %swap3A_732 {strides = array<i32>} : memref<200x8x1x8x128xf32, #tpu.memory_space<vmem>>, vector<1x8x1x8x128xf32>,
    %slice3A_733 = vector.extract_strided_slice %add3A_63 {offsets = [0, 28, 0], sizes = [128, 1, 128], strides = [1, 1, 1]} : vector<128x100x128xf32> to vector<128x1x128xf32>
    %squeeze3A_734 = vector.shape_cast %slice3A_733 : vector<128x1x128xf32> to vector<128x128xf32>
    %transpose3A_735 = tpu.transpose %squeeze3A_734, [1, 0] : vector<128x128xf32> -> vector<128x128xf32>
    %reshape3A_736 = vector.shape_cast %transpose3A_735 : vector<128x128xf32> to vector<2x8x8x128xf32>
    %slice3A_737 = vector.extract_strided_slice %reshape3A_736 {offsets = [0, 0, 0, 0], sizes = [1, 8, 8, 128], strides = [1, 1, 1, 1]} : vector<2x8x8x128xf32> to vector<1x8x8x128xf32>
    %squeeze3A_738 = vector.shape_cast %slice3A_737 : vector<1x8x8x128xf32> to vector<8x8x128xf32>
    %swap3A_739 = arith.constant 56 : index
    %swap3A_740 = arith.constant 0 : index
    %swap3A_741 = arith.constant 0 : index
    %swap3A_742 = arith.constant 0 : index
    %swap3A_743 = arith.constant 0 : index
    %swap3A_744 = vector.load %arg5[%swap3A_739, %swap3A_740, %swap3A_741, %swap3A_742, %swap3A_743] : memref<200x8x1x8x128xf32, #tpu.memory_space<vmem>>, vector<1x8x1x8x128xf32>
    %swap3A_745 = vector.shape_cast %swap3A_744 : vector<1x8x1x8x128xf32> to vector<8x8x128xf32>
    %swap3A_746 = vector.shape_cast %squeeze3A_738 : vector<8x8x128xf32> to vector<1x8x1x8x128xf32>
    tpu.vector_store %arg5[%swap3A_739, %swap3A_740, %swap3A_741, %swap3A_742, %swap3A_743], %swap3A_746 {strides = array<i32>} : memref<200x8x1x8x128xf32, #tpu.memory_space<vmem>>, vector<1x8x1x8x128xf32>,
    %slice3A_747 = vector.extract_strided_slice %reshape3A_736 {offsets = [1, 0, 0, 0], sizes = [1, 8, 8, 128], strides = [1, 1, 1, 1]} : vector<2x8x8x128xf32> to vector<1x8x8x128xf32>
    %squeeze3A_748 = vector.shape_cast %slice3A_747 : vector<1x8x8x128xf32> to vector<8x8x128xf32>
    %swap3A_749 = arith.constant 57 : index
    %swap3A_750 = arith.constant 0 : index
    %swap3A_751 = arith.constant 0 : index
    %swap3A_752 = arith.constant 0 : index
    %swap3A_753 = arith.constant 0 : index
    %swap3A_754 = vector.load %arg5[%swap3A_749, %swap3A_750, %swap3A_751, %swap3A_752, %swap3A_753] : memref<200x8x1x8x128xf32, #tpu.memory_space<vmem>>, vector<1x8x1x8x128xf32>
    %swap3A_755 = vector.shape_cast %swap3A_754 : vector<1x8x1x8x128xf32> to vector<8x8x128xf32>
    %swap3A_756 = vector.shape_cast %squeeze3A_748 : vector<8x8x128xf32> to vector<1x8x1x8x128xf32>
    tpu.vector_store %arg5[%swap3A_749, %swap3A_750, %swap3A_751, %swap3A_752, %swap3A_753], %swap3A_756 {strides = array<i32>} : memref<200x8x1x8x128xf32, #tpu.memory_space<vmem>>, vector<1x8x1x8x128xf32>,
    %slice3A_757 = vector.extract_strided_slice %add3A_63 {offsets = [0, 29, 0], sizes = [128, 1, 128], strides = [1, 1, 1]} : vector<128x100x128xf32> to vector<128x1x128xf32>
    %squeeze3A_758 = vector.shape_cast %slice3A_757 : vector<128x1x128xf32> to vector<128x128xf32>
    %transpose3A_759 = tpu.transpose %squeeze3A_758, [1, 0] : vector<128x128xf32> -> vector<128x128xf32>
    %reshape3A_760 = vector.shape_cast %transpose3A_759 : vector<128x128xf32> to vector<2x8x8x128xf32>
    %slice3A_761 = vector.extract_strided_slice %reshape3A_760 {offsets = [0, 0, 0, 0], sizes = [1, 8, 8, 128], strides = [1, 1, 1, 1]} : vector<2x8x8x128xf32> to vector<1x8x8x128xf32>
    %squeeze3A_762 = vector.shape_cast %slice3A_761 : vector<1x8x8x128xf32> to vector<8x8x128xf32>
    %swap3A_763 = arith.constant 58 : index
    %swap3A_764 = arith.constant 0 : index
    %swap3A_765 = arith.constant 0 : index
    %swap3A_766 = arith.constant 0 : index
    %swap3A_767 = arith.constant 0 : index
    %swap3A_768 = vector.load %arg5[%swap3A_763, %swap3A_764, %swap3A_765, %swap3A_766, %swap3A_767] : memref<200x8x1x8x128xf32, #tpu.memory_space<vmem>>, vector<1x8x1x8x128xf32>
    %swap3A_769 = vector.shape_cast %swap3A_768 : vector<1x8x1x8x128xf32> to vector<8x8x128xf32>
    %swap3A_770 = vector.shape_cast %squeeze3A_762 : vector<8x8x128xf32> to vector<1x8x1x8x128xf32>
    tpu.vector_store %arg5[%swap3A_763, %swap3A_764, %swap3A_765, %swap3A_766, %swap3A_767], %swap3A_770 {strides = array<i32>} : memref<200x8x1x8x128xf32, #tpu.memory_space<vmem>>, vector<1x8x1x8x128xf32>,
    %slice3A_771 = vector.extract_strided_slice %reshape3A_760 {offsets = [1, 0, 0, 0], sizes = [1, 8, 8, 128], strides = [1, 1, 1, 1]} : vector<2x8x8x128xf32> to vector<1x8x8x128xf32>
    %squeeze3A_772 = vector.shape_cast %slice3A_771 : vector<1x8x8x128xf32> to vector<8x8x128xf32>
    %swap3A_773 = arith.constant 59 : index
    %swap3A_774 = arith.constant 0 : index
    %swap3A_775 = arith.constant 0 : index
    %swap3A_776 = arith.constant 0 : index
    %swap3A_777 = arith.constant 0 : index
    %swap3A_778 = vector.load %arg5[%swap3A_773, %swap3A_774, %swap3A_775, %swap3A_776, %swap3A_777] : memref<200x8x1x8x128xf32, #tpu.memory_space<vmem>>, vector<1x8x1x8x128xf32>
    %swap3A_779 = vector.shape_cast %swap3A_778 : vector<1x8x1x8x128xf32> to vector<8x8x128xf32>
    %swap3A_780 = vector.shape_cast %squeeze3A_772 : vector<8x8x128xf32> to vector<1x8x1x8x128xf32>
    tpu.vector_store %arg5[%swap3A_773, %swap3A_774, %swap3A_775, %swap3A_776, %swap3A_777], %swap3A_780 {strides = array<i32>} : memref<200x8x1x8x128xf32, #tpu.memory_space<vmem>>, vector<1x8x1x8x128xf32>,
    %slice3A_781 = vector.extract_strided_slice %add3A_63 {offsets = [0, 30, 0], sizes = [128, 1, 128], strides = [1, 1, 1]} : vector<128x100x128xf32> to vector<128x1x128xf32>
    %squeeze3A_782 = vector.shape_cast %slice3A_781 : vector<128x1x128xf32> to vector<128x128xf32>
    %transpose3A_783 = tpu.transpose %squeeze3A_782, [1, 0] : vector<128x128xf32> -> vector<128x128xf32>
    %reshape3A_784 = vector.shape_cast %transpose3A_783 : vector<128x128xf32> to vector<2x8x8x128xf32>
    %slice3A_785 = vector.extract_strided_slice %reshape3A_784 {offsets = [0, 0, 0, 0], sizes = [1, 8, 8, 128], strides = [1, 1, 1, 1]} : vector<2x8x8x128xf32> to vector<1x8x8x128xf32>
    %squeeze3A_786 = vector.shape_cast %slice3A_785 : vector<1x8x8x128xf32> to vector<8x8x128xf32>
    %swap3A_787 = arith.constant 60 : index
    %swap3A_788 = arith.constant 0 : index
    %swap3A_789 = arith.constant 0 : index
    %swap3A_790 = arith.constant 0 : index
    %swap3A_791 = arith.constant 0 : index
    %swap3A_792 = vector.load %arg5[%swap3A_787, %swap3A_788, %swap3A_789, %swap3A_790, %swap3A_791] : memref<200x8x1x8x128xf32, #tpu.memory_space<vmem>>, vector<1x8x1x8x128xf32>
    %swap3A_793 = vector.shape_cast %swap3A_792 : vector<1x8x1x8x128xf32> to vector<8x8x128xf32>
    %swap3A_794 = vector.shape_cast %squeeze3A_786 : vector<8x8x128xf32> to vector<1x8x1x8x128xf32>
    tpu.vector_store %arg5[%swap3A_787, %swap3A_788, %swap3A_789, %swap3A_790, %swap3A_791], %swap3A_794 {strides = array<i32>} : memref<200x8x1x8x128xf32, #tpu.memory_space<vmem>>, vector<1x8x1x8x128xf32>,
    %slice3A_795 = vector.extract_strided_slice %reshape3A_784 {offsets = [1, 0, 0, 0], sizes = [1, 8, 8, 128], strides = [1, 1, 1, 1]} : vector<2x8x8x128xf32> to vector<1x8x8x128xf32>
    %squeeze3A_796 = vector.shape_cast %slice3A_795 : vector<1x8x8x128xf32> to vector<8x8x128xf32>
    %swap3A_797 = arith.constant 61 : index
    %swap3A_798 = arith.constant 0 : index
    %swap3A_799 = arith.constant 0 : index
    %swap3A_800 = arith.constant 0 : index
    %swap3A_801 = arith.constant 0 : index
    %swap3A_802 = vector.load %arg5[%swap3A_797, %swap3A_798, %swap3A_799, %swap3A_800, %swap3A_801] : memref<200x8x1x8x128xf32, #tpu.memory_space<vmem>>, vector<1x8x1x8x128xf32>
    %swap3A_803 = vector.shape_cast %swap3A_802 : vector<1x8x1x8x128xf32> to vector<8x8x128xf32>
    %swap3A_804 = vector.shape_cast %squeeze3A_796 : vector<8x8x128xf32> to vector<1x8x1x8x128xf32>
    tpu.vector_store %arg5[%swap3A_797, %swap3A_798, %swap3A_799, %swap3A_800, %swap3A_801], %swap3A_804 {strides = array<i32>} : memref<200x8x1x8x128xf32, #tpu.memory_space<vmem>>, vector<1x8x1x8x128xf32>,
    %slice3A_805 = vector.extract_strided_slice %add3A_63 {offsets = [0, 31, 0], sizes = [128, 1, 128], strides = [1, 1, 1]} : vector<128x100x128xf32> to vector<128x1x128xf32>
    %squeeze3A_806 = vector.shape_cast %slice3A_805 : vector<128x1x128xf32> to vector<128x128xf32>
    %transpose3A_807 = tpu.transpose %squeeze3A_806, [1, 0] : vector<128x128xf32> -> vector<128x128xf32>
    %reshape3A_808 = vector.shape_cast %transpose3A_807 : vector<128x128xf32> to vector<2x8x8x128xf32>
    %slice3A_809 = vector.extract_strided_slice %reshape3A_808 {offsets = [0, 0, 0, 0], sizes = [1, 8, 8, 128], strides = [1, 1, 1, 1]} : vector<2x8x8x128xf32> to vector<1x8x8x128xf32>
    %squeeze3A_810 = vector.shape_cast %slice3A_809 : vector<1x8x8x128xf32> to vector<8x8x128xf32>
    %swap3A_811 = arith.constant 62 : index
    %swap3A_812 = arith.constant 0 : index
    %swap3A_813 = arith.constant 0 : index
    %swap3A_814 = arith.constant 0 : index
    %swap3A_815 = arith.constant 0 : index
    %swap3A_816 = vector.load %arg5[%swap3A_811, %swap3A_812, %swap3A_813, %swap3A_814, %swap3A_815] : memref<200x8x1x8x128xf32, #tpu.memory_space<vmem>>, vector<1x8x1x8x128xf32>
    %swap3A_817 = vector.shape_cast %swap3A_816 : vector<1x8x1x8x128xf32> to vector<8x8x128xf32>
    %swap3A_818 = vector.shape_cast %squeeze3A_810 : vector<8x8x128xf32> to vector<1x8x1x8x128xf32>
    tpu.vector_store %arg5[%swap3A_811, %swap3A_812, %swap3A_813, %swap3A_814, %swap3A_815], %swap3A_818 {strides = array<i32>} : memref<200x8x1x8x128xf32, #tpu.memory_space<vmem>>, vector<1x8x1x8x128xf32>,
    %slice3A_819 = vector.extract_strided_slice %reshape3A_808 {offsets = [1, 0, 0, 0], sizes = [1, 8, 8, 128], strides = [1, 1, 1, 1]} : vector<2x8x8x128xf32> to vector<1x8x8x128xf32>
    %squeeze3A_820 = vector.shape_cast %slice3A_819 : vector<1x8x8x128xf32> to vector<8x8x128xf32>
    %swap3A_821 = arith.constant 63 : index
    %swap3A_822 = arith.constant 0 : index
    %swap3A_823 = arith.constant 0 : index
    %swap3A_824 = arith.constant 0 : index
    %swap3A_825 = arith.constant 0 : index
    %swap3A_826 = vector.load %arg5[%swap3A_821, %swap3A_822, %swap3A_823, %swap3A_824, %swap3A_825] : memref<200x8x1x8x128xf32, #tpu.memory_space<vmem>>, vector<1x8x1x8x128xf32>
    %swap3A_827 = vector.shape_cast %swap3A_826 : vector<1x8x1x8x128xf32> to vector<8x8x128xf32>
    %swap3A_828 = vector.shape_cast %squeeze3A_820 : vector<8x8x128xf32> to vector<1x8x1x8x128xf32>
    tpu.vector_store %arg5[%swap3A_821, %swap3A_822, %swap3A_823, %swap3A_824, %swap3A_825], %swap3A_828 {strides = array<i32>} : memref<200x8x1x8x128xf32, #tpu.memory_space<vmem>>, vector<1x8x1x8x128xf32>,
    %slice3A_829 = vector.extract_strided_slice %add3A_63 {offsets = [0, 32, 0], sizes = [128, 1, 128], strides = [1, 1, 1]} : vector<128x100x128xf32> to vector<128x1x128xf32>
    %squeeze3A_830 = vector.shape_cast %slice3A_829 : vector<128x1x128xf32> to vector<128x128xf32>
    %transpose3A_831 = tpu.transpose %squeeze3A_830, [1, 0] : vector<128x128xf32> -> vector<128x128xf32>
    %reshape3A_832 = vector.shape_cast %transpose3A_831 : vector<128x128xf32> to vector<2x8x8x128xf32>
    %slice3A_833 = vector.extract_strided_slice %reshape3A_832 {offsets = [0, 0, 0, 0], sizes = [1, 8, 8, 128], strides = [1, 1, 1, 1]} : vector<2x8x8x128xf32> to vector<1x8x8x128xf32>
    %squeeze3A_834 = vector.shape_cast %slice3A_833 : vector<1x8x8x128xf32> to vector<8x8x128xf32>
    %swap3A_835 = arith.constant 64 : index
    %swap3A_836 = arith.constant 0 : index
    %swap3A_837 = arith.constant 0 : index
    %swap3A_838 = arith.constant 0 : index
    %swap3A_839 = arith.constant 0 : index
    %swap3A_840 = vector.load %arg5[%swap3A_835, %swap3A_836, %swap3A_837, %swap3A_838, %swap3A_839] : memref<200x8x1x8x128xf32, #tpu.memory_space<vmem>>, vector<1x8x1x8x128xf32>
    %swap3A_841 = vector.shape_cast %swap3A_840 : vector<1x8x1x8x128xf32> to vector<8x8x128xf32>
    %swap3A_842 = vector.shape_cast %squeeze3A_834 : vector<8x8x128xf32> to vector<1x8x1x8x128xf32>
    tpu.vector_store %arg5[%swap3A_835, %swap3A_836, %swap3A_837, %swap3A_838, %swap3A_839], %swap3A_842 {strides = array<i32>} : memref<200x8x1x8x128xf32, #tpu.memory_space<vmem>>, vector<1x8x1x8x128xf32>,
    %slice3A_843 = vector.extract_strided_slice %reshape3A_832 {offsets = [1, 0, 0, 0], sizes = [1, 8, 8, 128], strides = [1, 1, 1, 1]} : vector<2x8x8x128xf32> to vector<1x8x8x128xf32>
    %squeeze3A_844 = vector.shape_cast %slice3A_843 : vector<1x8x8x128xf32> to vector<8x8x128xf32>
    %swap3A_845 = arith.constant 65 : index
    %swap3A_846 = arith.constant 0 : index
    %swap3A_847 = arith.constant 0 : index
    %swap3A_848 = arith.constant 0 : index
    %swap3A_849 = arith.constant 0 : index
    %swap3A_850 = vector.load %arg5[%swap3A_845, %swap3A_846, %swap3A_847, %swap3A_848, %swap3A_849] : memref<200x8x1x8x128xf32, #tpu.memory_space<vmem>>, vector<1x8x1x8x128xf32>
    %swap3A_851 = vector.shape_cast %swap3A_850 : vector<1x8x1x8x128xf32> to vector<8x8x128xf32>
    %swap3A_852 = vector.shape_cast %squeeze3A_844 : vector<8x8x128xf32> to vector<1x8x1x8x128xf32>
    tpu.vector_store %arg5[%swap3A_845, %swap3A_846, %swap3A_847, %swap3A_848, %swap3A_849], %swap3A_852 {strides = array<i32>} : memref<200x8x1x8x128xf32, #tpu.memory_space<vmem>>, vector<1x8x1x8x128xf32>,
    %slice3A_853 = vector.extract_strided_slice %add3A_63 {offsets = [0, 33, 0], sizes = [128, 1, 128], strides = [1, 1, 1]} : vector<128x100x128xf32> to vector<128x1x128xf32>
    %squeeze3A_854 = vector.shape_cast %slice3A_853 : vector<128x1x128xf32> to vector<128x128xf32>
    %transpose3A_855 = tpu.transpose %squeeze3A_854, [1, 0] : vector<128x128xf32> -> vector<128x128xf32>
    %reshape3A_856 = vector.shape_cast %transpose3A_855 : vector<128x128xf32> to vector<2x8x8x128xf32>
    %slice3A_857 = vector.extract_strided_slice %reshape3A_856 {offsets = [0, 0, 0, 0], sizes = [1, 8, 8, 128], strides = [1, 1, 1, 1]} : vector<2x8x8x128xf32> to vector<1x8x8x128xf32>
    %squeeze3A_858 = vector.shape_cast %slice3A_857 : vector<1x8x8x128xf32> to vector<8x8x128xf32>
    %swap3A_859 = arith.constant 66 : index
    %swap3A_860 = arith.constant 0 : index
    %swap3A_861 = arith.constant 0 : index
    %swap3A_862 = arith.constant 0 : index
    %swap3A_863 = arith.constant 0 : index
    %swap3A_864 = vector.load %arg5[%swap3A_859, %swap3A_860, %swap3A_861, %swap3A_862, %swap3A_863] : memref<200x8x1x8x128xf32, #tpu.memory_space<vmem>>, vector<1x8x1x8x128xf32>
    %swap3A_865 = vector.shape_cast %swap3A_864 : vector<1x8x1x8x128xf32> to vector<8x8x128xf32>
    %swap3A_866 = vector.shape_cast %squeeze3A_858 : vector<8x8x128xf32> to vector<1x8x1x8x128xf32>
    tpu.vector_store %arg5[%swap3A_859, %swap3A_860, %swap3A_861, %swap3A_862, %swap3A_863], %swap3A_866 {strides = array<i32>} : memref<200x8x1x8x128xf32, #tpu.memory_space<vmem>>, vector<1x8x1x8x128xf32>,
    %slice3A_867 = vector.extract_strided_slice %reshape3A_856 {offsets = [1, 0, 0, 0], sizes = [1, 8, 8, 128], strides = [1, 1, 1, 1]} : vector<2x8x8x128xf32> to vector<1x8x8x128xf32>
    %squeeze3A_868 = vector.shape_cast %slice3A_867 : vector<1x8x8x128xf32> to vector<8x8x128xf32>
    %swap3A_869 = arith.constant 67 : index
    %swap3A_870 = arith.constant 0 : index
    %swap3A_871 = arith.constant 0 : index
    %swap3A_872 = arith.constant 0 : index
    %swap3A_873 = arith.constant 0 : index
    %swap3A_874 = vector.load %arg5[%swap3A_869, %swap3A_870, %swap3A_871, %swap3A_872, %swap3A_873] : memref<200x8x1x8x128xf32, #tpu.memory_space<vmem>>, vector<1x8x1x8x128xf32>
    %swap3A_875 = vector.shape_cast %swap3A_874 : vector<1x8x1x8x128xf32> to vector<8x8x128xf32>
    %swap3A_876 = vector.shape_cast %squeeze3A_868 : vector<8x8x128xf32> to vector<1x8x1x8x128xf32>
    tpu.vector_store %arg5[%swap3A_869, %swap3A_870, %swap3A_871, %swap3A_872, %swap3A_873], %swap3A_876 {strides = array<i32>} : memref<200x8x1x8x128xf32, #tpu.memory_space<vmem>>, vector<1x8x1x8x128xf32>,
    %slice3A_877 = vector.extract_strided_slice %add3A_63 {offsets = [0, 34, 0], sizes = [128, 1, 128], strides = [1, 1, 1]} : vector<128x100x128xf32> to vector<128x1x128xf32>
    %squeeze3A_878 = vector.shape_cast %slice3A_877 : vector<128x1x128xf32> to vector<128x128xf32>
    %transpose3A_879 = tpu.transpose %squeeze3A_878, [1, 0] : vector<128x128xf32> -> vector<128x128xf32>
    %reshape3A_880 = vector.shape_cast %transpose3A_879 : vector<128x128xf32> to vector<2x8x8x128xf32>
    %slice3A_881 = vector.extract_strided_slice %reshape3A_880 {offsets = [0, 0, 0, 0], sizes = [1, 8, 8, 128], strides = [1, 1, 1, 1]} : vector<2x8x8x128xf32> to vector<1x8x8x128xf32>
    %squeeze3A_882 = vector.shape_cast %slice3A_881 : vector<1x8x8x128xf32> to vector<8x8x128xf32>
    %swap3A_883 = arith.constant 68 : index
    %swap3A_884 = arith.constant 0 : index
    %swap3A_885 = arith.constant 0 : index
    %swap3A_886 = arith.constant 0 : index
    %swap3A_887 = arith.constant 0 : index
    %swap3A_888 = vector.load %arg5[%swap3A_883, %swap3A_884, %swap3A_885, %swap3A_886, %swap3A_887] : memref<200x8x1x8x128xf32, #tpu.memory_space<vmem>>, vector<1x8x1x8x128xf32>
    %swap3A_889 = vector.shape_cast %swap3A_888 : vector<1x8x1x8x128xf32> to vector<8x8x128xf32>
    %swap3A_890 = vector.shape_cast %squeeze3A_882 : vector<8x8x128xf32> to vector<1x8x1x8x128xf32>
    tpu.vector_store %arg5[%swap3A_883, %swap3A_884, %swap3A_885, %swap3A_886, %swap3A_887], %swap3A_890 {strides = array<i32>} : memref<200x8x1x8x128xf32, #tpu.memory_space<vmem>>, vector<1x8x1x8x128xf32>,
    %slice3A_891 = vector.extract_strided_slice %reshape3A_880 {offsets = [1, 0, 0, 0], sizes = [1, 8, 8, 128], strides = [1, 1, 1, 1]} : vector<2x8x8x128xf32> to vector<1x8x8x128xf32>
    %squeeze3A_892 = vector.shape_cast %slice3A_891 : vector<1x8x8x128xf32> to vector<8x8x128xf32>
    %swap3A_893 = arith.constant 69 : index
    %swap3A_894 = arith.constant 0 : index
    %swap3A_895 = arith.constant 0 : index
    %swap3A_896 = arith.constant 0 : index
    %swap3A_897 = arith.constant 0 : index
    %swap3A_898 = vector.load %arg5[%swap3A_893, %swap3A_894, %swap3A_895, %swap3A_896, %swap3A_897] : memref<200x8x1x8x128xf32, #tpu.memory_space<vmem>>, vector<1x8x1x8x128xf32>
    %swap3A_899 = vector.shape_cast %swap3A_898 : vector<1x8x1x8x128xf32> to vector<8x8x128xf32>
    %swap3A_900 = vector.shape_cast %squeeze3A_892 : vector<8x8x128xf32> to vector<1x8x1x8x128xf32>
    tpu.vector_store %arg5[%swap3A_893, %swap3A_894, %swap3A_895, %swap3A_896, %swap3A_897], %swap3A_900 {strides = array<i32>} : memref<200x8x1x8x128xf32, #tpu.memory_space<vmem>>, vector<1x8x1x8x128xf32>,
    %slice3A_901 = vector.extract_strided_slice %add3A_63 {offsets = [0, 35, 0], sizes = [128, 1, 128], strides = [1, 1, 1]} : vector<128x100x128xf32> to vector<128x1x128xf32>
    %squeeze3A_902 = vector.shape_cast %slice3A_901 : vector<128x1x128xf32> to vector<128x128xf32>
    %transpose3A_903 = tpu.transpose %squeeze3A_902, [1, 0] : vector<128x128xf32> -> vector<128x128xf32>
    %reshape3A_904 = vector.shape_cast %transpose3A_903 : vector<128x128xf32> to vector<2x8x8x128xf32>
    %slice3A_905 = vector.extract_strided_slice %reshape3A_904 {offsets = [0, 0, 0, 0], sizes = [1, 8, 8, 128], strides = [1, 1, 1, 1]} : vector<2x8x8x128xf32> to vector<1x8x8x128xf32>
    %squeeze3A_906 = vector.shape_cast %slice3A_905 : vector<1x8x8x128xf32> to vector<8x8x128xf32>
    %swap3A_907 = arith.constant 70 : index
    %swap3A_908 = arith.constant 0 : index
    %swap3A_909 = arith.constant 0 : index
    %swap3A_910 = arith.constant 0 : index
    %swap3A_911 = arith.constant 0 : index
    %swap3A_912 = vector.load %arg5[%swap3A_907, %swap3A_908, %swap3A_909, %swap3A_910, %swap3A_911] : memref<200x8x1x8x128xf32, #tpu.memory_space<vmem>>, vector<1x8x1x8x128xf32>
    %swap3A_913 = vector.shape_cast %swap3A_912 : vector<1x8x1x8x128xf32> to vector<8x8x128xf32>
    %swap3A_914 = vector.shape_cast %squeeze3A_906 : vector<8x8x128xf32> to vector<1x8x1x8x128xf32>
    tpu.vector_store %arg5[%swap3A_907, %swap3A_908, %swap3A_909, %swap3A_910, %swap3A_911], %swap3A_914 {strides = array<i32>} : memref<200x8x1x8x128xf32, #tpu.memory_space<vmem>>, vector<1x8x1x8x128xf32>,
    %slice3A_915 = vector.extract_strided_slice %reshape3A_904 {offsets = [1, 0, 0, 0], sizes = [1, 8, 8, 128], strides = [1, 1, 1, 1]} : vector<2x8x8x128xf32> to vector<1x8x8x128xf32>
    %squeeze3A_916 = vector.shape_cast %slice3A_915 : vector<1x8x8x128xf32> to vector<8x8x128xf32>
    %swap3A_917 = arith.constant 71 : index
    %swap3A_918 = arith.constant 0 : index
    %swap3A_919 = arith.constant 0 : index
    %swap3A_920 = arith.constant 0 : index
    %swap3A_921 = arith.constant 0 : index
    %swap3A_922 = vector.load %arg5[%swap3A_917, %swap3A_918, %swap3A_919, %swap3A_920, %swap3A_921] : memref<200x8x1x8x128xf32, #tpu.memory_space<vmem>>, vector<1x8x1x8x128xf32>
    %swap3A_923 = vector.shape_cast %swap3A_922 : vector<1x8x1x8x128xf32> to vector<8x8x128xf32>
    %swap3A_924 = vector.shape_cast %squeeze3A_916 : vector<8x8x128xf32> to vector<1x8x1x8x128xf32>
    tpu.vector_store %arg5[%swap3A_917, %swap3A_918, %swap3A_919, %swap3A_920, %swap3A_921], %swap3A_924 {strides = array<i32>} : memref<200x8x1x8x128xf32, #tpu.memory_space<vmem>>, vector<1x8x1x8x128xf32>,
    %slice3A_925 = vector.extract_strided_slice %add3A_63 {offsets = [0, 36, 0], sizes = [128, 1, 128], strides = [1, 1, 1]} : vector<128x100x128xf32> to vector<128x1x128xf32>
    %squeeze3A_926 = vector.shape_cast %slice3A_925 : vector<128x1x128xf32> to vector<128x128xf32>
    %transpose3A_927 = tpu.transpose %squeeze3A_926, [1, 0] : vector<128x128xf32> -> vector<128x128xf32>
    %reshape3A_928 = vector.shape_cast %transpose3A_927 : vector<128x128xf32> to vector<2x8x8x128xf32>
    %slice3A_929 = vector.extract_strided_slice %reshape3A_928 {offsets = [0, 0, 0, 0], sizes = [1, 8, 8, 128], strides = [1, 1, 1, 1]} : vector<2x8x8x128xf32> to vector<1x8x8x128xf32>
    %squeeze3A_930 = vector.shape_cast %slice3A_929 : vector<1x8x8x128xf32> to vector<8x8x128xf32>
    %swap3A_931 = arith.constant 72 : index
    %swap3A_932 = arith.constant 0 : index
    %swap3A_933 = arith.constant 0 : index
    %swap3A_934 = arith.constant 0 : index
    %swap3A_935 = arith.constant 0 : index
    %swap3A_936 = vector.load %arg5[%swap3A_931, %swap3A_932, %swap3A_933, %swap3A_934, %swap3A_935] : memref<200x8x1x8x128xf32, #tpu.memory_space<vmem>>, vector<1x8x1x8x128xf32>
    %swap3A_937 = vector.shape_cast %swap3A_936 : vector<1x8x1x8x128xf32> to vector<8x8x128xf32>
    %swap3A_938 = vector.shape_cast %squeeze3A_930 : vector<8x8x128xf32> to vector<1x8x1x8x128xf32>
    tpu.vector_store %arg5[%swap3A_931, %swap3A_932, %swap3A_933, %swap3A_934, %swap3A_935], %swap3A_938 {strides = array<i32>} : memref<200x8x1x8x128xf32, #tpu.memory_space<vmem>>, vector<1x8x1x8x128xf32>,
    %slice3A_939 = vector.extract_strided_slice %reshape3A_928 {offsets = [1, 0, 0, 0], sizes = [1, 8, 8, 128], strides = [1, 1, 1, 1]} : vector<2x8x8x128xf32> to vector<1x8x8x128xf32>
    %squeeze3A_940 = vector.shape_cast %slice3A_939 : vector<1x8x8x128xf32> to vector<8x8x128xf32>
    %swap3A_941 = arith.constant 73 : index
    %swap3A_942 = arith.constant 0 : index
    %swap3A_943 = arith.constant 0 : index
    %swap3A_944 = arith.constant 0 : index
    %swap3A_945 = arith.constant 0 : index
    %swap3A_946 = vector.load %arg5[%swap3A_941, %swap3A_942, %swap3A_943, %swap3A_944, %swap3A_945] : memref<200x8x1x8x128xf32, #tpu.memory_space<vmem>>, vector<1x8x1x8x128xf32>
    %swap3A_947 = vector.shape_cast %swap3A_946 : vector<1x8x1x8x128xf32> to vector<8x8x128xf32>
    %swap3A_948 = vector.shape_cast %squeeze3A_940 : vector<8x8x128xf32> to vector<1x8x1x8x128xf32>
    tpu.vector_store %arg5[%swap3A_941, %swap3A_942, %swap3A_943, %swap3A_944, %swap3A_945], %swap3A_948 {strides = array<i32>} : memref<200x8x1x8x128xf32, #tpu.memory_space<vmem>>, vector<1x8x1x8x128xf32>,
    %slice3A_949 = vector.extract_strided_slice %add3A_63 {offsets = [0, 37, 0], sizes = [128, 1, 128], strides = [1, 1, 1]} : vector<128x100x128xf32> to vector<128x1x128xf32>
    %squeeze3A_950 = vector.shape_cast %slice3A_949 : vector<128x1x128xf32> to vector<128x128xf32>
    %transpose3A_951 = tpu.transpose %squeeze3A_950, [1, 0] : vector<128x128xf32> -> vector<128x128xf32>
    %reshape3A_952 = vector.shape_cast %transpose3A_951 : vector<128x128xf32> to vector<2x8x8x128xf32>
    %slice3A_953 = vector.extract_strided_slice %reshape3A_952 {offsets = [0, 0, 0, 0], sizes = [1, 8, 8, 128], strides = [1, 1, 1, 1]} : vector<2x8x8x128xf32> to vector<1x8x8x128xf32>
    %squeeze3A_954 = vector.shape_cast %slice3A_953 : vector<1x8x8x128xf32> to vector<8x8x128xf32>
    %swap3A_955 = arith.constant 74 : index
    %swap3A_956 = arith.constant 0 : index
    %swap3A_957 = arith.constant 0 : index
    %swap3A_958 = arith.constant 0 : index
    %swap3A_959 = arith.constant 0 : index
    %swap3A_960 = vector.load %arg5[%swap3A_955, %swap3A_956, %swap3A_957, %swap3A_958, %swap3A_959] : memref<200x8x1x8x128xf32, #tpu.memory_space<vmem>>, vector<1x8x1x8x128xf32>
    %swap3A_961 = vector.shape_cast %swap3A_960 : vector<1x8x1x8x128xf32> to vector<8x8x128xf32>
    %swap3A_962 = vector.shape_cast %squeeze3A_954 : vector<8x8x128xf32> to vector<1x8x1x8x128xf32>
    tpu.vector_store %arg5[%swap3A_955, %swap3A_956, %swap3A_957, %swap3A_958, %swap3A_959], %swap3A_962 {strides = array<i32>} : memref<200x8x1x8x128xf32, #tpu.memory_space<vmem>>, vector<1x8x1x8x128xf32>,
    %slice3A_963 = vector.extract_strided_slice %reshape3A_952 {offsets = [1, 0, 0, 0], sizes = [1, 8, 8, 128], strides = [1, 1, 1, 1]} : vector<2x8x8x128xf32> to vector<1x8x8x128xf32>
    %squeeze3A_964 = vector.shape_cast %slice3A_963 : vector<1x8x8x128xf32> to vector<8x8x128xf32>
    %swap3A_965 = arith.constant 75 : index
    %swap3A_966 = arith.constant 0 : index
    %swap3A_967 = arith.constant 0 : index
    %swap3A_968 = arith.constant 0 : index
    %swap3A_969 = arith.constant 0 : index
    %swap3A_970 = vector.load %arg5[%swap3A_965, %swap3A_966, %swap3A_967, %swap3A_968, %swap3A_969] : memref<200x8x1x8x128xf32, #tpu.memory_space<vmem>>, vector<1x8x1x8x128xf32>
    %swap3A_971 = vector.shape_cast %swap3A_970 : vector<1x8x1x8x128xf32> to vector<8x8x128xf32>
    %swap3A_972 = vector.shape_cast %squeeze3A_964 : vector<8x8x128xf32> to vector<1x8x1x8x128xf32>
    tpu.vector_store %arg5[%swap3A_965, %swap3A_966, %swap3A_967, %swap3A_968, %swap3A_969], %swap3A_972 {strides = array<i32>} : memref<200x8x1x8x128xf32, #tpu.memory_space<vmem>>, vector<1x8x1x8x128xf32>,
    %slice3A_973 = vector.extract_strided_slice %add3A_63 {offsets = [0, 38, 0], sizes = [128, 1, 128], strides = [1, 1, 1]} : vector<128x100x128xf32> to vector<128x1x128xf32>
    %squeeze3A_974 = vector.shape_cast %slice3A_973 : vector<128x1x128xf32> to vector<128x128xf32>
    %transpose3A_975 = tpu.transpose %squeeze3A_974, [1, 0] : vector<128x128xf32> -> vector<128x128xf32>
    %reshape3A_976 = vector.shape_cast %transpose3A_975 : vector<128x128xf32> to vector<2x8x8x128xf32>
    %slice3A_977 = vector.extract_strided_slice %reshape3A_976 {offsets = [0, 0, 0, 0], sizes = [1, 8, 8, 128], strides = [1, 1, 1, 1]} : vector<2x8x8x128xf32> to vector<1x8x8x128xf32>
    %squeeze3A_978 = vector.shape_cast %slice3A_977 : vector<1x8x8x128xf32> to vector<8x8x128xf32>
    %swap3A_979 = arith.constant 76 : index
    %swap3A_980 = arith.constant 0 : index
    %swap3A_981 = arith.constant 0 : index
    %swap3A_982 = arith.constant 0 : index
    %swap3A_983 = arith.constant 0 : index
    %swap3A_984 = vector.load %arg5[%swap3A_979, %swap3A_980, %swap3A_981, %swap3A_982, %swap3A_983] : memref<200x8x1x8x128xf32, #tpu.memory_space<vmem>>, vector<1x8x1x8x128xf32>
    %swap3A_985 = vector.shape_cast %swap3A_984 : vector<1x8x1x8x128xf32> to vector<8x8x128xf32>
    %swap3A_986 = vector.shape_cast %squeeze3A_978 : vector<8x8x128xf32> to vector<1x8x1x8x128xf32>
    tpu.vector_store %arg5[%swap3A_979, %swap3A_980, %swap3A_981, %swap3A_982, %swap3A_983], %swap3A_986 {strides = array<i32>} : memref<200x8x1x8x128xf32, #tpu.memory_space<vmem>>, vector<1x8x1x8x128xf32>,
    %slice3A_987 = vector.extract_strided_slice %reshape3A_976 {offsets = [1, 0, 0, 0], sizes = [1, 8, 8, 128], strides = [1, 1, 1, 1]} : vector<2x8x8x128xf32> to vector<1x8x8x128xf32>
    %squeeze3A_988 = vector.shape_cast %slice3A_987 : vector<1x8x8x128xf32> to vector<8x8x128xf32>
    %swap3A_989 = arith.constant 77 : index
    %swap3A_990 = arith.constant 0 : index
    %swap3A_991 = arith.constant 0 : index
    %swap3A_992 = arith.constant 0 : index
    %swap3A_993 = arith.constant 0 : index
    %swap3A_994 = vector.load %arg5[%swap3A_989, %swap3A_990, %swap3A_991, %swap3A_992, %swap3A_993] : memref<200x8x1x8x128xf32, #tpu.memory_space<vmem>>, vector<1x8x1x8x128xf32>
    %swap3A_995 = vector.shape_cast %swap3A_994 : vector<1x8x1x8x128xf32> to vector<8x8x128xf32>
    %swap3A_996 = vector.shape_cast %squeeze3A_988 : vector<8x8x128xf32> to vector<1x8x1x8x128xf32>
    tpu.vector_store %arg5[%swap3A_989, %swap3A_990, %swap3A_991, %swap3A_992, %swap3A_993], %swap3A_996 {strides = array<i32>} : memref<200x8x1x8x128xf32, #tpu.memory_space<vmem>>, vector<1x8x1x8x128xf32>,
    %slice3A_997 = vector.extract_strided_slice %add3A_63 {offsets = [0, 39, 0], sizes = [128, 1, 128], strides = [1, 1, 1]} : vector<128x100x128xf32> to vector<128x1x128xf32>
    %squeeze3A_998 = vector.shape_cast %slice3A_997 : vector<128x1x128xf32> to vector<128x128xf32>
    %transpose3A_999 = tpu.transpose %squeeze3A_998, [1, 0] : vector<128x128xf32> -> vector<128x128xf32>
    %reshape3A_1000 = vector.shape_cast %transpose3A_999 : vector<128x128xf32> to vector<2x8x8x128xf32>
    %slice3A_1001 = vector.extract_strided_slice %reshape3A_1000 {offsets = [0, 0, 0, 0], sizes = [1, 8, 8, 128], strides = [1, 1, 1, 1]} : vector<2x8x8x128xf32> to vector<1x8x8x128xf32>
    %squeeze3A_1002 = vector.shape_cast %slice3A_1001 : vector<1x8x8x128xf32> to vector<8x8x128xf32>
    %swap3A_1003 = arith.constant 78 : index
    %swap3A_1004 = arith.constant 0 : index
    %swap3A_1005 = arith.constant 0 : index
    %swap3A_1006 = arith.constant 0 : index
    %swap3A_1007 = arith.constant 0 : index
    %swap3A_1008 = vector.load %arg5[%swap3A_1003, %swap3A_1004, %swap3A_1005, %swap3A_1006, %swap3A_1007] : memref<200x8x1x8x128xf32, #tpu.memory_space<vmem>>, vector<1x8x1x8x128xf32>
    %swap3A_1009 = vector.shape_cast %swap3A_1008 : vector<1x8x1x8x128xf32> to vector<8x8x128xf32>
    %swap3A_1010 = vector.shape_cast %squeeze3A_1002 : vector<8x8x128xf32> to vector<1x8x1x8x128xf32>
    tpu.vector_store %arg5[%swap3A_1003, %swap3A_1004, %swap3A_1005, %swap3A_1006, %swap3A_1007], %swap3A_1010 {strides = array<i32>} : memref<200x8x1x8x128xf32, #tpu.memory_space<vmem>>, vector<1x8x1x8x128xf32>,
    %slice3A_1011 = vector.extract_strided_slice %reshape3A_1000 {offsets = [1, 0, 0, 0], sizes = [1, 8, 8, 128], strides = [1, 1, 1, 1]} : vector<2x8x8x128xf32> to vector<1x8x8x128xf32>
    %squeeze3A_1012 = vector.shape_cast %slice3A_1011 : vector<1x8x8x128xf32> to vector<8x8x128xf32>
    %swap3A_1013 = arith.constant 79 : index
    %swap3A_1014 = arith.constant 0 : index
    %swap3A_1015 = arith.constant 0 : index
    %swap3A_1016 = arith.constant 0 : index
    %swap3A_1017 = arith.constant 0 : index
    %swap3A_1018 = vector.load %arg5[%swap3A_1013, %swap3A_1014, %swap3A_1015, %swap3A_1016, %swap3A_1017] : memref<200x8x1x8x128xf32, #tpu.memory_space<vmem>>, vector<1x8x1x8x128xf32>
    %swap3A_1019 = vector.shape_cast %swap3A_1018 : vector<1x8x1x8x128xf32> to vector<8x8x128xf32>
    %swap3A_1020 = vector.shape_cast %squeeze3A_1012 : vector<8x8x128xf32> to vector<1x8x1x8x128xf32>
    tpu.vector_store %arg5[%swap3A_1013, %swap3A_1014, %swap3A_1015, %swap3A_1016, %swap3A_1017], %swap3A_1020 {strides = array<i32>} : memref<200x8x1x8x128xf32, #tpu.memory_space<vmem>>, vector<1x8x1x8x128xf32>,
    %slice3A_1021 = vector.extract_strided_slice %add3A_63 {offsets = [0, 40, 0], sizes = [128, 1, 128], strides = [1, 1, 1]} : vector<128x100x128xf32> to vector<128x1x128xf32>
    %squeeze3A_1022 = vector.shape_cast %slice3A_1021 : vector<128x1x128xf32> to vector<128x128xf32>
    %transpose3A_1023 = tpu.transpose %squeeze3A_1022, [1, 0] : vector<128x128xf32> -> vector<128x128xf32>
    %reshape3A_1024 = vector.shape_cast %transpose3A_1023 : vector<128x128xf32> to vector<2x8x8x128xf32>
    %slice3A_1025 = vector.extract_strided_slice %reshape3A_1024 {offsets = [0, 0, 0, 0], sizes = [1, 8, 8, 128], strides = [1, 1, 1, 1]} : vector<2x8x8x128xf32> to vector<1x8x8x128xf32>
    %squeeze3A_1026 = vector.shape_cast %slice3A_1025 : vector<1x8x8x128xf32> to vector<8x8x128xf32>
    %swap3A_1027 = arith.constant 80 : index
    %swap3A_1028 = arith.constant 0 : index
    %swap3A_1029 = arith.constant 0 : index
    %swap3A_1030 = arith.constant 0 : index
    %swap3A_1031 = arith.constant 0 : index
    %swap3A_1032 = vector.load %arg5[%swap3A_1027, %swap3A_1028, %swap3A_1029, %swap3A_1030, %swap3A_1031] : memref<200x8x1x8x128xf32, #tpu.memory_space<vmem>>, vector<1x8x1x8x128xf32>
    %swap3A_1033 = vector.shape_cast %swap3A_1032 : vector<1x8x1x8x128xf32> to vector<8x8x128xf32>
    %swap3A_1034 = vector.shape_cast %squeeze3A_1026 : vector<8x8x128xf32> to vector<1x8x1x8x128xf32>
    tpu.vector_store %arg5[%swap3A_1027, %swap3A_1028, %swap3A_1029, %swap3A_1030, %swap3A_1031], %swap3A_1034 {strides = array<i32>} : memref<200x8x1x8x128xf32, #tpu.memory_space<vmem>>, vector<1x8x1x8x128xf32>,
    %slice3A_1035 = vector.extract_strided_slice %reshape3A_1024 {offsets = [1, 0, 0, 0], sizes = [1, 8, 8, 128], strides = [1, 1, 1, 1]} : vector<2x8x8x128xf32> to vector<1x8x8x128xf32>
    %squeeze3A_1036 = vector.shape_cast %slice3A_1035 : vector<1x8x8x128xf32> to vector<8x8x128xf32>
    %swap3A_1037 = arith.constant 81 : index
    %swap3A_1038 = arith.constant 0 : index
    %swap3A_1039 = arith.constant 0 : index
    %swap3A_1040 = arith.constant 0 : index
    %swap3A_1041 = arith.constant 0 : index
    %swap3A_1042 = vector.load %arg5[%swap3A_1037, %swap3A_1038, %swap3A_1039, %swap3A_1040, %swap3A_1041] : memref<200x8x1x8x128xf32, #tpu.memory_space<vmem>>, vector<1x8x1x8x128xf32>
    %swap3A_1043 = vector.shape_cast %swap3A_1042 : vector<1x8x1x8x128xf32> to vector<8x8x128xf32>
    %swap3A_1044 = vector.shape_cast %squeeze3A_1036 : vector<8x8x128xf32> to vector<1x8x1x8x128xf32>
    tpu.vector_store %arg5[%swap3A_1037, %swap3A_1038, %swap3A_1039, %swap3A_1040, %swap3A_1041], %swap3A_1044 {strides = array<i32>} : memref<200x8x1x8x128xf32, #tpu.memory_space<vmem>>, vector<1x8x1x8x128xf32>,
    %slice3A_1045 = vector.extract_strided_slice %add3A_63 {offsets = [0, 41, 0], sizes = [128, 1, 128], strides = [1, 1, 1]} : vector<128x100x128xf32> to vector<128x1x128xf32>
    %squeeze3A_1046 = vector.shape_cast %slice3A_1045 : vector<128x1x128xf32> to vector<128x128xf32>
    %transpose3A_1047 = tpu.transpose %squeeze3A_1046, [1, 0] : vector<128x128xf32> -> vector<128x128xf32>
    %reshape3A_1048 = vector.shape_cast %transpose3A_1047 : vector<128x128xf32> to vector<2x8x8x128xf32>
    %slice3A_1049 = vector.extract_strided_slice %reshape3A_1048 {offsets = [0, 0, 0, 0], sizes = [1, 8, 8, 128], strides = [1, 1, 1, 1]} : vector<2x8x8x128xf32> to vector<1x8x8x128xf32>
    %squeeze3A_1050 = vector.shape_cast %slice3A_1049 : vector<1x8x8x128xf32> to vector<8x8x128xf32>
    %swap3A_1051 = arith.constant 82 : index
    %swap3A_1052 = arith.constant 0 : index
    %swap3A_1053 = arith.constant 0 : index
    %swap3A_1054 = arith.constant 0 : index
    %swap3A_1055 = arith.constant 0 : index
    %swap3A_1056 = vector.load %arg5[%swap3A_1051, %swap3A_1052, %swap3A_1053, %swap3A_1054, %swap3A_1055] : memref<200x8x1x8x128xf32, #tpu.memory_space<vmem>>, vector<1x8x1x8x128xf32>
    %swap3A_1057 = vector.shape_cast %swap3A_1056 : vector<1x8x1x8x128xf32> to vector<8x8x128xf32>
    %swap3A_1058 = vector.shape_cast %squeeze3A_1050 : vector<8x8x128xf32> to vector<1x8x1x8x128xf32>
    tpu.vector_store %arg5[%swap3A_1051, %swap3A_1052, %swap3A_1053, %swap3A_1054, %swap3A_1055], %swap3A_1058 {strides = array<i32>} : memref<200x8x1x8x128xf32, #tpu.memory_space<vmem>>, vector<1x8x1x8x128xf32>,
    %slice3A_1059 = vector.extract_strided_slice %reshape3A_1048 {offsets = [1, 0, 0, 0], sizes = [1, 8, 8, 128], strides = [1, 1, 1, 1]} : vector<2x8x8x128xf32> to vector<1x8x8x128xf32>
    %squeeze3A_1060 = vector.shape_cast %slice3A_1059 : vector<1x8x8x128xf32> to vector<8x8x128xf32>
    %swap3A_1061 = arith.constant 83 : index
    %swap3A_1062 = arith.constant 0 : index
    %swap3A_1063 = arith.constant 0 : index
    %swap3A_1064 = arith.constant 0 : index
    %swap3A_1065 = arith.constant 0 : index
    %swap3A_1066 = vector.load %arg5[%swap3A_1061, %swap3A_1062, %swap3A_1063, %swap3A_1064, %swap3A_1065] : memref<200x8x1x8x128xf32, #tpu.memory_space<vmem>>, vector<1x8x1x8x128xf32>
    %swap3A_1067 = vector.shape_cast %swap3A_1066 : vector<1x8x1x8x128xf32> to vector<8x8x128xf32>
    %swap3A_1068 = vector.shape_cast %squeeze3A_1060 : vector<8x8x128xf32> to vector<1x8x1x8x128xf32>
    tpu.vector_store %arg5[%swap3A_1061, %swap3A_1062, %swap3A_1063, %swap3A_1064, %swap3A_1065], %swap3A_1068 {strides = array<i32>} : memref<200x8x1x8x128xf32, #tpu.memory_space<vmem>>, vector<1x8x1x8x128xf32>,
    %slice3A_1069 = vector.extract_strided_slice %add3A_63 {offsets = [0, 42, 0], sizes = [128, 1, 128], strides = [1, 1, 1]} : vector<128x100x128xf32> to vector<128x1x128xf32>
    %squeeze3A_1070 = vector.shape_cast %slice3A_1069 : vector<128x1x128xf32> to vector<128x128xf32>
    %transpose3A_1071 = tpu.transpose %squeeze3A_1070, [1, 0] : vector<128x128xf32> -> vector<128x128xf32>
    %reshape3A_1072 = vector.shape_cast %transpose3A_1071 : vector<128x128xf32> to vector<2x8x8x128xf32>
    %slice3A_1073 = vector.extract_strided_slice %reshape3A_1072 {offsets = [0, 0, 0, 0], sizes = [1, 8, 8, 128], strides = [1, 1, 1, 1]} : vector<2x8x8x128xf32> to vector<1x8x8x128xf32>
    %squeeze3A_1074 = vector.shape_cast %slice3A_1073 : vector<1x8x8x128xf32> to vector<8x8x128xf32>
    %swap3A_1075 = arith.constant 84 : index
    %swap3A_1076 = arith.constant 0 : index
    %swap3A_1077 = arith.constant 0 : index
    %swap3A_1078 = arith.constant 0 : index
    %swap3A_1079 = arith.constant 0 : index
    %swap3A_1080 = vector.load %arg5[%swap3A_1075, %swap3A_1076, %swap3A_1077, %swap3A_1078, %swap3A_1079] : memref<200x8x1x8x128xf32, #tpu.memory_space<vmem>>, vector<1x8x1x8x128xf32>
    %swap3A_1081 = vector.shape_cast %swap3A_1080 : vector<1x8x1x8x128xf32> to vector<8x8x128xf32>
    %swap3A_1082 = vector.shape_cast %squeeze3A_1074 : vector<8x8x128xf32> to vector<1x8x1x8x128xf32>
    tpu.vector_store %arg5[%swap3A_1075, %swap3A_1076, %swap3A_1077, %swap3A_1078, %swap3A_1079], %swap3A_1082 {strides = array<i32>} : memref<200x8x1x8x128xf32, #tpu.memory_space<vmem>>, vector<1x8x1x8x128xf32>,
    %slice3A_1083 = vector.extract_strided_slice %reshape3A_1072 {offsets = [1, 0, 0, 0], sizes = [1, 8, 8, 128], strides = [1, 1, 1, 1]} : vector<2x8x8x128xf32> to vector<1x8x8x128xf32>
    %squeeze3A_1084 = vector.shape_cast %slice3A_1083 : vector<1x8x8x128xf32> to vector<8x8x128xf32>
    %swap3A_1085 = arith.constant 85 : index
    %swap3A_1086 = arith.constant 0 : index
    %swap3A_1087 = arith.constant 0 : index
    %swap3A_1088 = arith.constant 0 : index
    %swap3A_1089 = arith.constant 0 : index
    %swap3A_1090 = vector.load %arg5[%swap3A_1085, %swap3A_1086, %swap3A_1087, %swap3A_1088, %swap3A_1089] : memref<200x8x1x8x128xf32, #tpu.memory_space<vmem>>, vector<1x8x1x8x128xf32>
    %swap3A_1091 = vector.shape_cast %swap3A_1090 : vector<1x8x1x8x128xf32> to vector<8x8x128xf32>
    %swap3A_1092 = vector.shape_cast %squeeze3A_1084 : vector<8x8x128xf32> to vector<1x8x1x8x128xf32>
    tpu.vector_store %arg5[%swap3A_1085, %swap3A_1086, %swap3A_1087, %swap3A_1088, %swap3A_1089], %swap3A_1092 {strides = array<i32>} : memref<200x8x1x8x128xf32, #tpu.memory_space<vmem>>, vector<1x8x1x8x128xf32>,
    %slice3A_1093 = vector.extract_strided_slice %add3A_63 {offsets = [0, 43, 0], sizes = [128, 1, 128], strides = [1, 1, 1]} : vector<128x100x128xf32> to vector<128x1x128xf32>
    %squeeze3A_1094 = vector.shape_cast %slice3A_1093 : vector<128x1x128xf32> to vector<128x128xf32>
    %transpose3A_1095 = tpu.transpose %squeeze3A_1094, [1, 0] : vector<128x128xf32> -> vector<128x128xf32>
    %reshape3A_1096 = vector.shape_cast %transpose3A_1095 : vector<128x128xf32> to vector<2x8x8x128xf32>
    %slice3A_1097 = vector.extract_strided_slice %reshape3A_1096 {offsets = [0, 0, 0, 0], sizes = [1, 8, 8, 128], strides = [1, 1, 1, 1]} : vector<2x8x8x128xf32> to vector<1x8x8x128xf32>
    %squeeze3A_1098 = vector.shape_cast %slice3A_1097 : vector<1x8x8x128xf32> to vector<8x8x128xf32>
    %swap3A_1099 = arith.constant 86 : index
    %swap3A_1100 = arith.constant 0 : index
    %swap3A_1101 = arith.constant 0 : index
    %swap3A_1102 = arith.constant 0 : index
    %swap3A_1103 = arith.constant 0 : index
    %swap3A_1104 = vector.load %arg5[%swap3A_1099, %swap3A_1100, %swap3A_1101, %swap3A_1102, %swap3A_1103] : memref<200x8x1x8x128xf32, #tpu.memory_space<vmem>>, vector<1x8x1x8x128xf32>
    %swap3A_1105 = vector.shape_cast %swap3A_1104 : vector<1x8x1x8x128xf32> to vector<8x8x128xf32>
    %swap3A_1106 = vector.shape_cast %squeeze3A_1098 : vector<8x8x128xf32> to vector<1x8x1x8x128xf32>
    tpu.vector_store %arg5[%swap3A_1099, %swap3A_1100, %swap3A_1101, %swap3A_1102, %swap3A_1103], %swap3A_1106 {strides = array<i32>} : memref<200x8x1x8x128xf32, #tpu.memory_space<vmem>>, vector<1x8x1x8x128xf32>,
    %slice3A_1107 = vector.extract_strided_slice %reshape3A_1096 {offsets = [1, 0, 0, 0], sizes = [1, 8, 8, 128], strides = [1, 1, 1, 1]} : vector<2x8x8x128xf32> to vector<1x8x8x128xf32>
    %squeeze3A_1108 = vector.shape_cast %slice3A_1107 : vector<1x8x8x128xf32> to vector<8x8x128xf32>
    %swap3A_1109 = arith.constant 87 : index
    %swap3A_1110 = arith.constant 0 : index
    %swap3A_1111 = arith.constant 0 : index
    %swap3A_1112 = arith.constant 0 : index
    %swap3A_1113 = arith.constant 0 : index
    %swap3A_1114 = vector.load %arg5[%swap3A_1109, %swap3A_1110, %swap3A_1111, %swap3A_1112, %swap3A_1113] : memref<200x8x1x8x128xf32, #tpu.memory_space<vmem>>, vector<1x8x1x8x128xf32>
    %swap3A_1115 = vector.shape_cast %swap3A_1114 : vector<1x8x1x8x128xf32> to vector<8x8x128xf32>
    %swap3A_1116 = vector.shape_cast %squeeze3A_1108 : vector<8x8x128xf32> to vector<1x8x1x8x128xf32>
    tpu.vector_store %arg5[%swap3A_1109, %swap3A_1110, %swap3A_1111, %swap3A_1112, %swap3A_1113], %swap3A_1116 {strides = array<i32>} : memref<200x8x1x8x128xf32, #tpu.memory_space<vmem>>, vector<1x8x1x8x128xf32>,
    %slice3A_1117 = vector.extract_strided_slice %add3A_63 {offsets = [0, 44, 0], sizes = [128, 1, 128], strides = [1, 1, 1]} : vector<128x100x128xf32> to vector<128x1x128xf32>
    %squeeze3A_1118 = vector.shape_cast %slice3A_1117 : vector<128x1x128xf32> to vector<128x128xf32>
    %transpose3A_1119 = tpu.transpose %squeeze3A_1118, [1, 0] : vector<128x128xf32> -> vector<128x128xf32>
    %reshape3A_1120 = vector.shape_cast %transpose3A_1119 : vector<128x128xf32> to vector<2x8x8x128xf32>
    %slice3A_1121 = vector.extract_strided_slice %reshape3A_1120 {offsets = [0, 0, 0, 0], sizes = [1, 8, 8, 128], strides = [1, 1, 1, 1]} : vector<2x8x8x128xf32> to vector<1x8x8x128xf32>
    %squeeze3A_1122 = vector.shape_cast %slice3A_1121 : vector<1x8x8x128xf32> to vector<8x8x128xf32>
    %swap3A_1123 = arith.constant 88 : index
    %swap3A_1124 = arith.constant 0 : index
    %swap3A_1125 = arith.constant 0 : index
    %swap3A_1126 = arith.constant 0 : index
    %swap3A_1127 = arith.constant 0 : index
    %swap3A_1128 = vector.load %arg5[%swap3A_1123, %swap3A_1124, %swap3A_1125, %swap3A_1126, %swap3A_1127] : memref<200x8x1x8x128xf32, #tpu.memory_space<vmem>>, vector<1x8x1x8x128xf32>
    %swap3A_1129 = vector.shape_cast %swap3A_1128 : vector<1x8x1x8x128xf32> to vector<8x8x128xf32>
    %swap3A_1130 = vector.shape_cast %squeeze3A_1122 : vector<8x8x128xf32> to vector<1x8x1x8x128xf32>
    tpu.vector_store %arg5[%swap3A_1123, %swap3A_1124, %swap3A_1125, %swap3A_1126, %swap3A_1127], %swap3A_1130 {strides = array<i32>} : memref<200x8x1x8x128xf32, #tpu.memory_space<vmem>>, vector<1x8x1x8x128xf32>,
    %slice3A_1131 = vector.extract_strided_slice %reshape3A_1120 {offsets = [1, 0, 0, 0], sizes = [1, 8, 8, 128], strides = [1, 1, 1, 1]} : vector<2x8x8x128xf32> to vector<1x8x8x128xf32>
    %squeeze3A_1132 = vector.shape_cast %slice3A_1131 : vector<1x8x8x128xf32> to vector<8x8x128xf32>
    %swap3A_1133 = arith.constant 89 : index
    %swap3A_1134 = arith.constant 0 : index
    %swap3A_1135 = arith.constant 0 : index
    %swap3A_1136 = arith.constant 0 : index
    %swap3A_1137 = arith.constant 0 : index
    %swap3A_1138 = vector.load %arg5[%swap3A_1133, %swap3A_1134, %swap3A_1135, %swap3A_1136, %swap3A_1137] : memref<200x8x1x8x128xf32, #tpu.memory_space<vmem>>, vector<1x8x1x8x128xf32>
    %swap3A_1139 = vector.shape_cast %swap3A_1138 : vector<1x8x1x8x128xf32> to vector<8x8x128xf32>
    %swap3A_1140 = vector.shape_cast %squeeze3A_1132 : vector<8x8x128xf32> to vector<1x8x1x8x128xf32>
    tpu.vector_store %arg5[%swap3A_1133, %swap3A_1134, %swap3A_1135, %swap3A_1136, %swap3A_1137], %swap3A_1140 {strides = array<i32>} : memref<200x8x1x8x128xf32, #tpu.memory_space<vmem>>, vector<1x8x1x8x128xf32>,
    %slice3A_1141 = vector.extract_strided_slice %add3A_63 {offsets = [0, 45, 0], sizes = [128, 1, 128], strides = [1, 1, 1]} : vector<128x100x128xf32> to vector<128x1x128xf32>
    %squeeze3A_1142 = vector.shape_cast %slice3A_1141 : vector<128x1x128xf32> to vector<128x128xf32>
    %transpose3A_1143 = tpu.transpose %squeeze3A_1142, [1, 0] : vector<128x128xf32> -> vector<128x128xf32>
    %reshape3A_1144 = vector.shape_cast %transpose3A_1143 : vector<128x128xf32> to vector<2x8x8x128xf32>
    %slice3A_1145 = vector.extract_strided_slice %reshape3A_1144 {offsets = [0, 0, 0, 0], sizes = [1, 8, 8, 128], strides = [1, 1, 1, 1]} : vector<2x8x8x128xf32> to vector<1x8x8x128xf32>
    %squeeze3A_1146 = vector.shape_cast %slice3A_1145 : vector<1x8x8x128xf32> to vector<8x8x128xf32>
    %swap3A_1147 = arith.constant 90 : index
    %swap3A_1148 = arith.constant 0 : index
    %swap3A_1149 = arith.constant 0 : index
    %swap3A_1150 = arith.constant 0 : index
    %swap3A_1151 = arith.constant 0 : index
    %swap3A_1152 = vector.load %arg5[%swap3A_1147, %swap3A_1148, %swap3A_1149, %swap3A_1150, %swap3A_1151] : memref<200x8x1x8x128xf32, #tpu.memory_space<vmem>>, vector<1x8x1x8x128xf32>
    %swap3A_1153 = vector.shape_cast %swap3A_1152 : vector<1x8x1x8x128xf32> to vector<8x8x128xf32>
    %swap3A_1154 = vector.shape_cast %squeeze3A_1146 : vector<8x8x128xf32> to vector<1x8x1x8x128xf32>
    tpu.vector_store %arg5[%swap3A_1147, %swap3A_1148, %swap3A_1149, %swap3A_1150, %swap3A_1151], %swap3A_1154 {strides = array<i32>} : memref<200x8x1x8x128xf32, #tpu.memory_space<vmem>>, vector<1x8x1x8x128xf32>,
    %slice3A_1155 = vector.extract_strided_slice %reshape3A_1144 {offsets = [1, 0, 0, 0], sizes = [1, 8, 8, 128], strides = [1, 1, 1, 1]} : vector<2x8x8x128xf32> to vector<1x8x8x128xf32>
    %squeeze3A_1156 = vector.shape_cast %slice3A_1155 : vector<1x8x8x128xf32> to vector<8x8x128xf32>
    %swap3A_1157 = arith.constant 91 : index
    %swap3A_1158 = arith.constant 0 : index
    %swap3A_1159 = arith.constant 0 : index
    %swap3A_1160 = arith.constant 0 : index
    %swap3A_1161 = arith.constant 0 : index
    %swap3A_1162 = vector.load %arg5[%swap3A_1157, %swap3A_1158, %swap3A_1159, %swap3A_1160, %swap3A_1161] : memref<200x8x1x8x128xf32, #tpu.memory_space<vmem>>, vector<1x8x1x8x128xf32>
    %swap3A_1163 = vector.shape_cast %swap3A_1162 : vector<1x8x1x8x128xf32> to vector<8x8x128xf32>
    %swap3A_1164 = vector.shape_cast %squeeze3A_1156 : vector<8x8x128xf32> to vector<1x8x1x8x128xf32>
    tpu.vector_store %arg5[%swap3A_1157, %swap3A_1158, %swap3A_1159, %swap3A_1160, %swap3A_1161], %swap3A_1164 {strides = array<i32>} : memref<200x8x1x8x128xf32, #tpu.memory_space<vmem>>, vector<1x8x1x8x128xf32>,
    %slice3A_1165 = vector.extract_strided_slice %add3A_63 {offsets = [0, 46, 0], sizes = [128, 1, 128], strides = [1, 1, 1]} : vector<128x100x128xf32> to vector<128x1x128xf32>
    %squeeze3A_1166 = vector.shape_cast %slice3A_1165 : vector<128x1x128xf32> to vector<128x128xf32>
    %transpose3A_1167 = tpu.transpose %squeeze3A_1166, [1, 0] : vector<128x128xf32> -> vector<128x128xf32>
    %reshape3A_1168 = vector.shape_cast %transpose3A_1167 : vector<128x128xf32> to vector<2x8x8x128xf32>
    %slice3A_1169 = vector.extract_strided_slice %reshape3A_1168 {offsets = [0, 0, 0, 0], sizes = [1, 8, 8, 128], strides = [1, 1, 1, 1]} : vector<2x8x8x128xf32> to vector<1x8x8x128xf32>
    %squeeze3A_1170 = vector.shape_cast %slice3A_1169 : vector<1x8x8x128xf32> to vector<8x8x128xf32>
    %swap3A_1171 = arith.constant 92 : index
    %swap3A_1172 = arith.constant 0 : index
    %swap3A_1173 = arith.constant 0 : index
    %swap3A_1174 = arith.constant 0 : index
    %swap3A_1175 = arith.constant 0 : index
    %swap3A_1176 = vector.load %arg5[%swap3A_1171, %swap3A_1172, %swap3A_1173, %swap3A_1174, %swap3A_1175] : memref<200x8x1x8x128xf32, #tpu.memory_space<vmem>>, vector<1x8x1x8x128xf32>
    %swap3A_1177 = vector.shape_cast %swap3A_1176 : vector<1x8x1x8x128xf32> to vector<8x8x128xf32>
    %swap3A_1178 = vector.shape_cast %squeeze3A_1170 : vector<8x8x128xf32> to vector<1x8x1x8x128xf32>
    tpu.vector_store %arg5[%swap3A_1171, %swap3A_1172, %swap3A_1173, %swap3A_1174, %swap3A_1175], %swap3A_1178 {strides = array<i32>} : memref<200x8x1x8x128xf32, #tpu.memory_space<vmem>>, vector<1x8x1x8x128xf32>,
    %slice3A_1179 = vector.extract_strided_slice %reshape3A_1168 {offsets = [1, 0, 0, 0], sizes = [1, 8, 8, 128], strides = [1, 1, 1, 1]} : vector<2x8x8x128xf32> to vector<1x8x8x128xf32>
    %squeeze3A_1180 = vector.shape_cast %slice3A_1179 : vector<1x8x8x128xf32> to vector<8x8x128xf32>
    %swap3A_1181 = arith.constant 93 : index
    %swap3A_1182 = arith.constant 0 : index
    %swap3A_1183 = arith.constant 0 : index
    %swap3A_1184 = arith.constant 0 : index
    %swap3A_1185 = arith.constant 0 : index
    %swap3A_1186 = vector.load %arg5[%swap3A_1181, %swap3A_1182, %swap3A_1183, %swap3A_1184, %swap3A_1185] : memref<200x8x1x8x128xf32, #tpu.memory_space<vmem>>, vector<1x8x1x8x128xf32>
    %swap3A_1187 = vector.shape_cast %swap3A_1186 : vector<1x8x1x8x128xf32> to vector<8x8x128xf32>
    %swap3A_1188 = vector.shape_cast %squeeze3A_1180 : vector<8x8x128xf32> to vector<1x8x1x8x128xf32>
    tpu.vector_store %arg5[%swap3A_1181, %swap3A_1182, %swap3A_1183, %swap3A_1184, %swap3A_1185], %swap3A_1188 {strides = array<i32>} : memref<200x8x1x8x128xf32, #tpu.memory_space<vmem>>, vector<1x8x1x8x128xf32>,
    %slice3A_1189 = vector.extract_strided_slice %add3A_63 {offsets = [0, 47, 0], sizes = [128, 1, 128], strides = [1, 1, 1]} : vector<128x100x128xf32> to vector<128x1x128xf32>
    %squeeze3A_1190 = vector.shape_cast %slice3A_1189 : vector<128x1x128xf32> to vector<128x128xf32>
    %transpose3A_1191 = tpu.transpose %squeeze3A_1190, [1, 0] : vector<128x128xf32> -> vector<128x128xf32>
    %reshape3A_1192 = vector.shape_cast %transpose3A_1191 : vector<128x128xf32> to vector<2x8x8x128xf32>
    %slice3A_1193 = vector.extract_strided_slice %reshape3A_1192 {offsets = [0, 0, 0, 0], sizes = [1, 8, 8, 128], strides = [1, 1, 1, 1]} : vector<2x8x8x128xf32> to vector<1x8x8x128xf32>
    %squeeze3A_1194 = vector.shape_cast %slice3A_1193 : vector<1x8x8x128xf32> to vector<8x8x128xf32>
    %swap3A_1195 = arith.constant 94 : index
    %swap3A_1196 = arith.constant 0 : index
    %swap3A_1197 = arith.constant 0 : index
    %swap3A_1198 = arith.constant 0 : index
    %swap3A_1199 = arith.constant 0 : index
    %swap3A_1200 = vector.load %arg5[%swap3A_1195, %swap3A_1196, %swap3A_1197, %swap3A_1198, %swap3A_1199] : memref<200x8x1x8x128xf32, #tpu.memory_space<vmem>>, vector<1x8x1x8x128xf32>
    %swap3A_1201 = vector.shape_cast %swap3A_1200 : vector<1x8x1x8x128xf32> to vector<8x8x128xf32>
    %swap3A_1202 = vector.shape_cast %squeeze3A_1194 : vector<8x8x128xf32> to vector<1x8x1x8x128xf32>
    tpu.vector_store %arg5[%swap3A_1195, %swap3A_1196, %swap3A_1197, %swap3A_1198, %swap3A_1199], %swap3A_1202 {strides = array<i32>} : memref<200x8x1x8x128xf32, #tpu.memory_space<vmem>>, vector<1x8x1x8x128xf32>,
    %slice3A_1203 = vector.extract_strided_slice %reshape3A_1192 {offsets = [1, 0, 0, 0], sizes = [1, 8, 8, 128], strides = [1, 1, 1, 1]} : vector<2x8x8x128xf32> to vector<1x8x8x128xf32>
    %squeeze3A_1204 = vector.shape_cast %slice3A_1203 : vector<1x8x8x128xf32> to vector<8x8x128xf32>
    %swap3A_1205 = arith.constant 95 : index
    %swap3A_1206 = arith.constant 0 : index
    %swap3A_1207 = arith.constant 0 : index
    %swap3A_1208 = arith.constant 0 : index
    %swap3A_1209 = arith.constant 0 : index
    %swap3A_1210 = vector.load %arg5[%swap3A_1205, %swap3A_1206, %swap3A_1207, %swap3A_1208, %swap3A_1209] : memref<200x8x1x8x128xf32, #tpu.memory_space<vmem>>, vector<1x8x1x8x128xf32>
    %swap3A_1211 = vector.shape_cast %swap3A_1210 : vector<1x8x1x8x128xf32> to vector<8x8x128xf32>
    %swap3A_1212 = vector.shape_cast %squeeze3A_1204 : vector<8x8x128xf32> to vector<1x8x1x8x128xf32>
    tpu.vector_store %arg5[%swap3A_1205, %swap3A_1206, %swap3A_1207, %swap3A_1208, %swap3A_1209], %swap3A_1212 {strides = array<i32>} : memref<200x8x1x8x128xf32, #tpu.memory_space<vmem>>, vector<1x8x1x8x128xf32>,
    %slice3A_1213 = vector.extract_strided_slice %add3A_63 {offsets = [0, 48, 0], sizes = [128, 1, 128], strides = [1, 1, 1]} : vector<128x100x128xf32> to vector<128x1x128xf32>
    %squeeze3A_1214 = vector.shape_cast %slice3A_1213 : vector<128x1x128xf32> to vector<128x128xf32>
    %transpose3A_1215 = tpu.transpose %squeeze3A_1214, [1, 0] : vector<128x128xf32> -> vector<128x128xf32>
    %reshape3A_1216 = vector.shape_cast %transpose3A_1215 : vector<128x128xf32> to vector<2x8x8x128xf32>
    %slice3A_1217 = vector.extract_strided_slice %reshape3A_1216 {offsets = [0, 0, 0, 0], sizes = [1, 8, 8, 128], strides = [1, 1, 1, 1]} : vector<2x8x8x128xf32> to vector<1x8x8x128xf32>
    %squeeze3A_1218 = vector.shape_cast %slice3A_1217 : vector<1x8x8x128xf32> to vector<8x8x128xf32>
    %swap3A_1219 = arith.constant 96 : index
    %swap3A_1220 = arith.constant 0 : index
    %swap3A_1221 = arith.constant 0 : index
    %swap3A_1222 = arith.constant 0 : index
    %swap3A_1223 = arith.constant 0 : index
    %swap3A_1224 = vector.load %arg5[%swap3A_1219, %swap3A_1220, %swap3A_1221, %swap3A_1222, %swap3A_1223] : memref<200x8x1x8x128xf32, #tpu.memory_space<vmem>>, vector<1x8x1x8x128xf32>
    %swap3A_1225 = vector.shape_cast %swap3A_1224 : vector<1x8x1x8x128xf32> to vector<8x8x128xf32>
    %swap3A_1226 = vector.shape_cast %squeeze3A_1218 : vector<8x8x128xf32> to vector<1x8x1x8x128xf32>
    tpu.vector_store %arg5[%swap3A_1219, %swap3A_1220, %swap3A_1221, %swap3A_1222, %swap3A_1223], %swap3A_1226 {strides = array<i32>} : memref<200x8x1x8x128xf32, #tpu.memory_space<vmem>>, vector<1x8x1x8x128xf32>,
    %slice3A_1227 = vector.extract_strided_slice %reshape3A_1216 {offsets = [1, 0, 0, 0], sizes = [1, 8, 8, 128], strides = [1, 1, 1, 1]} : vector<2x8x8x128xf32> to vector<1x8x8x128xf32>
    %squeeze3A_1228 = vector.shape_cast %slice3A_1227 : vector<1x8x8x128xf32> to vector<8x8x128xf32>
    %swap3A_1229 = arith.constant 97 : index
    %swap3A_1230 = arith.constant 0 : index
    %swap3A_1231 = arith.constant 0 : index
    %swap3A_1232 = arith.constant 0 : index
    %swap3A_1233 = arith.constant 0 : index
    %swap3A_1234 = vector.load %arg5[%swap3A_1229, %swap3A_1230, %swap3A_1231, %swap3A_1232, %swap3A_1233] : memref<200x8x1x8x128xf32, #tpu.memory_space<vmem>>, vector<1x8x1x8x128xf32>
    %swap3A_1235 = vector.shape_cast %swap3A_1234 : vector<1x8x1x8x128xf32> to vector<8x8x128xf32>
    %swap3A_1236 = vector.shape_cast %squeeze3A_1228 : vector<8x8x128xf32> to vector<1x8x1x8x128xf32>
    tpu.vector_store %arg5[%swap3A_1229, %swap3A_1230, %swap3A_1231, %swap3A_1232, %swap3A_1233], %swap3A_1236 {strides = array<i32>} : memref<200x8x1x8x128xf32, #tpu.memory_space<vmem>>, vector<1x8x1x8x128xf32>,
    %slice3A_1237 = vector.extract_strided_slice %add3A_63 {offsets = [0, 49, 0], sizes = [128, 1, 128], strides = [1, 1, 1]} : vector<128x100x128xf32> to vector<128x1x128xf32>
    %squeeze3A_1238 = vector.shape_cast %slice3A_1237 : vector<128x1x128xf32> to vector<128x128xf32>
    %transpose3A_1239 = tpu.transpose %squeeze3A_1238, [1, 0] : vector<128x128xf32> -> vector<128x128xf32>
    %reshape3A_1240 = vector.shape_cast %transpose3A_1239 : vector<128x128xf32> to vector<2x8x8x128xf32>
    %slice3A_1241 = vector.extract_strided_slice %reshape3A_1240 {offsets = [0, 0, 0, 0], sizes = [1, 8, 8, 128], strides = [1, 1, 1, 1]} : vector<2x8x8x128xf32> to vector<1x8x8x128xf32>
    %squeeze3A_1242 = vector.shape_cast %slice3A_1241 : vector<1x8x8x128xf32> to vector<8x8x128xf32>
    %swap3A_1243 = arith.constant 98 : index
    %swap3A_1244 = arith.constant 0 : index
    %swap3A_1245 = arith.constant 0 : index
    %swap3A_1246 = arith.constant 0 : index
    %swap3A_1247 = arith.constant 0 : index
    %swap3A_1248 = vector.load %arg5[%swap3A_1243, %swap3A_1244, %swap3A_1245, %swap3A_1246, %swap3A_1247] : memref<200x8x1x8x128xf32, #tpu.memory_space<vmem>>, vector<1x8x1x8x128xf32>
    %swap3A_1249 = vector.shape_cast %swap3A_1248 : vector<1x8x1x8x128xf32> to vector<8x8x128xf32>
    %swap3A_1250 = vector.shape_cast %squeeze3A_1242 : vector<8x8x128xf32> to vector<1x8x1x8x128xf32>
    tpu.vector_store %arg5[%swap3A_1243, %swap3A_1244, %swap3A_1245, %swap3A_1246, %swap3A_1247], %swap3A_1250 {strides = array<i32>} : memref<200x8x1x8x128xf32, #tpu.memory_space<vmem>>, vector<1x8x1x8x128xf32>,
    %slice3A_1251 = vector.extract_strided_slice %reshape3A_1240 {offsets = [1, 0, 0, 0], sizes = [1, 8, 8, 128], strides = [1, 1, 1, 1]} : vector<2x8x8x128xf32> to vector<1x8x8x128xf32>
    %squeeze3A_1252 = vector.shape_cast %slice3A_1251 : vector<1x8x8x128xf32> to vector<8x8x128xf32>
    %swap3A_1253 = arith.constant 99 : index
    %swap3A_1254 = arith.constant 0 : index
    %swap3A_1255 = arith.constant 0 : index
    %swap3A_1256 = arith.constant 0 : index
    %swap3A_1257 = arith.constant 0 : index
    %swap3A_1258 = vector.load %arg5[%swap3A_1253, %swap3A_1254, %swap3A_1255, %swap3A_1256, %swap3A_1257] : memref<200x8x1x8x128xf32, #tpu.memory_space<vmem>>, vector<1x8x1x8x128xf32>
    %swap3A_1259 = vector.shape_cast %swap3A_1258 : vector<1x8x1x8x128xf32> to vector<8x8x128xf32>
    %swap3A_1260 = vector.shape_cast %squeeze3A_1252 : vector<8x8x128xf32> to vector<1x8x1x8x128xf32>
    tpu.vector_store %arg5[%swap3A_1253, %swap3A_1254, %swap3A_1255, %swap3A_1256, %swap3A_1257], %swap3A_1260 {strides = array<i32>} : memref<200x8x1x8x128xf32, #tpu.memory_space<vmem>>, vector<1x8x1x8x128xf32>,
    %slice3A_1261 = vector.extract_strided_slice %add3A_63 {offsets = [0, 50, 0], sizes = [128, 1, 128], strides = [1, 1, 1]} : vector<128x100x128xf32> to vector<128x1x128xf32>
    %squeeze3A_1262 = vector.shape_cast %slice3A_1261 : vector<128x1x128xf32> to vector<128x128xf32>
    %transpose3A_1263 = tpu.transpose %squeeze3A_1262, [1, 0] : vector<128x128xf32> -> vector<128x128xf32>
    %reshape3A_1264 = vector.shape_cast %transpose3A_1263 : vector<128x128xf32> to vector<2x8x8x128xf32>
    %slice3A_1265 = vector.extract_strided_slice %reshape3A_1264 {offsets = [0, 0, 0, 0], sizes = [1, 8, 8, 128], strides = [1, 1, 1, 1]} : vector<2x8x8x128xf32> to vector<1x8x8x128xf32>
    %squeeze3A_1266 = vector.shape_cast %slice3A_1265 : vector<1x8x8x128xf32> to vector<8x8x128xf32>
    %swap3A_1267 = arith.constant 100 : index
    %swap3A_1268 = arith.constant 0 : index
    %swap3A_1269 = arith.constant 0 : index
    %swap3A_1270 = arith.constant 0 : index
    %swap3A_1271 = arith.constant 0 : index
    %swap3A_1272 = vector.load %arg5[%swap3A_1267, %swap3A_1268, %swap3A_1269, %swap3A_1270, %swap3A_1271] : memref<200x8x1x8x128xf32, #tpu.memory_space<vmem>>, vector<1x8x1x8x128xf32>
    %swap3A_1273 = vector.shape_cast %swap3A_1272 : vector<1x8x1x8x128xf32> to vector<8x8x128xf32>
    %swap3A_1274 = vector.shape_cast %squeeze3A_1266 : vector<8x8x128xf32> to vector<1x8x1x8x128xf32>
    tpu.vector_store %arg5[%swap3A_1267, %swap3A_1268, %swap3A_1269, %swap3A_1270, %swap3A_1271], %swap3A_1274 {strides = array<i32>} : memref<200x8x1x8x128xf32, #tpu.memory_space<vmem>>, vector<1x8x1x8x128xf32>,
    %slice3A_1275 = vector.extract_strided_slice %reshape3A_1264 {offsets = [1, 0, 0, 0], sizes = [1, 8, 8, 128], strides = [1, 1, 1, 1]} : vector<2x8x8x128xf32> to vector<1x8x8x128xf32>
    %squeeze3A_1276 = vector.shape_cast %slice3A_1275 : vector<1x8x8x128xf32> to vector<8x8x128xf32>
    %swap3A_1277 = arith.constant 101 : index
    %swap3A_1278 = arith.constant 0 : index
    %swap3A_1279 = arith.constant 0 : index
    %swap3A_1280 = arith.constant 0 : index
    %swap3A_1281 = arith.constant 0 : index
    %swap3A_1282 = vector.load %arg5[%swap3A_1277, %swap3A_1278, %swap3A_1279, %swap3A_1280, %swap3A_1281] : memref<200x8x1x8x128xf32, #tpu.memory_space<vmem>>, vector<1x8x1x8x128xf32>
    %swap3A_1283 = vector.shape_cast %swap3A_1282 : vector<1x8x1x8x128xf32> to vector<8x8x128xf32>
    %swap3A_1284 = vector.shape_cast %squeeze3A_1276 : vector<8x8x128xf32> to vector<1x8x1x8x128xf32>
    tpu.vector_store %arg5[%swap3A_1277, %swap3A_1278, %swap3A_1279, %swap3A_1280, %swap3A_1281], %swap3A_1284 {strides = array<i32>} : memref<200x8x1x8x128xf32, #tpu.memory_space<vmem>>, vector<1x8x1x8x128xf32>,
    %slice3A_1285 = vector.extract_strided_slice %add3A_63 {offsets = [0, 51, 0], sizes = [128, 1, 128], strides = [1, 1, 1]} : vector<128x100x128xf32> to vector<128x1x128xf32>
    %squeeze3A_1286 = vector.shape_cast %slice3A_1285 : vector<128x1x128xf32> to vector<128x128xf32>
    %transpose3A_1287 = tpu.transpose %squeeze3A_1286, [1, 0] : vector<128x128xf32> -> vector<128x128xf32>
    %reshape3A_1288 = vector.shape_cast %transpose3A_1287 : vector<128x128xf32> to vector<2x8x8x128xf32>
    %slice3A_1289 = vector.extract_strided_slice %reshape3A_1288 {offsets = [0, 0, 0, 0], sizes = [1, 8, 8, 128], strides = [1, 1, 1, 1]} : vector<2x8x8x128xf32> to vector<1x8x8x128xf32>
    %squeeze3A_1290 = vector.shape_cast %slice3A_1289 : vector<1x8x8x128xf32> to vector<8x8x128xf32>
    %swap3A_1291 = arith.constant 102 : index
    %swap3A_1292 = arith.constant 0 : index
    %swap3A_1293 = arith.constant 0 : index
    %swap3A_1294 = arith.constant 0 : index
    %swap3A_1295 = arith.constant 0 : index
    %swap3A_1296 = vector.load %arg5[%swap3A_1291, %swap3A_1292, %swap3A_1293, %swap3A_1294, %swap3A_1295] : memref<200x8x1x8x128xf32, #tpu.memory_space<vmem>>, vector<1x8x1x8x128xf32>
    %swap3A_1297 = vector.shape_cast %swap3A_1296 : vector<1x8x1x8x128xf32> to vector<8x8x128xf32>
    %swap3A_1298 = vector.shape_cast %squeeze3A_1290 : vector<8x8x128xf32> to vector<1x8x1x8x128xf32>
    tpu.vector_store %arg5[%swap3A_1291, %swap3A_1292, %swap3A_1293, %swap3A_1294, %swap3A_1295], %swap3A_1298 {strides = array<i32>} : memref<200x8x1x8x128xf32, #tpu.memory_space<vmem>>, vector<1x8x1x8x128xf32>,
    %slice3A_1299 = vector.extract_strided_slice %reshape3A_1288 {offsets = [1, 0, 0, 0], sizes = [1, 8, 8, 128], strides = [1, 1, 1, 1]} : vector<2x8x8x128xf32> to vector<1x8x8x128xf32>
    %squeeze3A_1300 = vector.shape_cast %slice3A_1299 : vector<1x8x8x128xf32> to vector<8x8x128xf32>
    %swap3A_1301 = arith.constant 103 : index
    %swap3A_1302 = arith.constant 0 : index
    %swap3A_1303 = arith.constant 0 : index
    %swap3A_1304 = arith.constant 0 : index
    %swap3A_1305 = arith.constant 0 : index
    %swap3A_1306 = vector.load %arg5[%swap3A_1301, %swap3A_1302, %swap3A_1303, %swap3A_1304, %swap3A_1305] : memref<200x8x1x8x128xf32, #tpu.memory_space<vmem>>, vector<1x8x1x8x128xf32>
    %swap3A_1307 = vector.shape_cast %swap3A_1306 : vector<1x8x1x8x128xf32> to vector<8x8x128xf32>
    %swap3A_1308 = vector.shape_cast %squeeze3A_1300 : vector<8x8x128xf32> to vector<1x8x1x8x128xf32>
    tpu.vector_store %arg5[%swap3A_1301, %swap3A_1302, %swap3A_1303, %swap3A_1304, %swap3A_1305], %swap3A_1308 {strides = array<i32>} : memref<200x8x1x8x128xf32, #tpu.memory_space<vmem>>, vector<1x8x1x8x128xf32>,
    %slice3A_1309 = vector.extract_strided_slice %add3A_63 {offsets = [0, 52, 0], sizes = [128, 1, 128], strides = [1, 1, 1]} : vector<128x100x128xf32> to vector<128x1x128xf32>
    %squeeze3A_1310 = vector.shape_cast %slice3A_1309 : vector<128x1x128xf32> to vector<128x128xf32>
    %transpose3A_1311 = tpu.transpose %squeeze3A_1310, [1, 0] : vector<128x128xf32> -> vector<128x128xf32>
    %reshape3A_1312 = vector.shape_cast %transpose3A_1311 : vector<128x128xf32> to vector<2x8x8x128xf32>
    %slice3A_1313 = vector.extract_strided_slice %reshape3A_1312 {offsets = [0, 0, 0, 0], sizes = [1, 8, 8, 128], strides = [1, 1, 1, 1]} : vector<2x8x8x128xf32> to vector<1x8x8x128xf32>
    %squeeze3A_1314 = vector.shape_cast %slice3A_1313 : vector<1x8x8x128xf32> to vector<8x8x128xf32>
    %swap3A_1315 = arith.constant 104 : index
    %swap3A_1316 = arith.constant 0 : index
    %swap3A_1317 = arith.constant 0 : index
    %swap3A_1318 = arith.constant 0 : index
    %swap3A_1319 = arith.constant 0 : index
    %swap3A_1320 = vector.load %arg5[%swap3A_1315, %swap3A_1316, %swap3A_1317, %swap3A_1318, %swap3A_1319] : memref<200x8x1x8x128xf32, #tpu.memory_space<vmem>>, vector<1x8x1x8x128xf32>
    %swap3A_1321 = vector.shape_cast %swap3A_1320 : vector<1x8x1x8x128xf32> to vector<8x8x128xf32>
    %swap3A_1322 = vector.shape_cast %squeeze3A_1314 : vector<8x8x128xf32> to vector<1x8x1x8x128xf32>
    tpu.vector_store %arg5[%swap3A_1315, %swap3A_1316, %swap3A_1317, %swap3A_1318, %swap3A_1319], %swap3A_1322 {strides = array<i32>} : memref<200x8x1x8x128xf32, #tpu.memory_space<vmem>>, vector<1x8x1x8x128xf32>,
    %slice3A_1323 = vector.extract_strided_slice %reshape3A_1312 {offsets = [1, 0, 0, 0], sizes = [1, 8, 8, 128], strides = [1, 1, 1, 1]} : vector<2x8x8x128xf32> to vector<1x8x8x128xf32>
    %squeeze3A_1324 = vector.shape_cast %slice3A_1323 : vector<1x8x8x128xf32> to vector<8x8x128xf32>
    %swap3A_1325 = arith.constant 105 : index
    %swap3A_1326 = arith.constant 0 : index
    %swap3A_1327 = arith.constant 0 : index
    %swap3A_1328 = arith.constant 0 : index
    %swap3A_1329 = arith.constant 0 : index
    %swap3A_1330 = vector.load %arg5[%swap3A_1325, %swap3A_1326, %swap3A_1327, %swap3A_1328, %swap3A_1329] : memref<200x8x1x8x128xf32, #tpu.memory_space<vmem>>, vector<1x8x1x8x128xf32>
    %swap3A_1331 = vector.shape_cast %swap3A_1330 : vector<1x8x1x8x128xf32> to vector<8x8x128xf32>
    %swap3A_1332 = vector.shape_cast %squeeze3A_1324 : vector<8x8x128xf32> to vector<1x8x1x8x128xf32>
    tpu.vector_store %arg5[%swap3A_1325, %swap3A_1326, %swap3A_1327, %swap3A_1328, %swap3A_1329], %swap3A_1332 {strides = array<i32>} : memref<200x8x1x8x128xf32, #tpu.memory_space<vmem>>, vector<1x8x1x8x128xf32>,
    %slice3A_1333 = vector.extract_strided_slice %add3A_63 {offsets = [0, 53, 0], sizes = [128, 1, 128], strides = [1, 1, 1]} : vector<128x100x128xf32> to vector<128x1x128xf32>
    %squeeze3A_1334 = vector.shape_cast %slice3A_1333 : vector<128x1x128xf32> to vector<128x128xf32>
    %transpose3A_1335 = tpu.transpose %squeeze3A_1334, [1, 0] : vector<128x128xf32> -> vector<128x128xf32>
    %reshape3A_1336 = vector.shape_cast %transpose3A_1335 : vector<128x128xf32> to vector<2x8x8x128xf32>
    %slice3A_1337 = vector.extract_strided_slice %reshape3A_1336 {offsets = [0, 0, 0, 0], sizes = [1, 8, 8, 128], strides = [1, 1, 1, 1]} : vector<2x8x8x128xf32> to vector<1x8x8x128xf32>
    %squeeze3A_1338 = vector.shape_cast %slice3A_1337 : vector<1x8x8x128xf32> to vector<8x8x128xf32>
    %swap3A_1339 = arith.constant 106 : index
    %swap3A_1340 = arith.constant 0 : index
    %swap3A_1341 = arith.constant 0 : index
    %swap3A_1342 = arith.constant 0 : index
    %swap3A_1343 = arith.constant 0 : index
    %swap3A_1344 = vector.load %arg5[%swap3A_1339, %swap3A_1340, %swap3A_1341, %swap3A_1342, %swap3A_1343] : memref<200x8x1x8x128xf32, #tpu.memory_space<vmem>>, vector<1x8x1x8x128xf32>
    %swap3A_1345 = vector.shape_cast %swap3A_1344 : vector<1x8x1x8x128xf32> to vector<8x8x128xf32>
    %swap3A_1346 = vector.shape_cast %squeeze3A_1338 : vector<8x8x128xf32> to vector<1x8x1x8x128xf32>
    tpu.vector_store %arg5[%swap3A_1339, %swap3A_1340, %swap3A_1341, %swap3A_1342, %swap3A_1343], %swap3A_1346 {strides = array<i32>} : memref<200x8x1x8x128xf32, #tpu.memory_space<vmem>>, vector<1x8x1x8x128xf32>,
    %slice3A_1347 = vector.extract_strided_slice %reshape3A_1336 {offsets = [1, 0, 0, 0], sizes = [1, 8, 8, 128], strides = [1, 1, 1, 1]} : vector<2x8x8x128xf32> to vector<1x8x8x128xf32>
    %squeeze3A_1348 = vector.shape_cast %slice3A_1347 : vector<1x8x8x128xf32> to vector<8x8x128xf32>
    %swap3A_1349 = arith.constant 107 : index
    %swap3A_1350 = arith.constant 0 : index
    %swap3A_1351 = arith.constant 0 : index
    %swap3A_1352 = arith.constant 0 : index
    %swap3A_1353 = arith.constant 0 : index
    %swap3A_1354 = vector.load %arg5[%swap3A_1349, %swap3A_1350, %swap3A_1351, %swap3A_1352, %swap3A_1353] : memref<200x8x1x8x128xf32, #tpu.memory_space<vmem>>, vector<1x8x1x8x128xf32>
    %swap3A_1355 = vector.shape_cast %swap3A_1354 : vector<1x8x1x8x128xf32> to vector<8x8x128xf32>
    %swap3A_1356 = vector.shape_cast %squeeze3A_1348 : vector<8x8x128xf32> to vector<1x8x1x8x128xf32>
    tpu.vector_store %arg5[%swap3A_1349, %swap3A_1350, %swap3A_1351, %swap3A_1352, %swap3A_1353], %swap3A_1356 {strides = array<i32>} : memref<200x8x1x8x128xf32, #tpu.memory_space<vmem>>, vector<1x8x1x8x128xf32>,
    %slice3A_1357 = vector.extract_strided_slice %add3A_63 {offsets = [0, 54, 0], sizes = [128, 1, 128], strides = [1, 1, 1]} : vector<128x100x128xf32> to vector<128x1x128xf32>
    %squeeze3A_1358 = vector.shape_cast %slice3A_1357 : vector<128x1x128xf32> to vector<128x128xf32>
    %transpose3A_1359 = tpu.transpose %squeeze3A_1358, [1, 0] : vector<128x128xf32> -> vector<128x128xf32>
    %reshape3A_1360 = vector.shape_cast %transpose3A_1359 : vector<128x128xf32> to vector<2x8x8x128xf32>
    %slice3A_1361 = vector.extract_strided_slice %reshape3A_1360 {offsets = [0, 0, 0, 0], sizes = [1, 8, 8, 128], strides = [1, 1, 1, 1]} : vector<2x8x8x128xf32> to vector<1x8x8x128xf32>
    %squeeze3A_1362 = vector.shape_cast %slice3A_1361 : vector<1x8x8x128xf32> to vector<8x8x128xf32>
    %swap3A_1363 = arith.constant 108 : index
    %swap3A_1364 = arith.constant 0 : index
    %swap3A_1365 = arith.constant 0 : index
    %swap3A_1366 = arith.constant 0 : index
    %swap3A_1367 = arith.constant 0 : index
    %swap3A_1368 = vector.load %arg5[%swap3A_1363, %swap3A_1364, %swap3A_1365, %swap3A_1366, %swap3A_1367] : memref<200x8x1x8x128xf32, #tpu.memory_space<vmem>>, vector<1x8x1x8x128xf32>
    %swap3A_1369 = vector.shape_cast %swap3A_1368 : vector<1x8x1x8x128xf32> to vector<8x8x128xf32>
    %swap3A_1370 = vector.shape_cast %squeeze3A_1362 : vector<8x8x128xf32> to vector<1x8x1x8x128xf32>
    tpu.vector_store %arg5[%swap3A_1363, %swap3A_1364, %swap3A_1365, %swap3A_1366, %swap3A_1367], %swap3A_1370 {strides = array<i32>} : memref<200x8x1x8x128xf32, #tpu.memory_space<vmem>>, vector<1x8x1x8x128xf32>,
    %slice3A_1371 = vector.extract_strided_slice %reshape3A_1360 {offsets = [1, 0, 0, 0], sizes = [1, 8, 8, 128], strides = [1, 1, 1, 1]} : vector<2x8x8x128xf32> to vector<1x8x8x128xf32>
    %squeeze3A_1372 = vector.shape_cast %slice3A_1371 : vector<1x8x8x128xf32> to vector<8x8x128xf32>
    %swap3A_1373 = arith.constant 109 : index
    %swap3A_1374 = arith.constant 0 : index
    %swap3A_1375 = arith.constant 0 : index
    %swap3A_1376 = arith.constant 0 : index
    %swap3A_1377 = arith.constant 0 : index
    %swap3A_1378 = vector.load %arg5[%swap3A_1373, %swap3A_1374, %swap3A_1375, %swap3A_1376, %swap3A_1377] : memref<200x8x1x8x128xf32, #tpu.memory_space<vmem>>, vector<1x8x1x8x128xf32>
    %swap3A_1379 = vector.shape_cast %swap3A_1378 : vector<1x8x1x8x128xf32> to vector<8x8x128xf32>
    %swap3A_1380 = vector.shape_cast %squeeze3A_1372 : vector<8x8x128xf32> to vector<1x8x1x8x128xf32>
    tpu.vector_store %arg5[%swap3A_1373, %swap3A_1374, %swap3A_1375, %swap3A_1376, %swap3A_1377], %swap3A_1380 {strides = array<i32>} : memref<200x8x1x8x128xf32, #tpu.memory_space<vmem>>, vector<1x8x1x8x128xf32>,
    %slice3A_1381 = vector.extract_strided_slice %add3A_63 {offsets = [0, 55, 0], sizes = [128, 1, 128], strides = [1, 1, 1]} : vector<128x100x128xf32> to vector<128x1x128xf32>
    %squeeze3A_1382 = vector.shape_cast %slice3A_1381 : vector<128x1x128xf32> to vector<128x128xf32>
    %transpose3A_1383 = tpu.transpose %squeeze3A_1382, [1, 0] : vector<128x128xf32> -> vector<128x128xf32>
    %reshape3A_1384 = vector.shape_cast %transpose3A_1383 : vector<128x128xf32> to vector<2x8x8x128xf32>
    %slice3A_1385 = vector.extract_strided_slice %reshape3A_1384 {offsets = [0, 0, 0, 0], sizes = [1, 8, 8, 128], strides = [1, 1, 1, 1]} : vector<2x8x8x128xf32> to vector<1x8x8x128xf32>
    %squeeze3A_1386 = vector.shape_cast %slice3A_1385 : vector<1x8x8x128xf32> to vector<8x8x128xf32>
    %swap3A_1387 = arith.constant 110 : index
    %swap3A_1388 = arith.constant 0 : index
    %swap3A_1389 = arith.constant 0 : index
    %swap3A_1390 = arith.constant 0 : index
    %swap3A_1391 = arith.constant 0 : index
    %swap3A_1392 = vector.load %arg5[%swap3A_1387, %swap3A_1388, %swap3A_1389, %swap3A_1390, %swap3A_1391] : memref<200x8x1x8x128xf32, #tpu.memory_space<vmem>>, vector<1x8x1x8x128xf32>
    %swap3A_1393 = vector.shape_cast %swap3A_1392 : vector<1x8x1x8x128xf32> to vector<8x8x128xf32>
    %swap3A_1394 = vector.shape_cast %squeeze3A_1386 : vector<8x8x128xf32> to vector<1x8x1x8x128xf32>
    tpu.vector_store %arg5[%swap3A_1387, %swap3A_1388, %swap3A_1389, %swap3A_1390, %swap3A_1391], %swap3A_1394 {strides = array<i32>} : memref<200x8x1x8x128xf32, #tpu.memory_space<vmem>>, vector<1x8x1x8x128xf32>,
    %slice3A_1395 = vector.extract_strided_slice %reshape3A_1384 {offsets = [1, 0, 0, 0], sizes = [1, 8, 8, 128], strides = [1, 1, 1, 1]} : vector<2x8x8x128xf32> to vector<1x8x8x128xf32>
    %squeeze3A_1396 = vector.shape_cast %slice3A_1395 : vector<1x8x8x128xf32> to vector<8x8x128xf32>
    %swap3A_1397 = arith.constant 111 : index
    %swap3A_1398 = arith.constant 0 : index
    %swap3A_1399 = arith.constant 0 : index
    %swap3A_1400 = arith.constant 0 : index
    %swap3A_1401 = arith.constant 0 : index
    %swap3A_1402 = vector.load %arg5[%swap3A_1397, %swap3A_1398, %swap3A_1399, %swap3A_1400, %swap3A_1401] : memref<200x8x1x8x128xf32, #tpu.memory_space<vmem>>, vector<1x8x1x8x128xf32>
    %swap3A_1403 = vector.shape_cast %swap3A_1402 : vector<1x8x1x8x128xf32> to vector<8x8x128xf32>
    %swap3A_1404 = vector.shape_cast %squeeze3A_1396 : vector<8x8x128xf32> to vector<1x8x1x8x128xf32>
    tpu.vector_store %arg5[%swap3A_1397, %swap3A_1398, %swap3A_1399, %swap3A_1400, %swap3A_1401], %swap3A_1404 {strides = array<i32>} : memref<200x8x1x8x128xf32, #tpu.memory_space<vmem>>, vector<1x8x1x8x128xf32>,
    %slice3A_1405 = vector.extract_strided_slice %add3A_63 {offsets = [0, 56, 0], sizes = [128, 1, 128], strides = [1, 1, 1]} : vector<128x100x128xf32> to vector<128x1x128xf32>
    %squeeze3A_1406 = vector.shape_cast %slice3A_1405 : vector<128x1x128xf32> to vector<128x128xf32>
    %transpose3A_1407 = tpu.transpose %squeeze3A_1406, [1, 0] : vector<128x128xf32> -> vector<128x128xf32>
    %reshape3A_1408 = vector.shape_cast %transpose3A_1407 : vector<128x128xf32> to vector<2x8x8x128xf32>
    %slice3A_1409 = vector.extract_strided_slice %reshape3A_1408 {offsets = [0, 0, 0, 0], sizes = [1, 8, 8, 128], strides = [1, 1, 1, 1]} : vector<2x8x8x128xf32> to vector<1x8x8x128xf32>
    %squeeze3A_1410 = vector.shape_cast %slice3A_1409 : vector<1x8x8x128xf32> to vector<8x8x128xf32>
    %swap3A_1411 = arith.constant 112 : index
    %swap3A_1412 = arith.constant 0 : index
    %swap3A_1413 = arith.constant 0 : index
    %swap3A_1414 = arith.constant 0 : index
    %swap3A_1415 = arith.constant 0 : index
    %swap3A_1416 = vector.load %arg5[%swap3A_1411, %swap3A_1412, %swap3A_1413, %swap3A_1414, %swap3A_1415] : memref<200x8x1x8x128xf32, #tpu.memory_space<vmem>>, vector<1x8x1x8x128xf32>
    %swap3A_1417 = vector.shape_cast %swap3A_1416 : vector<1x8x1x8x128xf32> to vector<8x8x128xf32>
    %swap3A_1418 = vector.shape_cast %squeeze3A_1410 : vector<8x8x128xf32> to vector<1x8x1x8x128xf32>
    tpu.vector_store %arg5[%swap3A_1411, %swap3A_1412, %swap3A_1413, %swap3A_1414, %swap3A_1415], %swap3A_1418 {strides = array<i32>} : memref<200x8x1x8x128xf32, #tpu.memory_space<vmem>>, vector<1x8x1x8x128xf32>,
    %slice3A_1419 = vector.extract_strided_slice %reshape3A_1408 {offsets = [1, 0, 0, 0], sizes = [1, 8, 8, 128], strides = [1, 1, 1, 1]} : vector<2x8x8x128xf32> to vector<1x8x8x128xf32>
    %squeeze3A_1420 = vector.shape_cast %slice3A_1419 : vector<1x8x8x128xf32> to vector<8x8x128xf32>
    %swap3A_1421 = arith.constant 113 : index
    %swap3A_1422 = arith.constant 0 : index
    %swap3A_1423 = arith.constant 0 : index
    %swap3A_1424 = arith.constant 0 : index
    %swap3A_1425 = arith.constant 0 : index
    %swap3A_1426 = vector.load %arg5[%swap3A_1421, %swap3A_1422, %swap3A_1423, %swap3A_1424, %swap3A_1425] : memref<200x8x1x8x128xf32, #tpu.memory_space<vmem>>, vector<1x8x1x8x128xf32>
    %swap3A_1427 = vector.shape_cast %swap3A_1426 : vector<1x8x1x8x128xf32> to vector<8x8x128xf32>
    %swap3A_1428 = vector.shape_cast %squeeze3A_1420 : vector<8x8x128xf32> to vector<1x8x1x8x128xf32>
    tpu.vector_store %arg5[%swap3A_1421, %swap3A_1422, %swap3A_1423, %swap3A_1424, %swap3A_1425], %swap3A_1428 {strides = array<i32>} : memref<200x8x1x8x128xf32, #tpu.memory_space<vmem>>, vector<1x8x1x8x128xf32>,
    %slice3A_1429 = vector.extract_strided_slice %add3A_63 {offsets = [0, 57, 0], sizes = [128, 1, 128], strides = [1, 1, 1]} : vector<128x100x128xf32> to vector<128x1x128xf32>
    %squeeze3A_1430 = vector.shape_cast %slice3A_1429 : vector<128x1x128xf32> to vector<128x128xf32>
    %transpose3A_1431 = tpu.transpose %squeeze3A_1430, [1, 0] : vector<128x128xf32> -> vector<128x128xf32>
    %reshape3A_1432 = vector.shape_cast %transpose3A_1431 : vector<128x128xf32> to vector<2x8x8x128xf32>
    %slice3A_1433 = vector.extract_strided_slice %reshape3A_1432 {offsets = [0, 0, 0, 0], sizes = [1, 8, 8, 128], strides = [1, 1, 1, 1]} : vector<2x8x8x128xf32> to vector<1x8x8x128xf32>
    %squeeze3A_1434 = vector.shape_cast %slice3A_1433 : vector<1x8x8x128xf32> to vector<8x8x128xf32>
    %swap3A_1435 = arith.constant 114 : index
    %swap3A_1436 = arith.constant 0 : index
    %swap3A_1437 = arith.constant 0 : index
    %swap3A_1438 = arith.constant 0 : index
    %swap3A_1439 = arith.constant 0 : index
    %swap3A_1440 = vector.load %arg5[%swap3A_1435, %swap3A_1436, %swap3A_1437, %swap3A_1438, %swap3A_1439] : memref<200x8x1x8x128xf32, #tpu.memory_space<vmem>>, vector<1x8x1x8x128xf32>
    %swap3A_1441 = vector.shape_cast %swap3A_1440 : vector<1x8x1x8x128xf32> to vector<8x8x128xf32>
    %swap3A_1442 = vector.shape_cast %squeeze3A_1434 : vector<8x8x128xf32> to vector<1x8x1x8x128xf32>
    tpu.vector_store %arg5[%swap3A_1435, %swap3A_1436, %swap3A_1437, %swap3A_1438, %swap3A_1439], %swap3A_1442 {strides = array<i32>} : memref<200x8x1x8x128xf32, #tpu.memory_space<vmem>>, vector<1x8x1x8x128xf32>,
    %slice3A_1443 = vector.extract_strided_slice %reshape3A_1432 {offsets = [1, 0, 0, 0], sizes = [1, 8, 8, 128], strides = [1, 1, 1, 1]} : vector<2x8x8x128xf32> to vector<1x8x8x128xf32>
    %squeeze3A_1444 = vector.shape_cast %slice3A_1443 : vector<1x8x8x128xf32> to vector<8x8x128xf32>
    %swap3A_1445 = arith.constant 115 : index
    %swap3A_1446 = arith.constant 0 : index
    %swap3A_1447 = arith.constant 0 : index
    %swap3A_1448 = arith.constant 0 : index
    %swap3A_1449 = arith.constant 0 : index
    %swap3A_1450 = vector.load %arg5[%swap3A_1445, %swap3A_1446, %swap3A_1447, %swap3A_1448, %swap3A_1449] : memref<200x8x1x8x128xf32, #tpu.memory_space<vmem>>, vector<1x8x1x8x128xf32>
    %swap3A_1451 = vector.shape_cast %swap3A_1450 : vector<1x8x1x8x128xf32> to vector<8x8x128xf32>
    %swap3A_1452 = vector.shape_cast %squeeze3A_1444 : vector<8x8x128xf32> to vector<1x8x1x8x128xf32>
    tpu.vector_store %arg5[%swap3A_1445, %swap3A_1446, %swap3A_1447, %swap3A_1448, %swap3A_1449], %swap3A_1452 {strides = array<i32>} : memref<200x8x1x8x128xf32, #tpu.memory_space<vmem>>, vector<1x8x1x8x128xf32>,
    %slice3A_1453 = vector.extract_strided_slice %add3A_63 {offsets = [0, 58, 0], sizes = [128, 1, 128], strides = [1, 1, 1]} : vector<128x100x128xf32> to vector<128x1x128xf32>
    %squeeze3A_1454 = vector.shape_cast %slice3A_1453 : vector<128x1x128xf32> to vector<128x128xf32>
    %transpose3A_1455 = tpu.transpose %squeeze3A_1454, [1, 0] : vector<128x128xf32> -> vector<128x128xf32>
    %reshape3A_1456 = vector.shape_cast %transpose3A_1455 : vector<128x128xf32> to vector<2x8x8x128xf32>
    %slice3A_1457 = vector.extract_strided_slice %reshape3A_1456 {offsets = [0, 0, 0, 0], sizes = [1, 8, 8, 128], strides = [1, 1, 1, 1]} : vector<2x8x8x128xf32> to vector<1x8x8x128xf32>
    %squeeze3A_1458 = vector.shape_cast %slice3A_1457 : vector<1x8x8x128xf32> to vector<8x8x128xf32>
    %swap3A_1459 = arith.constant 116 : index
    %swap3A_1460 = arith.constant 0 : index
    %swap3A_1461 = arith.constant 0 : index
    %swap3A_1462 = arith.constant 0 : index
    %swap3A_1463 = arith.constant 0 : index
    %swap3A_1464 = vector.load %arg5[%swap3A_1459, %swap3A_1460, %swap3A_1461, %swap3A_1462, %swap3A_1463] : memref<200x8x1x8x128xf32, #tpu.memory_space<vmem>>, vector<1x8x1x8x128xf32>
    %swap3A_1465 = vector.shape_cast %swap3A_1464 : vector<1x8x1x8x128xf32> to vector<8x8x128xf32>
    %swap3A_1466 = vector.shape_cast %squeeze3A_1458 : vector<8x8x128xf32> to vector<1x8x1x8x128xf32>
    tpu.vector_store %arg5[%swap3A_1459, %swap3A_1460, %swap3A_1461, %swap3A_1462, %swap3A_1463], %swap3A_1466 {strides = array<i32>} : memref<200x8x1x8x128xf32, #tpu.memory_space<vmem>>, vector<1x8x1x8x128xf32>,
    %slice3A_1467 = vector.extract_strided_slice %reshape3A_1456 {offsets = [1, 0, 0, 0], sizes = [1, 8, 8, 128], strides = [1, 1, 1, 1]} : vector<2x8x8x128xf32> to vector<1x8x8x128xf32>
    %squeeze3A_1468 = vector.shape_cast %slice3A_1467 : vector<1x8x8x128xf32> to vector<8x8x128xf32>
    %swap3A_1469 = arith.constant 117 : index
    %swap3A_1470 = arith.constant 0 : index
    %swap3A_1471 = arith.constant 0 : index
    %swap3A_1472 = arith.constant 0 : index
    %swap3A_1473 = arith.constant 0 : index
    %swap3A_1474 = vector.load %arg5[%swap3A_1469, %swap3A_1470, %swap3A_1471, %swap3A_1472, %swap3A_1473] : memref<200x8x1x8x128xf32, #tpu.memory_space<vmem>>, vector<1x8x1x8x128xf32>
    %swap3A_1475 = vector.shape_cast %swap3A_1474 : vector<1x8x1x8x128xf32> to vector<8x8x128xf32>
    %swap3A_1476 = vector.shape_cast %squeeze3A_1468 : vector<8x8x128xf32> to vector<1x8x1x8x128xf32>
    tpu.vector_store %arg5[%swap3A_1469, %swap3A_1470, %swap3A_1471, %swap3A_1472, %swap3A_1473], %swap3A_1476 {strides = array<i32>} : memref<200x8x1x8x128xf32, #tpu.memory_space<vmem>>, vector<1x8x1x8x128xf32>,
    %slice3A_1477 = vector.extract_strided_slice %add3A_63 {offsets = [0, 59, 0], sizes = [128, 1, 128], strides = [1, 1, 1]} : vector<128x100x128xf32> to vector<128x1x128xf32>
    %squeeze3A_1478 = vector.shape_cast %slice3A_1477 : vector<128x1x128xf32> to vector<128x128xf32>
    %transpose3A_1479 = tpu.transpose %squeeze3A_1478, [1, 0] : vector<128x128xf32> -> vector<128x128xf32>
    %reshape3A_1480 = vector.shape_cast %transpose3A_1479 : vector<128x128xf32> to vector<2x8x8x128xf32>
    %slice3A_1481 = vector.extract_strided_slice %reshape3A_1480 {offsets = [0, 0, 0, 0], sizes = [1, 8, 8, 128], strides = [1, 1, 1, 1]} : vector<2x8x8x128xf32> to vector<1x8x8x128xf32>
    %squeeze3A_1482 = vector.shape_cast %slice3A_1481 : vector<1x8x8x128xf32> to vector<8x8x128xf32>
    %swap3A_1483 = arith.constant 118 : index
    %swap3A_1484 = arith.constant 0 : index
    %swap3A_1485 = arith.constant 0 : index
    %swap3A_1486 = arith.constant 0 : index
    %swap3A_1487 = arith.constant 0 : index
    %swap3A_1488 = vector.load %arg5[%swap3A_1483, %swap3A_1484, %swap3A_1485, %swap3A_1486, %swap3A_1487] : memref<200x8x1x8x128xf32, #tpu.memory_space<vmem>>, vector<1x8x1x8x128xf32>
    %swap3A_1489 = vector.shape_cast %swap3A_1488 : vector<1x8x1x8x128xf32> to vector<8x8x128xf32>
    %swap3A_1490 = vector.shape_cast %squeeze3A_1482 : vector<8x8x128xf32> to vector<1x8x1x8x128xf32>
    tpu.vector_store %arg5[%swap3A_1483, %swap3A_1484, %swap3A_1485, %swap3A_1486, %swap3A_1487], %swap3A_1490 {strides = array<i32>} : memref<200x8x1x8x128xf32, #tpu.memory_space<vmem>>, vector<1x8x1x8x128xf32>,
    %slice3A_1491 = vector.extract_strided_slice %reshape3A_1480 {offsets = [1, 0, 0, 0], sizes = [1, 8, 8, 128], strides = [1, 1, 1, 1]} : vector<2x8x8x128xf32> to vector<1x8x8x128xf32>
    %squeeze3A_1492 = vector.shape_cast %slice3A_1491 : vector<1x8x8x128xf32> to vector<8x8x128xf32>
    %swap3A_1493 = arith.constant 119 : index
    %swap3A_1494 = arith.constant 0 : index
    %swap3A_1495 = arith.constant 0 : index
    %swap3A_1496 = arith.constant 0 : index
    %swap3A_1497 = arith.constant 0 : index
    %swap3A_1498 = vector.load %arg5[%swap3A_1493, %swap3A_1494, %swap3A_1495, %swap3A_1496, %swap3A_1497] : memref<200x8x1x8x128xf32, #tpu.memory_space<vmem>>, vector<1x8x1x8x128xf32>
    %swap3A_1499 = vector.shape_cast %swap3A_1498 : vector<1x8x1x8x128xf32> to vector<8x8x128xf32>
    %swap3A_1500 = vector.shape_cast %squeeze3A_1492 : vector<8x8x128xf32> to vector<1x8x1x8x128xf32>
    tpu.vector_store %arg5[%swap3A_1493, %swap3A_1494, %swap3A_1495, %swap3A_1496, %swap3A_1497], %swap3A_1500 {strides = array<i32>} : memref<200x8x1x8x128xf32, #tpu.memory_space<vmem>>, vector<1x8x1x8x128xf32>,
    %slice3A_1501 = vector.extract_strided_slice %add3A_63 {offsets = [0, 60, 0], sizes = [128, 1, 128], strides = [1, 1, 1]} : vector<128x100x128xf32> to vector<128x1x128xf32>
    %squeeze3A_1502 = vector.shape_cast %slice3A_1501 : vector<128x1x128xf32> to vector<128x128xf32>
    %transpose3A_1503 = tpu.transpose %squeeze3A_1502, [1, 0] : vector<128x128xf32> -> vector<128x128xf32>
    %reshape3A_1504 = vector.shape_cast %transpose3A_1503 : vector<128x128xf32> to vector<2x8x8x128xf32>
    %slice3A_1505 = vector.extract_strided_slice %reshape3A_1504 {offsets = [0, 0, 0, 0], sizes = [1, 8, 8, 128], strides = [1, 1, 1, 1]} : vector<2x8x8x128xf32> to vector<1x8x8x128xf32>
    %squeeze3A_1506 = vector.shape_cast %slice3A_1505 : vector<1x8x8x128xf32> to vector<8x8x128xf32>
    %swap3A_1507 = arith.constant 120 : index
    %swap3A_1508 = arith.constant 0 : index
    %swap3A_1509 = arith.constant 0 : index
    %swap3A_1510 = arith.constant 0 : index
    %swap3A_1511 = arith.constant 0 : index
    %swap3A_1512 = vector.load %arg5[%swap3A_1507, %swap3A_1508, %swap3A_1509, %swap3A_1510, %swap3A_1511] : memref<200x8x1x8x128xf32, #tpu.memory_space<vmem>>, vector<1x8x1x8x128xf32>
    %swap3A_1513 = vector.shape_cast %swap3A_1512 : vector<1x8x1x8x128xf32> to vector<8x8x128xf32>
    %swap3A_1514 = vector.shape_cast %squeeze3A_1506 : vector<8x8x128xf32> to vector<1x8x1x8x128xf32>
    tpu.vector_store %arg5[%swap3A_1507, %swap3A_1508, %swap3A_1509, %swap3A_1510, %swap3A_1511], %swap3A_1514 {strides = array<i32>} : memref<200x8x1x8x128xf32, #tpu.memory_space<vmem>>, vector<1x8x1x8x128xf32>,
    %slice3A_1515 = vector.extract_strided_slice %reshape3A_1504 {offsets = [1, 0, 0, 0], sizes = [1, 8, 8, 128], strides = [1, 1, 1, 1]} : vector<2x8x8x128xf32> to vector<1x8x8x128xf32>
    %squeeze3A_1516 = vector.shape_cast %slice3A_1515 : vector<1x8x8x128xf32> to vector<8x8x128xf32>
    %swap3A_1517 = arith.constant 121 : index
    %swap3A_1518 = arith.constant 0 : index
    %swap3A_1519 = arith.constant 0 : index
    %swap3A_1520 = arith.constant 0 : index
    %swap3A_1521 = arith.constant 0 : index
    %swap3A_1522 = vector.load %arg5[%swap3A_1517, %swap3A_1518, %swap3A_1519, %swap3A_1520, %swap3A_1521] : memref<200x8x1x8x128xf32, #tpu.memory_space<vmem>>, vector<1x8x1x8x128xf32>
    %swap3A_1523 = vector.shape_cast %swap3A_1522 : vector<1x8x1x8x128xf32> to vector<8x8x128xf32>
    %swap3A_1524 = vector.shape_cast %squeeze3A_1516 : vector<8x8x128xf32> to vector<1x8x1x8x128xf32>
    tpu.vector_store %arg5[%swap3A_1517, %swap3A_1518, %swap3A_1519, %swap3A_1520, %swap3A_1521], %swap3A_1524 {strides = array<i32>} : memref<200x8x1x8x128xf32, #tpu.memory_space<vmem>>, vector<1x8x1x8x128xf32>,
    %slice3A_1525 = vector.extract_strided_slice %add3A_63 {offsets = [0, 61, 0], sizes = [128, 1, 128], strides = [1, 1, 1]} : vector<128x100x128xf32> to vector<128x1x128xf32>
    %squeeze3A_1526 = vector.shape_cast %slice3A_1525 : vector<128x1x128xf32> to vector<128x128xf32>
    %transpose3A_1527 = tpu.transpose %squeeze3A_1526, [1, 0] : vector<128x128xf32> -> vector<128x128xf32>
    %reshape3A_1528 = vector.shape_cast %transpose3A_1527 : vector<128x128xf32> to vector<2x8x8x128xf32>
    %slice3A_1529 = vector.extract_strided_slice %reshape3A_1528 {offsets = [0, 0, 0, 0], sizes = [1, 8, 8, 128], strides = [1, 1, 1, 1]} : vector<2x8x8x128xf32> to vector<1x8x8x128xf32>
    %squeeze3A_1530 = vector.shape_cast %slice3A_1529 : vector<1x8x8x128xf32> to vector<8x8x128xf32>
    %swap3A_1531 = arith.constant 122 : index
    %swap3A_1532 = arith.constant 0 : index
    %swap3A_1533 = arith.constant 0 : index
    %swap3A_1534 = arith.constant 0 : index
    %swap3A_1535 = arith.constant 0 : index
    %swap3A_1536 = vector.load %arg5[%swap3A_1531, %swap3A_1532, %swap3A_1533, %swap3A_1534, %swap3A_1535] : memref<200x8x1x8x128xf32, #tpu.memory_space<vmem>>, vector<1x8x1x8x128xf32>
    %swap3A_1537 = vector.shape_cast %swap3A_1536 : vector<1x8x1x8x128xf32> to vector<8x8x128xf32>
    %swap3A_1538 = vector.shape_cast %squeeze3A_1530 : vector<8x8x128xf32> to vector<1x8x1x8x128xf32>
    tpu.vector_store %arg5[%swap3A_1531, %swap3A_1532, %swap3A_1533, %swap3A_1534, %swap3A_1535], %swap3A_1538 {strides = array<i32>} : memref<200x8x1x8x128xf32, #tpu.memory_space<vmem>>, vector<1x8x1x8x128xf32>,
    %slice3A_1539 = vector.extract_strided_slice %reshape3A_1528 {offsets = [1, 0, 0, 0], sizes = [1, 8, 8, 128], strides = [1, 1, 1, 1]} : vector<2x8x8x128xf32> to vector<1x8x8x128xf32>
    %squeeze3A_1540 = vector.shape_cast %slice3A_1539 : vector<1x8x8x128xf32> to vector<8x8x128xf32>
    %swap3A_1541 = arith.constant 123 : index
    %swap3A_1542 = arith.constant 0 : index
    %swap3A_1543 = arith.constant 0 : index
    %swap3A_1544 = arith.constant 0 : index
    %swap3A_1545 = arith.constant 0 : index
    %swap3A_1546 = vector.load %arg5[%swap3A_1541, %swap3A_1542, %swap3A_1543, %swap3A_1544, %swap3A_1545] : memref<200x8x1x8x128xf32, #tpu.memory_space<vmem>>, vector<1x8x1x8x128xf32>
    %swap3A_1547 = vector.shape_cast %swap3A_1546 : vector<1x8x1x8x128xf32> to vector<8x8x128xf32>
    %swap3A_1548 = vector.shape_cast %squeeze3A_1540 : vector<8x8x128xf32> to vector<1x8x1x8x128xf32>
    tpu.vector_store %arg5[%swap3A_1541, %swap3A_1542, %swap3A_1543, %swap3A_1544, %swap3A_1545], %swap3A_1548 {strides = array<i32>} : memref<200x8x1x8x128xf32, #tpu.memory_space<vmem>>, vector<1x8x1x8x128xf32>,
    %slice3A_1549 = vector.extract_strided_slice %add3A_63 {offsets = [0, 62, 0], sizes = [128, 1, 128], strides = [1, 1, 1]} : vector<128x100x128xf32> to vector<128x1x128xf32>
    %squeeze3A_1550 = vector.shape_cast %slice3A_1549 : vector<128x1x128xf32> to vector<128x128xf32>
    %transpose3A_1551 = tpu.transpose %squeeze3A_1550, [1, 0] : vector<128x128xf32> -> vector<128x128xf32>
    %reshape3A_1552 = vector.shape_cast %transpose3A_1551 : vector<128x128xf32> to vector<2x8x8x128xf32>
    %slice3A_1553 = vector.extract_strided_slice %reshape3A_1552 {offsets = [0, 0, 0, 0], sizes = [1, 8, 8, 128], strides = [1, 1, 1, 1]} : vector<2x8x8x128xf32> to vector<1x8x8x128xf32>
    %squeeze3A_1554 = vector.shape_cast %slice3A_1553 : vector<1x8x8x128xf32> to vector<8x8x128xf32>
    %swap3A_1555 = arith.constant 124 : index
    %swap3A_1556 = arith.constant 0 : index
    %swap3A_1557 = arith.constant 0 : index
    %swap3A_1558 = arith.constant 0 : index
    %swap3A_1559 = arith.constant 0 : index
    %swap3A_1560 = vector.load %arg5[%swap3A_1555, %swap3A_1556, %swap3A_1557, %swap3A_1558, %swap3A_1559] : memref<200x8x1x8x128xf32, #tpu.memory_space<vmem>>, vector<1x8x1x8x128xf32>
    %swap3A_1561 = vector.shape_cast %swap3A_1560 : vector<1x8x1x8x128xf32> to vector<8x8x128xf32>
    %swap3A_1562 = vector.shape_cast %squeeze3A_1554 : vector<8x8x128xf32> to vector<1x8x1x8x128xf32>
    tpu.vector_store %arg5[%swap3A_1555, %swap3A_1556, %swap3A_1557, %swap3A_1558, %swap3A_1559], %swap3A_1562 {strides = array<i32>} : memref<200x8x1x8x128xf32, #tpu.memory_space<vmem>>, vector<1x8x1x8x128xf32>,
    %slice3A_1563 = vector.extract_strided_slice %reshape3A_1552 {offsets = [1, 0, 0, 0], sizes = [1, 8, 8, 128], strides = [1, 1, 1, 1]} : vector<2x8x8x128xf32> to vector<1x8x8x128xf32>
    %squeeze3A_1564 = vector.shape_cast %slice3A_1563 : vector<1x8x8x128xf32> to vector<8x8x128xf32>
    %swap3A_1565 = arith.constant 125 : index
    %swap3A_1566 = arith.constant 0 : index
    %swap3A_1567 = arith.constant 0 : index
    %swap3A_1568 = arith.constant 0 : index
    %swap3A_1569 = arith.constant 0 : index
    %swap3A_1570 = vector.load %arg5[%swap3A_1565, %swap3A_1566, %swap3A_1567, %swap3A_1568, %swap3A_1569] : memref<200x8x1x8x128xf32, #tpu.memory_space<vmem>>, vector<1x8x1x8x128xf32>
    %swap3A_1571 = vector.shape_cast %swap3A_1570 : vector<1x8x1x8x128xf32> to vector<8x8x128xf32>
    %swap3A_1572 = vector.shape_cast %squeeze3A_1564 : vector<8x8x128xf32> to vector<1x8x1x8x128xf32>
    tpu.vector_store %arg5[%swap3A_1565, %swap3A_1566, %swap3A_1567, %swap3A_1568, %swap3A_1569], %swap3A_1572 {strides = array<i32>} : memref<200x8x1x8x128xf32, #tpu.memory_space<vmem>>, vector<1x8x1x8x128xf32>,
    %slice3A_1573 = vector.extract_strided_slice %add3A_63 {offsets = [0, 63, 0], sizes = [128, 1, 128], strides = [1, 1, 1]} : vector<128x100x128xf32> to vector<128x1x128xf32>
    %squeeze3A_1574 = vector.shape_cast %slice3A_1573 : vector<128x1x128xf32> to vector<128x128xf32>
    %transpose3A_1575 = tpu.transpose %squeeze3A_1574, [1, 0] : vector<128x128xf32> -> vector<128x128xf32>
    %reshape3A_1576 = vector.shape_cast %transpose3A_1575 : vector<128x128xf32> to vector<2x8x8x128xf32>
    %slice3A_1577 = vector.extract_strided_slice %reshape3A_1576 {offsets = [0, 0, 0, 0], sizes = [1, 8, 8, 128], strides = [1, 1, 1, 1]} : vector<2x8x8x128xf32> to vector<1x8x8x128xf32>
    %squeeze3A_1578 = vector.shape_cast %slice3A_1577 : vector<1x8x8x128xf32> to vector<8x8x128xf32>
    %swap3A_1579 = arith.constant 126 : index
    %swap3A_1580 = arith.constant 0 : index
    %swap3A_1581 = arith.constant 0 : index
    %swap3A_1582 = arith.constant 0 : index
    %swap3A_1583 = arith.constant 0 : index
    %swap3A_1584 = vector.load %arg5[%swap3A_1579, %swap3A_1580, %swap3A_1581, %swap3A_1582, %swap3A_1583] : memref<200x8x1x8x128xf32, #tpu.memory_space<vmem>>, vector<1x8x1x8x128xf32>
    %swap3A_1585 = vector.shape_cast %swap3A_1584 : vector<1x8x1x8x128xf32> to vector<8x8x128xf32>
    %swap3A_1586 = vector.shape_cast %squeeze3A_1578 : vector<8x8x128xf32> to vector<1x8x1x8x128xf32>
    tpu.vector_store %arg5[%swap3A_1579, %swap3A_1580, %swap3A_1581, %swap3A_1582, %swap3A_1583], %swap3A_1586 {strides = array<i32>} : memref<200x8x1x8x128xf32, #tpu.memory_space<vmem>>, vector<1x8x1x8x128xf32>,
    %slice3A_1587 = vector.extract_strided_slice %reshape3A_1576 {offsets = [1, 0, 0, 0], sizes = [1, 8, 8, 128], strides = [1, 1, 1, 1]} : vector<2x8x8x128xf32> to vector<1x8x8x128xf32>
    %squeeze3A_1588 = vector.shape_cast %slice3A_1587 : vector<1x8x8x128xf32> to vector<8x8x128xf32>
    %swap3A_1589 = arith.constant 127 : index
    %swap3A_1590 = arith.constant 0 : index
    %swap3A_1591 = arith.constant 0 : index
    %swap3A_1592 = arith.constant 0 : index
    %swap3A_1593 = arith.constant 0 : index
    %swap3A_1594 = vector.load %arg5[%swap3A_1589, %swap3A_1590, %swap3A_1591, %swap3A_1592, %swap3A_1593] : memref<200x8x1x8x128xf32, #tpu.memory_space<vmem>>, vector<1x8x1x8x128xf32>
    %swap3A_1595 = vector.shape_cast %swap3A_1594 : vector<1x8x1x8x128xf32> to vector<8x8x128xf32>
    %swap3A_1596 = vector.shape_cast %squeeze3A_1588 : vector<8x8x128xf32> to vector<1x8x1x8x128xf32>
    tpu.vector_store %arg5[%swap3A_1589, %swap3A_1590, %swap3A_1591, %swap3A_1592, %swap3A_1593], %swap3A_1596 {strides = array<i32>} : memref<200x8x1x8x128xf32, #tpu.memory_space<vmem>>, vector<1x8x1x8x128xf32>,
    %slice3A_1597 = vector.extract_strided_slice %add3A_63 {offsets = [0, 64, 0], sizes = [128, 1, 128], strides = [1, 1, 1]} : vector<128x100x128xf32> to vector<128x1x128xf32>
    %squeeze3A_1598 = vector.shape_cast %slice3A_1597 : vector<128x1x128xf32> to vector<128x128xf32>
    %transpose3A_1599 = tpu.transpose %squeeze3A_1598, [1, 0] : vector<128x128xf32> -> vector<128x128xf32>
    %reshape3A_1600 = vector.shape_cast %transpose3A_1599 : vector<128x128xf32> to vector<2x8x8x128xf32>
    %slice3A_1601 = vector.extract_strided_slice %reshape3A_1600 {offsets = [0, 0, 0, 0], sizes = [1, 8, 8, 128], strides = [1, 1, 1, 1]} : vector<2x8x8x128xf32> to vector<1x8x8x128xf32>
    %squeeze3A_1602 = vector.shape_cast %slice3A_1601 : vector<1x8x8x128xf32> to vector<8x8x128xf32>
    %swap3A_1603 = arith.constant 128 : index
    %swap3A_1604 = arith.constant 0 : index
    %swap3A_1605 = arith.constant 0 : index
    %swap3A_1606 = arith.constant 0 : index
    %swap3A_1607 = arith.constant 0 : index
    %swap3A_1608 = vector.load %arg5[%swap3A_1603, %swap3A_1604, %swap3A_1605, %swap3A_1606, %swap3A_1607] : memref<200x8x1x8x128xf32, #tpu.memory_space<vmem>>, vector<1x8x1x8x128xf32>
    %swap3A_1609 = vector.shape_cast %swap3A_1608 : vector<1x8x1x8x128xf32> to vector<8x8x128xf32>
    %swap3A_1610 = vector.shape_cast %squeeze3A_1602 : vector<8x8x128xf32> to vector<1x8x1x8x128xf32>
    tpu.vector_store %arg5[%swap3A_1603, %swap3A_1604, %swap3A_1605, %swap3A_1606, %swap3A_1607], %swap3A_1610 {strides = array<i32>} : memref<200x8x1x8x128xf32, #tpu.memory_space<vmem>>, vector<1x8x1x8x128xf32>,
    %slice3A_1611 = vector.extract_strided_slice %reshape3A_1600 {offsets = [1, 0, 0, 0], sizes = [1, 8, 8, 128], strides = [1, 1, 1, 1]} : vector<2x8x8x128xf32> to vector<1x8x8x128xf32>
    %squeeze3A_1612 = vector.shape_cast %slice3A_1611 : vector<1x8x8x128xf32> to vector<8x8x128xf32>
    %swap3A_1613 = arith.constant 129 : index
    %swap3A_1614 = arith.constant 0 : index
    %swap3A_1615 = arith.constant 0 : index
    %swap3A_1616 = arith.constant 0 : index
    %swap3A_1617 = arith.constant 0 : index
    %swap3A_1618 = vector.load %arg5[%swap3A_1613, %swap3A_1614, %swap3A_1615, %swap3A_1616, %swap3A_1617] : memref<200x8x1x8x128xf32, #tpu.memory_space<vmem>>, vector<1x8x1x8x128xf32>
    %swap3A_1619 = vector.shape_cast %swap3A_1618 : vector<1x8x1x8x128xf32> to vector<8x8x128xf32>
    %swap3A_1620 = vector.shape_cast %squeeze3A_1612 : vector<8x8x128xf32> to vector<1x8x1x8x128xf32>
    tpu.vector_store %arg5[%swap3A_1613, %swap3A_1614, %swap3A_1615, %swap3A_1616, %swap3A_1617], %swap3A_1620 {strides = array<i32>} : memref<200x8x1x8x128xf32, #tpu.memory_space<vmem>>, vector<1x8x1x8x128xf32>,
    %slice3A_1621 = vector.extract_strided_slice %add3A_63 {offsets = [0, 65, 0], sizes = [128, 1, 128], strides = [1, 1, 1]} : vector<128x100x128xf32> to vector<128x1x128xf32>
    %squeeze3A_1622 = vector.shape_cast %slice3A_1621 : vector<128x1x128xf32> to vector<128x128xf32>
    %transpose3A_1623 = tpu.transpose %squeeze3A_1622, [1, 0] : vector<128x128xf32> -> vector<128x128xf32>
    %reshape3A_1624 = vector.shape_cast %transpose3A_1623 : vector<128x128xf32> to vector<2x8x8x128xf32>
    %slice3A_1625 = vector.extract_strided_slice %reshape3A_1624 {offsets = [0, 0, 0, 0], sizes = [1, 8, 8, 128], strides = [1, 1, 1, 1]} : vector<2x8x8x128xf32> to vector<1x8x8x128xf32>
    %squeeze3A_1626 = vector.shape_cast %slice3A_1625 : vector<1x8x8x128xf32> to vector<8x8x128xf32>
    %swap3A_1627 = arith.constant 130 : index
    %swap3A_1628 = arith.constant 0 : index
    %swap3A_1629 = arith.constant 0 : index
    %swap3A_1630 = arith.constant 0 : index
    %swap3A_1631 = arith.constant 0 : index
    %swap3A_1632 = vector.load %arg5[%swap3A_1627, %swap3A_1628, %swap3A_1629, %swap3A_1630, %swap3A_1631] : memref<200x8x1x8x128xf32, #tpu.memory_space<vmem>>, vector<1x8x1x8x128xf32>
    %swap3A_1633 = vector.shape_cast %swap3A_1632 : vector<1x8x1x8x128xf32> to vector<8x8x128xf32>
    %swap3A_1634 = vector.shape_cast %squeeze3A_1626 : vector<8x8x128xf32> to vector<1x8x1x8x128xf32>
    tpu.vector_store %arg5[%swap3A_1627, %swap3A_1628, %swap3A_1629, %swap3A_1630, %swap3A_1631], %swap3A_1634 {strides = array<i32>} : memref<200x8x1x8x128xf32, #tpu.memory_space<vmem>>, vector<1x8x1x8x128xf32>,
    %slice3A_1635 = vector.extract_strided_slice %reshape3A_1624 {offsets = [1, 0, 0, 0], sizes = [1, 8, 8, 128], strides = [1, 1, 1, 1]} : vector<2x8x8x128xf32> to vector<1x8x8x128xf32>
    %squeeze3A_1636 = vector.shape_cast %slice3A_1635 : vector<1x8x8x128xf32> to vector<8x8x128xf32>
    %swap3A_1637 = arith.constant 131 : index
    %swap3A_1638 = arith.constant 0 : index
    %swap3A_1639 = arith.constant 0 : index
    %swap3A_1640 = arith.constant 0 : index
    %swap3A_1641 = arith.constant 0 : index
    %swap3A_1642 = vector.load %arg5[%swap3A_1637, %swap3A_1638, %swap3A_1639, %swap3A_1640, %swap3A_1641] : memref<200x8x1x8x128xf32, #tpu.memory_space<vmem>>, vector<1x8x1x8x128xf32>
    %swap3A_1643 = vector.shape_cast %swap3A_1642 : vector<1x8x1x8x128xf32> to vector<8x8x128xf32>
    %swap3A_1644 = vector.shape_cast %squeeze3A_1636 : vector<8x8x128xf32> to vector<1x8x1x8x128xf32>
    tpu.vector_store %arg5[%swap3A_1637, %swap3A_1638, %swap3A_1639, %swap3A_1640, %swap3A_1641], %swap3A_1644 {strides = array<i32>} : memref<200x8x1x8x128xf32, #tpu.memory_space<vmem>>, vector<1x8x1x8x128xf32>,
    %slice3A_1645 = vector.extract_strided_slice %add3A_63 {offsets = [0, 66, 0], sizes = [128, 1, 128], strides = [1, 1, 1]} : vector<128x100x128xf32> to vector<128x1x128xf32>
    %squeeze3A_1646 = vector.shape_cast %slice3A_1645 : vector<128x1x128xf32> to vector<128x128xf32>
    %transpose3A_1647 = tpu.transpose %squeeze3A_1646, [1, 0] : vector<128x128xf32> -> vector<128x128xf32>
    %reshape3A_1648 = vector.shape_cast %transpose3A_1647 : vector<128x128xf32> to vector<2x8x8x128xf32>
    %slice3A_1649 = vector.extract_strided_slice %reshape3A_1648 {offsets = [0, 0, 0, 0], sizes = [1, 8, 8, 128], strides = [1, 1, 1, 1]} : vector<2x8x8x128xf32> to vector<1x8x8x128xf32>
    %squeeze3A_1650 = vector.shape_cast %slice3A_1649 : vector<1x8x8x128xf32> to vector<8x8x128xf32>
    %swap3A_1651 = arith.constant 132 : index
    %swap3A_1652 = arith.constant 0 : index
    %swap3A_1653 = arith.constant 0 : index
    %swap3A_1654 = arith.constant 0 : index
    %swap3A_1655 = arith.constant 0 : index
    %swap3A_1656 = vector.load %arg5[%swap3A_1651, %swap3A_1652, %swap3A_1653, %swap3A_1654, %swap3A_1655] : memref<200x8x1x8x128xf32, #tpu.memory_space<vmem>>, vector<1x8x1x8x128xf32>
    %swap3A_1657 = vector.shape_cast %swap3A_1656 : vector<1x8x1x8x128xf32> to vector<8x8x128xf32>
    %swap3A_1658 = vector.shape_cast %squeeze3A_1650 : vector<8x8x128xf32> to vector<1x8x1x8x128xf32>
    tpu.vector_store %arg5[%swap3A_1651, %swap3A_1652, %swap3A_1653, %swap3A_1654, %swap3A_1655], %swap3A_1658 {strides = array<i32>} : memref<200x8x1x8x128xf32, #tpu.memory_space<vmem>>, vector<1x8x1x8x128xf32>,
    %slice3A_1659 = vector.extract_strided_slice %reshape3A_1648 {offsets = [1, 0, 0, 0], sizes = [1, 8, 8, 128], strides = [1, 1, 1, 1]} : vector<2x8x8x128xf32> to vector<1x8x8x128xf32>
    %squeeze3A_1660 = vector.shape_cast %slice3A_1659 : vector<1x8x8x128xf32> to vector<8x8x128xf32>
    %swap3A_1661 = arith.constant 133 : index
    %swap3A_1662 = arith.constant 0 : index
    %swap3A_1663 = arith.constant 0 : index
    %swap3A_1664 = arith.constant 0 : index
    %swap3A_1665 = arith.constant 0 : index
    %swap3A_1666 = vector.load %arg5[%swap3A_1661, %swap3A_1662, %swap3A_1663, %swap3A_1664, %swap3A_1665] : memref<200x8x1x8x128xf32, #tpu.memory_space<vmem>>, vector<1x8x1x8x128xf32>
    %swap3A_1667 = vector.shape_cast %swap3A_1666 : vector<1x8x1x8x128xf32> to vector<8x8x128xf32>
    %swap3A_1668 = vector.shape_cast %squeeze3A_1660 : vector<8x8x128xf32> to vector<1x8x1x8x128xf32>
    tpu.vector_store %arg5[%swap3A_1661, %swap3A_1662, %swap3A_1663, %swap3A_1664, %swap3A_1665], %swap3A_1668 {strides = array<i32>} : memref<200x8x1x8x128xf32, #tpu.memory_space<vmem>>, vector<1x8x1x8x128xf32>,
    %slice3A_1669 = vector.extract_strided_slice %add3A_63 {offsets = [0, 67, 0], sizes = [128, 1, 128], strides = [1, 1, 1]} : vector<128x100x128xf32> to vector<128x1x128xf32>
    %squeeze3A_1670 = vector.shape_cast %slice3A_1669 : vector<128x1x128xf32> to vector<128x128xf32>
    %transpose3A_1671 = tpu.transpose %squeeze3A_1670, [1, 0] : vector<128x128xf32> -> vector<128x128xf32>
    %reshape3A_1672 = vector.shape_cast %transpose3A_1671 : vector<128x128xf32> to vector<2x8x8x128xf32>
    %slice3A_1673 = vector.extract_strided_slice %reshape3A_1672 {offsets = [0, 0, 0, 0], sizes = [1, 8, 8, 128], strides = [1, 1, 1, 1]} : vector<2x8x8x128xf32> to vector<1x8x8x128xf32>
    %squeeze3A_1674 = vector.shape_cast %slice3A_1673 : vector<1x8x8x128xf32> to vector<8x8x128xf32>
    %swap3A_1675 = arith.constant 134 : index
    %swap3A_1676 = arith.constant 0 : index
    %swap3A_1677 = arith.constant 0 : index
    %swap3A_1678 = arith.constant 0 : index
    %swap3A_1679 = arith.constant 0 : index
    %swap3A_1680 = vector.load %arg5[%swap3A_1675, %swap3A_1676, %swap3A_1677, %swap3A_1678, %swap3A_1679] : memref<200x8x1x8x128xf32, #tpu.memory_space<vmem>>, vector<1x8x1x8x128xf32>
    %swap3A_1681 = vector.shape_cast %swap3A_1680 : vector<1x8x1x8x128xf32> to vector<8x8x128xf32>
    %swap3A_1682 = vector.shape_cast %squeeze3A_1674 : vector<8x8x128xf32> to vector<1x8x1x8x128xf32>
    tpu.vector_store %arg5[%swap3A_1675, %swap3A_1676, %swap3A_1677, %swap3A_1678, %swap3A_1679], %swap3A_1682 {strides = array<i32>} : memref<200x8x1x8x128xf32, #tpu.memory_space<vmem>>, vector<1x8x1x8x128xf32>,
    %slice3A_1683 = vector.extract_strided_slice %reshape3A_1672 {offsets = [1, 0, 0, 0], sizes = [1, 8, 8, 128], strides = [1, 1, 1, 1]} : vector<2x8x8x128xf32> to vector<1x8x8x128xf32>
    %squeeze3A_1684 = vector.shape_cast %slice3A_1683 : vector<1x8x8x128xf32> to vector<8x8x128xf32>
    %swap3A_1685 = arith.constant 135 : index
    %swap3A_1686 = arith.constant 0 : index
    %swap3A_1687 = arith.constant 0 : index
    %swap3A_1688 = arith.constant 0 : index
    %swap3A_1689 = arith.constant 0 : index
    %swap3A_1690 = vector.load %arg5[%swap3A_1685, %swap3A_1686, %swap3A_1687, %swap3A_1688, %swap3A_1689] : memref<200x8x1x8x128xf32, #tpu.memory_space<vmem>>, vector<1x8x1x8x128xf32>
    %swap3A_1691 = vector.shape_cast %swap3A_1690 : vector<1x8x1x8x128xf32> to vector<8x8x128xf32>
    %swap3A_1692 = vector.shape_cast %squeeze3A_1684 : vector<8x8x128xf32> to vector<1x8x1x8x128xf32>
    tpu.vector_store %arg5[%swap3A_1685, %swap3A_1686, %swap3A_1687, %swap3A_1688, %swap3A_1689], %swap3A_1692 {strides = array<i32>} : memref<200x8x1x8x128xf32, #tpu.memory_space<vmem>>, vector<1x8x1x8x128xf32>,
    %slice3A_1693 = vector.extract_strided_slice %add3A_63 {offsets = [0, 68, 0], sizes = [128, 1, 128], strides = [1, 1, 1]} : vector<128x100x128xf32> to vector<128x1x128xf32>
    %squeeze3A_1694 = vector.shape_cast %slice3A_1693 : vector<128x1x128xf32> to vector<128x128xf32>
    %transpose3A_1695 = tpu.transpose %squeeze3A_1694, [1, 0] : vector<128x128xf32> -> vector<128x128xf32>
    %reshape3A_1696 = vector.shape_cast %transpose3A_1695 : vector<128x128xf32> to vector<2x8x8x128xf32>
    %slice3A_1697 = vector.extract_strided_slice %reshape3A_1696 {offsets = [0, 0, 0, 0], sizes = [1, 8, 8, 128], strides = [1, 1, 1, 1]} : vector<2x8x8x128xf32> to vector<1x8x8x128xf32>
    %squeeze3A_1698 = vector.shape_cast %slice3A_1697 : vector<1x8x8x128xf32> to vector<8x8x128xf32>
    %swap3A_1699 = arith.constant 136 : index
    %swap3A_1700 = arith.constant 0 : index
    %swap3A_1701 = arith.constant 0 : index
    %swap3A_1702 = arith.constant 0 : index
    %swap3A_1703 = arith.constant 0 : index
    %swap3A_1704 = vector.load %arg5[%swap3A_1699, %swap3A_1700, %swap3A_1701, %swap3A_1702, %swap3A_1703] : memref<200x8x1x8x128xf32, #tpu.memory_space<vmem>>, vector<1x8x1x8x128xf32>
    %swap3A_1705 = vector.shape_cast %swap3A_1704 : vector<1x8x1x8x128xf32> to vector<8x8x128xf32>
    %swap3A_1706 = vector.shape_cast %squeeze3A_1698 : vector<8x8x128xf32> to vector<1x8x1x8x128xf32>
    tpu.vector_store %arg5[%swap3A_1699, %swap3A_1700, %swap3A_1701, %swap3A_1702, %swap3A_1703], %swap3A_1706 {strides = array<i32>} : memref<200x8x1x8x128xf32, #tpu.memory_space<vmem>>, vector<1x8x1x8x128xf32>,
    %slice3A_1707 = vector.extract_strided_slice %reshape3A_1696 {offsets = [1, 0, 0, 0], sizes = [1, 8, 8, 128], strides = [1, 1, 1, 1]} : vector<2x8x8x128xf32> to vector<1x8x8x128xf32>
    %squeeze3A_1708 = vector.shape_cast %slice3A_1707 : vector<1x8x8x128xf32> to vector<8x8x128xf32>
    %swap3A_1709 = arith.constant 137 : index
    %swap3A_1710 = arith.constant 0 : index
    %swap3A_1711 = arith.constant 0 : index
    %swap3A_1712 = arith.constant 0 : index
    %swap3A_1713 = arith.constant 0 : index
    %swap3A_1714 = vector.load %arg5[%swap3A_1709, %swap3A_1710, %swap3A_1711, %swap3A_1712, %swap3A_1713] : memref<200x8x1x8x128xf32, #tpu.memory_space<vmem>>, vector<1x8x1x8x128xf32>
    %swap3A_1715 = vector.shape_cast %swap3A_1714 : vector<1x8x1x8x128xf32> to vector<8x8x128xf32>
    %swap3A_1716 = vector.shape_cast %squeeze3A_1708 : vector<8x8x128xf32> to vector<1x8x1x8x128xf32>
    tpu.vector_store %arg5[%swap3A_1709, %swap3A_1710, %swap3A_1711, %swap3A_1712, %swap3A_1713], %swap3A_1716 {strides = array<i32>} : memref<200x8x1x8x128xf32, #tpu.memory_space<vmem>>, vector<1x8x1x8x128xf32>,
    %slice3A_1717 = vector.extract_strided_slice %add3A_63 {offsets = [0, 69, 0], sizes = [128, 1, 128], strides = [1, 1, 1]} : vector<128x100x128xf32> to vector<128x1x128xf32>
    %squeeze3A_1718 = vector.shape_cast %slice3A_1717 : vector<128x1x128xf32> to vector<128x128xf32>
    %transpose3A_1719 = tpu.transpose %squeeze3A_1718, [1, 0] : vector<128x128xf32> -> vector<128x128xf32>
    %reshape3A_1720 = vector.shape_cast %transpose3A_1719 : vector<128x128xf32> to vector<2x8x8x128xf32>
    %slice3A_1721 = vector.extract_strided_slice %reshape3A_1720 {offsets = [0, 0, 0, 0], sizes = [1, 8, 8, 128], strides = [1, 1, 1, 1]} : vector<2x8x8x128xf32> to vector<1x8x8x128xf32>
    %squeeze3A_1722 = vector.shape_cast %slice3A_1721 : vector<1x8x8x128xf32> to vector<8x8x128xf32>
    %swap3A_1723 = arith.constant 138 : index
    %swap3A_1724 = arith.constant 0 : index
    %swap3A_1725 = arith.constant 0 : index
    %swap3A_1726 = arith.constant 0 : index
    %swap3A_1727 = arith.constant 0 : index
    %swap3A_1728 = vector.load %arg5[%swap3A_1723, %swap3A_1724, %swap3A_1725, %swap3A_1726, %swap3A_1727] : memref<200x8x1x8x128xf32, #tpu.memory_space<vmem>>, vector<1x8x1x8x128xf32>
    %swap3A_1729 = vector.shape_cast %swap3A_1728 : vector<1x8x1x8x128xf32> to vector<8x8x128xf32>
    %swap3A_1730 = vector.shape_cast %squeeze3A_1722 : vector<8x8x128xf32> to vector<1x8x1x8x128xf32>
    tpu.vector_store %arg5[%swap3A_1723, %swap3A_1724, %swap3A_1725, %swap3A_1726, %swap3A_1727], %swap3A_1730 {strides = array<i32>} : memref<200x8x1x8x128xf32, #tpu.memory_space<vmem>>, vector<1x8x1x8x128xf32>,
    %slice3A_1731 = vector.extract_strided_slice %reshape3A_1720 {offsets = [1, 0, 0, 0], sizes = [1, 8, 8, 128], strides = [1, 1, 1, 1]} : vector<2x8x8x128xf32> to vector<1x8x8x128xf32>
    %squeeze3A_1732 = vector.shape_cast %slice3A_1731 : vector<1x8x8x128xf32> to vector<8x8x128xf32>
    %swap3A_1733 = arith.constant 139 : index
    %swap3A_1734 = arith.constant 0 : index
    %swap3A_1735 = arith.constant 0 : index
    %swap3A_1736 = arith.constant 0 : index
    %swap3A_1737 = arith.constant 0 : index
    %swap3A_1738 = vector.load %arg5[%swap3A_1733, %swap3A_1734, %swap3A_1735, %swap3A_1736, %swap3A_1737] : memref<200x8x1x8x128xf32, #tpu.memory_space<vmem>>, vector<1x8x1x8x128xf32>
    %swap3A_1739 = vector.shape_cast %swap3A_1738 : vector<1x8x1x8x128xf32> to vector<8x8x128xf32>
    %swap3A_1740 = vector.shape_cast %squeeze3A_1732 : vector<8x8x128xf32> to vector<1x8x1x8x128xf32>
    tpu.vector_store %arg5[%swap3A_1733, %swap3A_1734, %swap3A_1735, %swap3A_1736, %swap3A_1737], %swap3A_1740 {strides = array<i32>} : memref<200x8x1x8x128xf32, #tpu.memory_space<vmem>>, vector<1x8x1x8x128xf32>,
    %slice3A_1741 = vector.extract_strided_slice %add3A_63 {offsets = [0, 70, 0], sizes = [128, 1, 128], strides = [1, 1, 1]} : vector<128x100x128xf32> to vector<128x1x128xf32>
    %squeeze3A_1742 = vector.shape_cast %slice3A_1741 : vector<128x1x128xf32> to vector<128x128xf32>
    %transpose3A_1743 = tpu.transpose %squeeze3A_1742, [1, 0] : vector<128x128xf32> -> vector<128x128xf32>
    %reshape3A_1744 = vector.shape_cast %transpose3A_1743 : vector<128x128xf32> to vector<2x8x8x128xf32>
    %slice3A_1745 = vector.extract_strided_slice %reshape3A_1744 {offsets = [0, 0, 0, 0], sizes = [1, 8, 8, 128], strides = [1, 1, 1, 1]} : vector<2x8x8x128xf32> to vector<1x8x8x128xf32>
    %squeeze3A_1746 = vector.shape_cast %slice3A_1745 : vector<1x8x8x128xf32> to vector<8x8x128xf32>
    %swap3A_1747 = arith.constant 140 : index
    %swap3A_1748 = arith.constant 0 : index
    %swap3A_1749 = arith.constant 0 : index
    %swap3A_1750 = arith.constant 0 : index
    %swap3A_1751 = arith.constant 0 : index
    %swap3A_1752 = vector.load %arg5[%swap3A_1747, %swap3A_1748, %swap3A_1749, %swap3A_1750, %swap3A_1751] : memref<200x8x1x8x128xf32, #tpu.memory_space<vmem>>, vector<1x8x1x8x128xf32>
    %swap3A_1753 = vector.shape_cast %swap3A_1752 : vector<1x8x1x8x128xf32> to vector<8x8x128xf32>
    %swap3A_1754 = vector.shape_cast %squeeze3A_1746 : vector<8x8x128xf32> to vector<1x8x1x8x128xf32>
    tpu.vector_store %arg5[%swap3A_1747, %swap3A_1748, %swap3A_1749, %swap3A_1750, %swap3A_1751], %swap3A_1754 {strides = array<i32>} : memref<200x8x1x8x128xf32, #tpu.memory_space<vmem>>, vector<1x8x1x8x128xf32>,
    %slice3A_1755 = vector.extract_strided_slice %reshape3A_1744 {offsets = [1, 0, 0, 0], sizes = [1, 8, 8, 128], strides = [1, 1, 1, 1]} : vector<2x8x8x128xf32> to vector<1x8x8x128xf32>
    %squeeze3A_1756 = vector.shape_cast %slice3A_1755 : vector<1x8x8x128xf32> to vector<8x8x128xf32>
    %swap3A_1757 = arith.constant 141 : index
    %swap3A_1758 = arith.constant 0 : index
    %swap3A_1759 = arith.constant 0 : index
    %swap3A_1760 = arith.constant 0 : index
    %swap3A_1761 = arith.constant 0 : index
    %swap3A_1762 = vector.load %arg5[%swap3A_1757, %swap3A_1758, %swap3A_1759, %swap3A_1760, %swap3A_1761] : memref<200x8x1x8x128xf32, #tpu.memory_space<vmem>>, vector<1x8x1x8x128xf32>
    %swap3A_1763 = vector.shape_cast %swap3A_1762 : vector<1x8x1x8x128xf32> to vector<8x8x128xf32>
    %swap3A_1764 = vector.shape_cast %squeeze3A_1756 : vector<8x8x128xf32> to vector<1x8x1x8x128xf32>
    tpu.vector_store %arg5[%swap3A_1757, %swap3A_1758, %swap3A_1759, %swap3A_1760, %swap3A_1761], %swap3A_1764 {strides = array<i32>} : memref<200x8x1x8x128xf32, #tpu.memory_space<vmem>>, vector<1x8x1x8x128xf32>,
    %slice3A_1765 = vector.extract_strided_slice %add3A_63 {offsets = [0, 71, 0], sizes = [128, 1, 128], strides = [1, 1, 1]} : vector<128x100x128xf32> to vector<128x1x128xf32>
    %squeeze3A_1766 = vector.shape_cast %slice3A_1765 : vector<128x1x128xf32> to vector<128x128xf32>
    %transpose3A_1767 = tpu.transpose %squeeze3A_1766, [1, 0] : vector<128x128xf32> -> vector<128x128xf32>
    %reshape3A_1768 = vector.shape_cast %transpose3A_1767 : vector<128x128xf32> to vector<2x8x8x128xf32>
    %slice3A_1769 = vector.extract_strided_slice %reshape3A_1768 {offsets = [0, 0, 0, 0], sizes = [1, 8, 8, 128], strides = [1, 1, 1, 1]} : vector<2x8x8x128xf32> to vector<1x8x8x128xf32>
    %squeeze3A_1770 = vector.shape_cast %slice3A_1769 : vector<1x8x8x128xf32> to vector<8x8x128xf32>
    %swap3A_1771 = arith.constant 142 : index
    %swap3A_1772 = arith.constant 0 : index
    %swap3A_1773 = arith.constant 0 : index
    %swap3A_1774 = arith.constant 0 : index
    %swap3A_1775 = arith.constant 0 : index
    %swap3A_1776 = vector.load %arg5[%swap3A_1771, %swap3A_1772, %swap3A_1773, %swap3A_1774, %swap3A_1775] : memref<200x8x1x8x128xf32, #tpu.memory_space<vmem>>, vector<1x8x1x8x128xf32>
    %swap3A_1777 = vector.shape_cast %swap3A_1776 : vector<1x8x1x8x128xf32> to vector<8x8x128xf32>
    %swap3A_1778 = vector.shape_cast %squeeze3A_1770 : vector<8x8x128xf32> to vector<1x8x1x8x128xf32>
    tpu.vector_store %arg5[%swap3A_1771, %swap3A_1772, %swap3A_1773, %swap3A_1774, %swap3A_1775], %swap3A_1778 {strides = array<i32>} : memref<200x8x1x8x128xf32, #tpu.memory_space<vmem>>, vector<1x8x1x8x128xf32>,
    %slice3A_1779 = vector.extract_strided_slice %reshape3A_1768 {offsets = [1, 0, 0, 0], sizes = [1, 8, 8, 128], strides = [1, 1, 1, 1]} : vector<2x8x8x128xf32> to vector<1x8x8x128xf32>
    %squeeze3A_1780 = vector.shape_cast %slice3A_1779 : vector<1x8x8x128xf32> to vector<8x8x128xf32>
    %swap3A_1781 = arith.constant 143 : index
    %swap3A_1782 = arith.constant 0 : index
    %swap3A_1783 = arith.constant 0 : index
    %swap3A_1784 = arith.constant 0 : index
    %swap3A_1785 = arith.constant 0 : index
    %swap3A_1786 = vector.load %arg5[%swap3A_1781, %swap3A_1782, %swap3A_1783, %swap3A_1784, %swap3A_1785] : memref<200x8x1x8x128xf32, #tpu.memory_space<vmem>>, vector<1x8x1x8x128xf32>
    %swap3A_1787 = vector.shape_cast %swap3A_1786 : vector<1x8x1x8x128xf32> to vector<8x8x128xf32>
    %swap3A_1788 = vector.shape_cast %squeeze3A_1780 : vector<8x8x128xf32> to vector<1x8x1x8x128xf32>
    tpu.vector_store %arg5[%swap3A_1781, %swap3A_1782, %swap3A_1783, %swap3A_1784, %swap3A_1785], %swap3A_1788 {strides = array<i32>} : memref<200x8x1x8x128xf32, #tpu.memory_space<vmem>>, vector<1x8x1x8x128xf32>,
    %slice3A_1789 = vector.extract_strided_slice %add3A_63 {offsets = [0, 72, 0], sizes = [128, 1, 128], strides = [1, 1, 1]} : vector<128x100x128xf32> to vector<128x1x128xf32>
    %squeeze3A_1790 = vector.shape_cast %slice3A_1789 : vector<128x1x128xf32> to vector<128x128xf32>
    %transpose3A_1791 = tpu.transpose %squeeze3A_1790, [1, 0] : vector<128x128xf32> -> vector<128x128xf32>
    %reshape3A_1792 = vector.shape_cast %transpose3A_1791 : vector<128x128xf32> to vector<2x8x8x128xf32>
    %slice3A_1793 = vector.extract_strided_slice %reshape3A_1792 {offsets = [0, 0, 0, 0], sizes = [1, 8, 8, 128], strides = [1, 1, 1, 1]} : vector<2x8x8x128xf32> to vector<1x8x8x128xf32>
    %squeeze3A_1794 = vector.shape_cast %slice3A_1793 : vector<1x8x8x128xf32> to vector<8x8x128xf32>
    %swap3A_1795 = arith.constant 144 : index
    %swap3A_1796 = arith.constant 0 : index
    %swap3A_1797 = arith.constant 0 : index
    %swap3A_1798 = arith.constant 0 : index
    %swap3A_1799 = arith.constant 0 : index
    %swap3A_1800 = vector.load %arg5[%swap3A_1795, %swap3A_1796, %swap3A_1797, %swap3A_1798, %swap3A_1799] : memref<200x8x1x8x128xf32, #tpu.memory_space<vmem>>, vector<1x8x1x8x128xf32>
    %swap3A_1801 = vector.shape_cast %swap3A_1800 : vector<1x8x1x8x128xf32> to vector<8x8x128xf32>
    %swap3A_1802 = vector.shape_cast %squeeze3A_1794 : vector<8x8x128xf32> to vector<1x8x1x8x128xf32>
    tpu.vector_store %arg5[%swap3A_1795, %swap3A_1796, %swap3A_1797, %swap3A_1798, %swap3A_1799], %swap3A_1802 {strides = array<i32>} : memref<200x8x1x8x128xf32, #tpu.memory_space<vmem>>, vector<1x8x1x8x128xf32>,
    %slice3A_1803 = vector.extract_strided_slice %reshape3A_1792 {offsets = [1, 0, 0, 0], sizes = [1, 8, 8, 128], strides = [1, 1, 1, 1]} : vector<2x8x8x128xf32> to vector<1x8x8x128xf32>
    %squeeze3A_1804 = vector.shape_cast %slice3A_1803 : vector<1x8x8x128xf32> to vector<8x8x128xf32>
    %swap3A_1805 = arith.constant 145 : index
    %swap3A_1806 = arith.constant 0 : index
    %swap3A_1807 = arith.constant 0 : index
    %swap3A_1808 = arith.constant 0 : index
    %swap3A_1809 = arith.constant 0 : index
    %swap3A_1810 = vector.load %arg5[%swap3A_1805, %swap3A_1806, %swap3A_1807, %swap3A_1808, %swap3A_1809] : memref<200x8x1x8x128xf32, #tpu.memory_space<vmem>>, vector<1x8x1x8x128xf32>
    %swap3A_1811 = vector.shape_cast %swap3A_1810 : vector<1x8x1x8x128xf32> to vector<8x8x128xf32>
    %swap3A_1812 = vector.shape_cast %squeeze3A_1804 : vector<8x8x128xf32> to vector<1x8x1x8x128xf32>
    tpu.vector_store %arg5[%swap3A_1805, %swap3A_1806, %swap3A_1807, %swap3A_1808, %swap3A_1809], %swap3A_1812 {strides = array<i32>} : memref<200x8x1x8x128xf32, #tpu.memory_space<vmem>>, vector<1x8x1x8x128xf32>,
    %slice3A_1813 = vector.extract_strided_slice %add3A_63 {offsets = [0, 73, 0], sizes = [128, 1, 128], strides = [1, 1, 1]} : vector<128x100x128xf32> to vector<128x1x128xf32>
    %squeeze3A_1814 = vector.shape_cast %slice3A_1813 : vector<128x1x128xf32> to vector<128x128xf32>
    %transpose3A_1815 = tpu.transpose %squeeze3A_1814, [1, 0] : vector<128x128xf32> -> vector<128x128xf32>
    %reshape3A_1816 = vector.shape_cast %transpose3A_1815 : vector<128x128xf32> to vector<2x8x8x128xf32>
    %slice3A_1817 = vector.extract_strided_slice %reshape3A_1816 {offsets = [0, 0, 0, 0], sizes = [1, 8, 8, 128], strides = [1, 1, 1, 1]} : vector<2x8x8x128xf32> to vector<1x8x8x128xf32>
    %squeeze3A_1818 = vector.shape_cast %slice3A_1817 : vector<1x8x8x128xf32> to vector<8x8x128xf32>
    %swap3A_1819 = arith.constant 146 : index
    %swap3A_1820 = arith.constant 0 : index
    %swap3A_1821 = arith.constant 0 : index
    %swap3A_1822 = arith.constant 0 : index
    %swap3A_1823 = arith.constant 0 : index
    %swap3A_1824 = vector.load %arg5[%swap3A_1819, %swap3A_1820, %swap3A_1821, %swap3A_1822, %swap3A_1823] : memref<200x8x1x8x128xf32, #tpu.memory_space<vmem>>, vector<1x8x1x8x128xf32>
    %swap3A_1825 = vector.shape_cast %swap3A_1824 : vector<1x8x1x8x128xf32> to vector<8x8x128xf32>
    %swap3A_1826 = vector.shape_cast %squeeze3A_1818 : vector<8x8x128xf32> to vector<1x8x1x8x128xf32>
    tpu.vector_store %arg5[%swap3A_1819, %swap3A_1820, %swap3A_1821, %swap3A_1822, %swap3A_1823], %swap3A_1826 {strides = array<i32>} : memref<200x8x1x8x128xf32, #tpu.memory_space<vmem>>, vector<1x8x1x8x128xf32>,
    %slice3A_1827 = vector.extract_strided_slice %reshape3A_1816 {offsets = [1, 0, 0, 0], sizes = [1, 8, 8, 128], strides = [1, 1, 1, 1]} : vector<2x8x8x128xf32> to vector<1x8x8x128xf32>
    %squeeze3A_1828 = vector.shape_cast %slice3A_1827 : vector<1x8x8x128xf32> to vector<8x8x128xf32>
    %swap3A_1829 = arith.constant 147 : index
    %swap3A_1830 = arith.constant 0 : index
    %swap3A_1831 = arith.constant 0 : index
    %swap3A_1832 = arith.constant 0 : index
    %swap3A_1833 = arith.constant 0 : index
    %swap3A_1834 = vector.load %arg5[%swap3A_1829, %swap3A_1830, %swap3A_1831, %swap3A_1832, %swap3A_1833] : memref<200x8x1x8x128xf32, #tpu.memory_space<vmem>>, vector<1x8x1x8x128xf32>
    %swap3A_1835 = vector.shape_cast %swap3A_1834 : vector<1x8x1x8x128xf32> to vector<8x8x128xf32>
    %swap3A_1836 = vector.shape_cast %squeeze3A_1828 : vector<8x8x128xf32> to vector<1x8x1x8x128xf32>
    tpu.vector_store %arg5[%swap3A_1829, %swap3A_1830, %swap3A_1831, %swap3A_1832, %swap3A_1833], %swap3A_1836 {strides = array<i32>} : memref<200x8x1x8x128xf32, #tpu.memory_space<vmem>>, vector<1x8x1x8x128xf32>,
    %slice3A_1837 = vector.extract_strided_slice %add3A_63 {offsets = [0, 74, 0], sizes = [128, 1, 128], strides = [1, 1, 1]} : vector<128x100x128xf32> to vector<128x1x128xf32>
    %squeeze3A_1838 = vector.shape_cast %slice3A_1837 : vector<128x1x128xf32> to vector<128x128xf32>
    %transpose3A_1839 = tpu.transpose %squeeze3A_1838, [1, 0] : vector<128x128xf32> -> vector<128x128xf32>
    %reshape3A_1840 = vector.shape_cast %transpose3A_1839 : vector<128x128xf32> to vector<2x8x8x128xf32>
    %slice3A_1841 = vector.extract_strided_slice %reshape3A_1840 {offsets = [0, 0, 0, 0], sizes = [1, 8, 8, 128], strides = [1, 1, 1, 1]} : vector<2x8x8x128xf32> to vector<1x8x8x128xf32>
    %squeeze3A_1842 = vector.shape_cast %slice3A_1841 : vector<1x8x8x128xf32> to vector<8x8x128xf32>
    %swap3A_1843 = arith.constant 148 : index
    %swap3A_1844 = arith.constant 0 : index
    %swap3A_1845 = arith.constant 0 : index
    %swap3A_1846 = arith.constant 0 : index
    %swap3A_1847 = arith.constant 0 : index
    %swap3A_1848 = vector.load %arg5[%swap3A_1843, %swap3A_1844, %swap3A_1845, %swap3A_1846, %swap3A_1847] : memref<200x8x1x8x128xf32, #tpu.memory_space<vmem>>, vector<1x8x1x8x128xf32>
    %swap3A_1849 = vector.shape_cast %swap3A_1848 : vector<1x8x1x8x128xf32> to vector<8x8x128xf32>
    %swap3A_1850 = vector.shape_cast %squeeze3A_1842 : vector<8x8x128xf32> to vector<1x8x1x8x128xf32>
    tpu.vector_store %arg5[%swap3A_1843, %swap3A_1844, %swap3A_1845, %swap3A_1846, %swap3A_1847], %swap3A_1850 {strides = array<i32>} : memref<200x8x1x8x128xf32, #tpu.memory_space<vmem>>, vector<1x8x1x8x128xf32>,
    %slice3A_1851 = vector.extract_strided_slice %reshape3A_1840 {offsets = [1, 0, 0, 0], sizes = [1, 8, 8, 128], strides = [1, 1, 1, 1]} : vector<2x8x8x128xf32> to vector<1x8x8x128xf32>
    %squeeze3A_1852 = vector.shape_cast %slice3A_1851 : vector<1x8x8x128xf32> to vector<8x8x128xf32>
    %swap3A_1853 = arith.constant 149 : index
    %swap3A_1854 = arith.constant 0 : index
    %swap3A_1855 = arith.constant 0 : index
    %swap3A_1856 = arith.constant 0 : index
    %swap3A_1857 = arith.constant 0 : index
    %swap3A_1858 = vector.load %arg5[%swap3A_1853, %swap3A_1854, %swap3A_1855, %swap3A_1856, %swap3A_1857] : memref<200x8x1x8x128xf32, #tpu.memory_space<vmem>>, vector<1x8x1x8x128xf32>
    %swap3A_1859 = vector.shape_cast %swap3A_1858 : vector<1x8x1x8x128xf32> to vector<8x8x128xf32>
    %swap3A_1860 = vector.shape_cast %squeeze3A_1852 : vector<8x8x128xf32> to vector<1x8x1x8x128xf32>
    tpu.vector_store %arg5[%swap3A_1853, %swap3A_1854, %swap3A_1855, %swap3A_1856, %swap3A_1857], %swap3A_1860 {strides = array<i32>} : memref<200x8x1x8x128xf32, #tpu.memory_space<vmem>>, vector<1x8x1x8x128xf32>,
    %slice3A_1861 = vector.extract_strided_slice %add3A_63 {offsets = [0, 75, 0], sizes = [128, 1, 128], strides = [1, 1, 1]} : vector<128x100x128xf32> to vector<128x1x128xf32>
    %squeeze3A_1862 = vector.shape_cast %slice3A_1861 : vector<128x1x128xf32> to vector<128x128xf32>
    %transpose3A_1863 = tpu.transpose %squeeze3A_1862, [1, 0] : vector<128x128xf32> -> vector<128x128xf32>
    %reshape3A_1864 = vector.shape_cast %transpose3A_1863 : vector<128x128xf32> to vector<2x8x8x128xf32>
    %slice3A_1865 = vector.extract_strided_slice %reshape3A_1864 {offsets = [0, 0, 0, 0], sizes = [1, 8, 8, 128], strides = [1, 1, 1, 1]} : vector<2x8x8x128xf32> to vector<1x8x8x128xf32>
    %squeeze3A_1866 = vector.shape_cast %slice3A_1865 : vector<1x8x8x128xf32> to vector<8x8x128xf32>
    %swap3A_1867 = arith.constant 150 : index
    %swap3A_1868 = arith.constant 0 : index
    %swap3A_1869 = arith.constant 0 : index
    %swap3A_1870 = arith.constant 0 : index
    %swap3A_1871 = arith.constant 0 : index
    %swap3A_1872 = vector.load %arg5[%swap3A_1867, %swap3A_1868, %swap3A_1869, %swap3A_1870, %swap3A_1871] : memref<200x8x1x8x128xf32, #tpu.memory_space<vmem>>, vector<1x8x1x8x128xf32>
    %swap3A_1873 = vector.shape_cast %swap3A_1872 : vector<1x8x1x8x128xf32> to vector<8x8x128xf32>
    %swap3A_1874 = vector.shape_cast %squeeze3A_1866 : vector<8x8x128xf32> to vector<1x8x1x8x128xf32>
    tpu.vector_store %arg5[%swap3A_1867, %swap3A_1868, %swap3A_1869, %swap3A_1870, %swap3A_1871], %swap3A_1874 {strides = array<i32>} : memref<200x8x1x8x128xf32, #tpu.memory_space<vmem>>, vector<1x8x1x8x128xf32>,
    %slice3A_1875 = vector.extract_strided_slice %reshape3A_1864 {offsets = [1, 0, 0, 0], sizes = [1, 8, 8, 128], strides = [1, 1, 1, 1]} : vector<2x8x8x128xf32> to vector<1x8x8x128xf32>
    %squeeze3A_1876 = vector.shape_cast %slice3A_1875 : vector<1x8x8x128xf32> to vector<8x8x128xf32>
    %swap3A_1877 = arith.constant 151 : index
    %swap3A_1878 = arith.constant 0 : index
    %swap3A_1879 = arith.constant 0 : index
    %swap3A_1880 = arith.constant 0 : index
    %swap3A_1881 = arith.constant 0 : index
    %swap3A_1882 = vector.load %arg5[%swap3A_1877, %swap3A_1878, %swap3A_1879, %swap3A_1880, %swap3A_1881] : memref<200x8x1x8x128xf32, #tpu.memory_space<vmem>>, vector<1x8x1x8x128xf32>
    %swap3A_1883 = vector.shape_cast %swap3A_1882 : vector<1x8x1x8x128xf32> to vector<8x8x128xf32>
    %swap3A_1884 = vector.shape_cast %squeeze3A_1876 : vector<8x8x128xf32> to vector<1x8x1x8x128xf32>
    tpu.vector_store %arg5[%swap3A_1877, %swap3A_1878, %swap3A_1879, %swap3A_1880, %swap3A_1881], %swap3A_1884 {strides = array<i32>} : memref<200x8x1x8x128xf32, #tpu.memory_space<vmem>>, vector<1x8x1x8x128xf32>,
    %slice3A_1885 = vector.extract_strided_slice %add3A_63 {offsets = [0, 76, 0], sizes = [128, 1, 128], strides = [1, 1, 1]} : vector<128x100x128xf32> to vector<128x1x128xf32>
    %squeeze3A_1886 = vector.shape_cast %slice3A_1885 : vector<128x1x128xf32> to vector<128x128xf32>
    %transpose3A_1887 = tpu.transpose %squeeze3A_1886, [1, 0] : vector<128x128xf32> -> vector<128x128xf32>
    %reshape3A_1888 = vector.shape_cast %transpose3A_1887 : vector<128x128xf32> to vector<2x8x8x128xf32>
    %slice3A_1889 = vector.extract_strided_slice %reshape3A_1888 {offsets = [0, 0, 0, 0], sizes = [1, 8, 8, 128], strides = [1, 1, 1, 1]} : vector<2x8x8x128xf32> to vector<1x8x8x128xf32>
    %squeeze3A_1890 = vector.shape_cast %slice3A_1889 : vector<1x8x8x128xf32> to vector<8x8x128xf32>
    %swap3A_1891 = arith.constant 152 : index
    %swap3A_1892 = arith.constant 0 : index
    %swap3A_1893 = arith.constant 0 : index
    %swap3A_1894 = arith.constant 0 : index
    %swap3A_1895 = arith.constant 0 : index
    %swap3A_1896 = vector.load %arg5[%swap3A_1891, %swap3A_1892, %swap3A_1893, %swap3A_1894, %swap3A_1895] : memref<200x8x1x8x128xf32, #tpu.memory_space<vmem>>, vector<1x8x1x8x128xf32>
    %swap3A_1897 = vector.shape_cast %swap3A_1896 : vector<1x8x1x8x128xf32> to vector<8x8x128xf32>
    %swap3A_1898 = vector.shape_cast %squeeze3A_1890 : vector<8x8x128xf32> to vector<1x8x1x8x128xf32>
    tpu.vector_store %arg5[%swap3A_1891, %swap3A_1892, %swap3A_1893, %swap3A_1894, %swap3A_1895], %swap3A_1898 {strides = array<i32>} : memref<200x8x1x8x128xf32, #tpu.memory_space<vmem>>, vector<1x8x1x8x128xf32>,
    %slice3A_1899 = vector.extract_strided_slice %reshape3A_1888 {offsets = [1, 0, 0, 0], sizes = [1, 8, 8, 128], strides = [1, 1, 1, 1]} : vector<2x8x8x128xf32> to vector<1x8x8x128xf32>
    %squeeze3A_1900 = vector.shape_cast %slice3A_1899 : vector<1x8x8x128xf32> to vector<8x8x128xf32>
    %swap3A_1901 = arith.constant 153 : index
    %swap3A_1902 = arith.constant 0 : index
    %swap3A_1903 = arith.constant 0 : index
    %swap3A_1904 = arith.constant 0 : index
    %swap3A_1905 = arith.constant 0 : index
    %swap3A_1906 = vector.load %arg5[%swap3A_1901, %swap3A_1902, %swap3A_1903, %swap3A_1904, %swap3A_1905] : memref<200x8x1x8x128xf32, #tpu.memory_space<vmem>>, vector<1x8x1x8x128xf32>
    %swap3A_1907 = vector.shape_cast %swap3A_1906 : vector<1x8x1x8x128xf32> to vector<8x8x128xf32>
    %swap3A_1908 = vector.shape_cast %squeeze3A_1900 : vector<8x8x128xf32> to vector<1x8x1x8x128xf32>
    tpu.vector_store %arg5[%swap3A_1901, %swap3A_1902, %swap3A_1903, %swap3A_1904, %swap3A_1905], %swap3A_1908 {strides = array<i32>} : memref<200x8x1x8x128xf32, #tpu.memory_space<vmem>>, vector<1x8x1x8x128xf32>,
    %slice3A_1909 = vector.extract_strided_slice %add3A_63 {offsets = [0, 77, 0], sizes = [128, 1, 128], strides = [1, 1, 1]} : vector<128x100x128xf32> to vector<128x1x128xf32>
    %squeeze3A_1910 = vector.shape_cast %slice3A_1909 : vector<128x1x128xf32> to vector<128x128xf32>
    %transpose3A_1911 = tpu.transpose %squeeze3A_1910, [1, 0] : vector<128x128xf32> -> vector<128x128xf32>
    %reshape3A_1912 = vector.shape_cast %transpose3A_1911 : vector<128x128xf32> to vector<2x8x8x128xf32>
    %slice3A_1913 = vector.extract_strided_slice %reshape3A_1912 {offsets = [0, 0, 0, 0], sizes = [1, 8, 8, 128], strides = [1, 1, 1, 1]} : vector<2x8x8x128xf32> to vector<1x8x8x128xf32>
    %squeeze3A_1914 = vector.shape_cast %slice3A_1913 : vector<1x8x8x128xf32> to vector<8x8x128xf32>
    %swap3A_1915 = arith.constant 154 : index
    %swap3A_1916 = arith.constant 0 : index
    %swap3A_1917 = arith.constant 0 : index
    %swap3A_1918 = arith.constant 0 : index
    %swap3A_1919 = arith.constant 0 : index
    %swap3A_1920 = vector.load %arg5[%swap3A_1915, %swap3A_1916, %swap3A_1917, %swap3A_1918, %swap3A_1919] : memref<200x8x1x8x128xf32, #tpu.memory_space<vmem>>, vector<1x8x1x8x128xf32>
    %swap3A_1921 = vector.shape_cast %swap3A_1920 : vector<1x8x1x8x128xf32> to vector<8x8x128xf32>
    %swap3A_1922 = vector.shape_cast %squeeze3A_1914 : vector<8x8x128xf32> to vector<1x8x1x8x128xf32>
    tpu.vector_store %arg5[%swap3A_1915, %swap3A_1916, %swap3A_1917, %swap3A_1918, %swap3A_1919], %swap3A_1922 {strides = array<i32>} : memref<200x8x1x8x128xf32, #tpu.memory_space<vmem>>, vector<1x8x1x8x128xf32>,
    %slice3A_1923 = vector.extract_strided_slice %reshape3A_1912 {offsets = [1, 0, 0, 0], sizes = [1, 8, 8, 128], strides = [1, 1, 1, 1]} : vector<2x8x8x128xf32> to vector<1x8x8x128xf32>
    %squeeze3A_1924 = vector.shape_cast %slice3A_1923 : vector<1x8x8x128xf32> to vector<8x8x128xf32>
    %swap3A_1925 = arith.constant 155 : index
    %swap3A_1926 = arith.constant 0 : index
    %swap3A_1927 = arith.constant 0 : index
    %swap3A_1928 = arith.constant 0 : index
    %swap3A_1929 = arith.constant 0 : index
    %swap3A_1930 = vector.load %arg5[%swap3A_1925, %swap3A_1926, %swap3A_1927, %swap3A_1928, %swap3A_1929] : memref<200x8x1x8x128xf32, #tpu.memory_space<vmem>>, vector<1x8x1x8x128xf32>
    %swap3A_1931 = vector.shape_cast %swap3A_1930 : vector<1x8x1x8x128xf32> to vector<8x8x128xf32>
    %swap3A_1932 = vector.shape_cast %squeeze3A_1924 : vector<8x8x128xf32> to vector<1x8x1x8x128xf32>
    tpu.vector_store %arg5[%swap3A_1925, %swap3A_1926, %swap3A_1927, %swap3A_1928, %swap3A_1929], %swap3A_1932 {strides = array<i32>} : memref<200x8x1x8x128xf32, #tpu.memory_space<vmem>>, vector<1x8x1x8x128xf32>,
    %slice3A_1933 = vector.extract_strided_slice %add3A_63 {offsets = [0, 78, 0], sizes = [128, 1, 128], strides = [1, 1, 1]} : vector<128x100x128xf32> to vector<128x1x128xf32>
    %squeeze3A_1934 = vector.shape_cast %slice3A_1933 : vector<128x1x128xf32> to vector<128x128xf32>
    %transpose3A_1935 = tpu.transpose %squeeze3A_1934, [1, 0] : vector<128x128xf32> -> vector<128x128xf32>
    %reshape3A_1936 = vector.shape_cast %transpose3A_1935 : vector<128x128xf32> to vector<2x8x8x128xf32>
    %slice3A_1937 = vector.extract_strided_slice %reshape3A_1936 {offsets = [0, 0, 0, 0], sizes = [1, 8, 8, 128], strides = [1, 1, 1, 1]} : vector<2x8x8x128xf32> to vector<1x8x8x128xf32>
    %squeeze3A_1938 = vector.shape_cast %slice3A_1937 : vector<1x8x8x128xf32> to vector<8x8x128xf32>
    %swap3A_1939 = arith.constant 156 : index
    %swap3A_1940 = arith.constant 0 : index
    %swap3A_1941 = arith.constant 0 : index
    %swap3A_1942 = arith.constant 0 : index
    %swap3A_1943 = arith.constant 0 : index
    %swap3A_1944 = vector.load %arg5[%swap3A_1939, %swap3A_1940, %swap3A_1941, %swap3A_1942, %swap3A_1943] : memref<200x8x1x8x128xf32, #tpu.memory_space<vmem>>, vector<1x8x1x8x128xf32>
    %swap3A_1945 = vector.shape_cast %swap3A_1944 : vector<1x8x1x8x128xf32> to vector<8x8x128xf32>
    %swap3A_1946 = vector.shape_cast %squeeze3A_1938 : vector<8x8x128xf32> to vector<1x8x1x8x128xf32>
    tpu.vector_store %arg5[%swap3A_1939, %swap3A_1940, %swap3A_1941, %swap3A_1942, %swap3A_1943], %swap3A_1946 {strides = array<i32>} : memref<200x8x1x8x128xf32, #tpu.memory_space<vmem>>, vector<1x8x1x8x128xf32>,
    %slice3A_1947 = vector.extract_strided_slice %reshape3A_1936 {offsets = [1, 0, 0, 0], sizes = [1, 8, 8, 128], strides = [1, 1, 1, 1]} : vector<2x8x8x128xf32> to vector<1x8x8x128xf32>
    %squeeze3A_1948 = vector.shape_cast %slice3A_1947 : vector<1x8x8x128xf32> to vector<8x8x128xf32>
    %swap3A_1949 = arith.constant 157 : index
    %swap3A_1950 = arith.constant 0 : index
    %swap3A_1951 = arith.constant 0 : index
    %swap3A_1952 = arith.constant 0 : index
    %swap3A_1953 = arith.constant 0 : index
    %swap3A_1954 = vector.load %arg5[%swap3A_1949, %swap3A_1950, %swap3A_1951, %swap3A_1952, %swap3A_1953] : memref<200x8x1x8x128xf32, #tpu.memory_space<vmem>>, vector<1x8x1x8x128xf32>
    %swap3A_1955 = vector.shape_cast %swap3A_1954 : vector<1x8x1x8x128xf32> to vector<8x8x128xf32>
    %swap3A_1956 = vector.shape_cast %squeeze3A_1948 : vector<8x8x128xf32> to vector<1x8x1x8x128xf32>
    tpu.vector_store %arg5[%swap3A_1949, %swap3A_1950, %swap3A_1951, %swap3A_1952, %swap3A_1953], %swap3A_1956 {strides = array<i32>} : memref<200x8x1x8x128xf32, #tpu.memory_space<vmem>>, vector<1x8x1x8x128xf32>,
    %slice3A_1957 = vector.extract_strided_slice %add3A_63 {offsets = [0, 79, 0], sizes = [128, 1, 128], strides = [1, 1, 1]} : vector<128x100x128xf32> to vector<128x1x128xf32>
    %squeeze3A_1958 = vector.shape_cast %slice3A_1957 : vector<128x1x128xf32> to vector<128x128xf32>
    %transpose3A_1959 = tpu.transpose %squeeze3A_1958, [1, 0] : vector<128x128xf32> -> vector<128x128xf32>
    %reshape3A_1960 = vector.shape_cast %transpose3A_1959 : vector<128x128xf32> to vector<2x8x8x128xf32>
    %slice3A_1961 = vector.extract_strided_slice %reshape3A_1960 {offsets = [0, 0, 0, 0], sizes = [1, 8, 8, 128], strides = [1, 1, 1, 1]} : vector<2x8x8x128xf32> to vector<1x8x8x128xf32>
    %squeeze3A_1962 = vector.shape_cast %slice3A_1961 : vector<1x8x8x128xf32> to vector<8x8x128xf32>
    %swap3A_1963 = arith.constant 158 : index
    %swap3A_1964 = arith.constant 0 : index
    %swap3A_1965 = arith.constant 0 : index
    %swap3A_1966 = arith.constant 0 : index
    %swap3A_1967 = arith.constant 0 : index
    %swap3A_1968 = vector.load %arg5[%swap3A_1963, %swap3A_1964, %swap3A_1965, %swap3A_1966, %swap3A_1967] : memref<200x8x1x8x128xf32, #tpu.memory_space<vmem>>, vector<1x8x1x8x128xf32>
    %swap3A_1969 = vector.shape_cast %swap3A_1968 : vector<1x8x1x8x128xf32> to vector<8x8x128xf32>
    %swap3A_1970 = vector.shape_cast %squeeze3A_1962 : vector<8x8x128xf32> to vector<1x8x1x8x128xf32>
    tpu.vector_store %arg5[%swap3A_1963, %swap3A_1964, %swap3A_1965, %swap3A_1966, %swap3A_1967], %swap3A_1970 {strides = array<i32>} : memref<200x8x1x8x128xf32, #tpu.memory_space<vmem>>, vector<1x8x1x8x128xf32>,
    %slice3A_1971 = vector.extract_strided_slice %reshape3A_1960 {offsets = [1, 0, 0, 0], sizes = [1, 8, 8, 128], strides = [1, 1, 1, 1]} : vector<2x8x8x128xf32> to vector<1x8x8x128xf32>
    %squeeze3A_1972 = vector.shape_cast %slice3A_1971 : vector<1x8x8x128xf32> to vector<8x8x128xf32>
    %swap3A_1973 = arith.constant 159 : index
    %swap3A_1974 = arith.constant 0 : index
    %swap3A_1975 = arith.constant 0 : index
    %swap3A_1976 = arith.constant 0 : index
    %swap3A_1977 = arith.constant 0 : index
    %swap3A_1978 = vector.load %arg5[%swap3A_1973, %swap3A_1974, %swap3A_1975, %swap3A_1976, %swap3A_1977] : memref<200x8x1x8x128xf32, #tpu.memory_space<vmem>>, vector<1x8x1x8x128xf32>
    %swap3A_1979 = vector.shape_cast %swap3A_1978 : vector<1x8x1x8x128xf32> to vector<8x8x128xf32>
    %swap3A_1980 = vector.shape_cast %squeeze3A_1972 : vector<8x8x128xf32> to vector<1x8x1x8x128xf32>
    tpu.vector_store %arg5[%swap3A_1973, %swap3A_1974, %swap3A_1975, %swap3A_1976, %swap3A_1977], %swap3A_1980 {strides = array<i32>} : memref<200x8x1x8x128xf32, #tpu.memory_space<vmem>>, vector<1x8x1x8x128xf32>,
    %slice3A_1981 = vector.extract_strided_slice %add3A_63 {offsets = [0, 80, 0], sizes = [128, 1, 128], strides = [1, 1, 1]} : vector<128x100x128xf32> to vector<128x1x128xf32>
    %squeeze3A_1982 = vector.shape_cast %slice3A_1981 : vector<128x1x128xf32> to vector<128x128xf32>
    %transpose3A_1983 = tpu.transpose %squeeze3A_1982, [1, 0] : vector<128x128xf32> -> vector<128x128xf32>
    %reshape3A_1984 = vector.shape_cast %transpose3A_1983 : vector<128x128xf32> to vector<2x8x8x128xf32>
    %slice3A_1985 = vector.extract_strided_slice %reshape3A_1984 {offsets = [0, 0, 0, 0], sizes = [1, 8, 8, 128], strides = [1, 1, 1, 1]} : vector<2x8x8x128xf32> to vector<1x8x8x128xf32>
    %squeeze3A_1986 = vector.shape_cast %slice3A_1985 : vector<1x8x8x128xf32> to vector<8x8x128xf32>
    %swap3A_1987 = arith.constant 160 : index
    %swap3A_1988 = arith.constant 0 : index
    %swap3A_1989 = arith.constant 0 : index
    %swap3A_1990 = arith.constant 0 : index
    %swap3A_1991 = arith.constant 0 : index
    %swap3A_1992 = vector.load %arg5[%swap3A_1987, %swap3A_1988, %swap3A_1989, %swap3A_1990, %swap3A_1991] : memref<200x8x1x8x128xf32, #tpu.memory_space<vmem>>, vector<1x8x1x8x128xf32>
    %swap3A_1993 = vector.shape_cast %swap3A_1992 : vector<1x8x1x8x128xf32> to vector<8x8x128xf32>
    %swap3A_1994 = vector.shape_cast %squeeze3A_1986 : vector<8x8x128xf32> to vector<1x8x1x8x128xf32>
    tpu.vector_store %arg5[%swap3A_1987, %swap3A_1988, %swap3A_1989, %swap3A_1990, %swap3A_1991], %swap3A_1994 {strides = array<i32>} : memref<200x8x1x8x128xf32, #tpu.memory_space<vmem>>, vector<1x8x1x8x128xf32>,
    %slice3A_1995 = vector.extract_strided_slice %reshape3A_1984 {offsets = [1, 0, 0, 0], sizes = [1, 8, 8, 128], strides = [1, 1, 1, 1]} : vector<2x8x8x128xf32> to vector<1x8x8x128xf32>
    %squeeze3A_1996 = vector.shape_cast %slice3A_1995 : vector<1x8x8x128xf32> to vector<8x8x128xf32>
    %swap3A_1997 = arith.constant 161 : index
    %swap3A_1998 = arith.constant 0 : index
    %swap3A_1999 = arith.constant 0 : index
    %swap3A_2000 = arith.constant 0 : index
    %swap3A_2001 = arith.constant 0 : index
    %swap3A_2002 = vector.load %arg5[%swap3A_1997, %swap3A_1998, %swap3A_1999, %swap3A_2000, %swap3A_2001] : memref<200x8x1x8x128xf32, #tpu.memory_space<vmem>>, vector<1x8x1x8x128xf32>
    %swap3A_2003 = vector.shape_cast %swap3A_2002 : vector<1x8x1x8x128xf32> to vector<8x8x128xf32>
    %swap3A_2004 = vector.shape_cast %squeeze3A_1996 : vector<8x8x128xf32> to vector<1x8x1x8x128xf32>
    tpu.vector_store %arg5[%swap3A_1997, %swap3A_1998, %swap3A_1999, %swap3A_2000, %swap3A_2001], %swap3A_2004 {strides = array<i32>} : memref<200x8x1x8x128xf32, #tpu.memory_space<vmem>>, vector<1x8x1x8x128xf32>,
    %slice3A_2005 = vector.extract_strided_slice %add3A_63 {offsets = [0, 81, 0], sizes = [128, 1, 128], strides = [1, 1, 1]} : vector<128x100x128xf32> to vector<128x1x128xf32>
    %squeeze3A_2006 = vector.shape_cast %slice3A_2005 : vector<128x1x128xf32> to vector<128x128xf32>
    %transpose3A_2007 = tpu.transpose %squeeze3A_2006, [1, 0] : vector<128x128xf32> -> vector<128x128xf32>
    %reshape3A_2008 = vector.shape_cast %transpose3A_2007 : vector<128x128xf32> to vector<2x8x8x128xf32>
    %slice3A_2009 = vector.extract_strided_slice %reshape3A_2008 {offsets = [0, 0, 0, 0], sizes = [1, 8, 8, 128], strides = [1, 1, 1, 1]} : vector<2x8x8x128xf32> to vector<1x8x8x128xf32>
    %squeeze3A_2010 = vector.shape_cast %slice3A_2009 : vector<1x8x8x128xf32> to vector<8x8x128xf32>
    %swap3A_2011 = arith.constant 162 : index
    %swap3A_2012 = arith.constant 0 : index
    %swap3A_2013 = arith.constant 0 : index
    %swap3A_2014 = arith.constant 0 : index
    %swap3A_2015 = arith.constant 0 : index
    %swap3A_2016 = vector.load %arg5[%swap3A_2011, %swap3A_2012, %swap3A_2013, %swap3A_2014, %swap3A_2015] : memref<200x8x1x8x128xf32, #tpu.memory_space<vmem>>, vector<1x8x1x8x128xf32>
    %swap3A_2017 = vector.shape_cast %swap3A_2016 : vector<1x8x1x8x128xf32> to vector<8x8x128xf32>
    %swap3A_2018 = vector.shape_cast %squeeze3A_2010 : vector<8x8x128xf32> to vector<1x8x1x8x128xf32>
    tpu.vector_store %arg5[%swap3A_2011, %swap3A_2012, %swap3A_2013, %swap3A_2014, %swap3A_2015], %swap3A_2018 {strides = array<i32>} : memref<200x8x1x8x128xf32, #tpu.memory_space<vmem>>, vector<1x8x1x8x128xf32>,
    %slice3A_2019 = vector.extract_strided_slice %reshape3A_2008 {offsets = [1, 0, 0, 0], sizes = [1, 8, 8, 128], strides = [1, 1, 1, 1]} : vector<2x8x8x128xf32> to vector<1x8x8x128xf32>
    %squeeze3A_2020 = vector.shape_cast %slice3A_2019 : vector<1x8x8x128xf32> to vector<8x8x128xf32>
    %swap3A_2021 = arith.constant 163 : index
    %swap3A_2022 = arith.constant 0 : index
    %swap3A_2023 = arith.constant 0 : index
    %swap3A_2024 = arith.constant 0 : index
    %swap3A_2025 = arith.constant 0 : index
    %swap3A_2026 = vector.load %arg5[%swap3A_2021, %swap3A_2022, %swap3A_2023, %swap3A_2024, %swap3A_2025] : memref<200x8x1x8x128xf32, #tpu.memory_space<vmem>>, vector<1x8x1x8x128xf32>
    %swap3A_2027 = vector.shape_cast %swap3A_2026 : vector<1x8x1x8x128xf32> to vector<8x8x128xf32>
    %swap3A_2028 = vector.shape_cast %squeeze3A_2020 : vector<8x8x128xf32> to vector<1x8x1x8x128xf32>
    tpu.vector_store %arg5[%swap3A_2021, %swap3A_2022, %swap3A_2023, %swap3A_2024, %swap3A_2025], %swap3A_2028 {strides = array<i32>} : memref<200x8x1x8x128xf32, #tpu.memory_space<vmem>>, vector<1x8x1x8x128xf32>,
    %slice3A_2029 = vector.extract_strided_slice %add3A_63 {offsets = [0, 82, 0], sizes = [128, 1, 128], strides = [1, 1, 1]} : vector<128x100x128xf32> to vector<128x1x128xf32>
    %squeeze3A_2030 = vector.shape_cast %slice3A_2029 : vector<128x1x128xf32> to vector<128x128xf32>
    %transpose3A_2031 = tpu.transpose %squeeze3A_2030, [1, 0] : vector<128x128xf32> -> vector<128x128xf32>
    %reshape3A_2032 = vector.shape_cast %transpose3A_2031 : vector<128x128xf32> to vector<2x8x8x128xf32>
    %slice3A_2033 = vector.extract_strided_slice %reshape3A_2032 {offsets = [0, 0, 0, 0], sizes = [1, 8, 8, 128], strides = [1, 1, 1, 1]} : vector<2x8x8x128xf32> to vector<1x8x8x128xf32>
    %squeeze3A_2034 = vector.shape_cast %slice3A_2033 : vector<1x8x8x128xf32> to vector<8x8x128xf32>
    %swap3A_2035 = arith.constant 164 : index
    %swap3A_2036 = arith.constant 0 : index
    %swap3A_2037 = arith.constant 0 : index
    %swap3A_2038 = arith.constant 0 : index
    %swap3A_2039 = arith.constant 0 : index
    %swap3A_2040 = vector.load %arg5[%swap3A_2035, %swap3A_2036, %swap3A_2037, %swap3A_2038, %swap3A_2039] : memref<200x8x1x8x128xf32, #tpu.memory_space<vmem>>, vector<1x8x1x8x128xf32>
    %swap3A_2041 = vector.shape_cast %swap3A_2040 : vector<1x8x1x8x128xf32> to vector<8x8x128xf32>
    %swap3A_2042 = vector.shape_cast %squeeze3A_2034 : vector<8x8x128xf32> to vector<1x8x1x8x128xf32>
    tpu.vector_store %arg5[%swap3A_2035, %swap3A_2036, %swap3A_2037, %swap3A_2038, %swap3A_2039], %swap3A_2042 {strides = array<i32>} : memref<200x8x1x8x128xf32, #tpu.memory_space<vmem>>, vector<1x8x1x8x128xf32>,
    %slice3A_2043 = vector.extract_strided_slice %reshape3A_2032 {offsets = [1, 0, 0, 0], sizes = [1, 8, 8, 128], strides = [1, 1, 1, 1]} : vector<2x8x8x128xf32> to vector<1x8x8x128xf32>
    %squeeze3A_2044 = vector.shape_cast %slice3A_2043 : vector<1x8x8x128xf32> to vector<8x8x128xf32>
    %swap3A_2045 = arith.constant 165 : index
    %swap3A_2046 = arith.constant 0 : index
    %swap3A_2047 = arith.constant 0 : index
    %swap3A_2048 = arith.constant 0 : index
    %swap3A_2049 = arith.constant 0 : index
    %swap3A_2050 = vector.load %arg5[%swap3A_2045, %swap3A_2046, %swap3A_2047, %swap3A_2048, %swap3A_2049] : memref<200x8x1x8x128xf32, #tpu.memory_space<vmem>>, vector<1x8x1x8x128xf32>
    %swap3A_2051 = vector.shape_cast %swap3A_2050 : vector<1x8x1x8x128xf32> to vector<8x8x128xf32>
    %swap3A_2052 = vector.shape_cast %squeeze3A_2044 : vector<8x8x128xf32> to vector<1x8x1x8x128xf32>
    tpu.vector_store %arg5[%swap3A_2045, %swap3A_2046, %swap3A_2047, %swap3A_2048, %swap3A_2049], %swap3A_2052 {strides = array<i32>} : memref<200x8x1x8x128xf32, #tpu.memory_space<vmem>>, vector<1x8x1x8x128xf32>,
    %slice3A_2053 = vector.extract_strided_slice %add3A_63 {offsets = [0, 83, 0], sizes = [128, 1, 128], strides = [1, 1, 1]} : vector<128x100x128xf32> to vector<128x1x128xf32>
    %squeeze3A_2054 = vector.shape_cast %slice3A_2053 : vector<128x1x128xf32> to vector<128x128xf32>
    %transpose3A_2055 = tpu.transpose %squeeze3A_2054, [1, 0] : vector<128x128xf32> -> vector<128x128xf32>
    %reshape3A_2056 = vector.shape_cast %transpose3A_2055 : vector<128x128xf32> to vector<2x8x8x128xf32>
    %slice3A_2057 = vector.extract_strided_slice %reshape3A_2056 {offsets = [0, 0, 0, 0], sizes = [1, 8, 8, 128], strides = [1, 1, 1, 1]} : vector<2x8x8x128xf32> to vector<1x8x8x128xf32>
    %squeeze3A_2058 = vector.shape_cast %slice3A_2057 : vector<1x8x8x128xf32> to vector<8x8x128xf32>
    %swap3A_2059 = arith.constant 166 : index
    %swap3A_2060 = arith.constant 0 : index
    %swap3A_2061 = arith.constant 0 : index
    %swap3A_2062 = arith.constant 0 : index
    %swap3A_2063 = arith.constant 0 : index
    %swap3A_2064 = vector.load %arg5[%swap3A_2059, %swap3A_2060, %swap3A_2061, %swap3A_2062, %swap3A_2063] : memref<200x8x1x8x128xf32, #tpu.memory_space<vmem>>, vector<1x8x1x8x128xf32>
    %swap3A_2065 = vector.shape_cast %swap3A_2064 : vector<1x8x1x8x128xf32> to vector<8x8x128xf32>
    %swap3A_2066 = vector.shape_cast %squeeze3A_2058 : vector<8x8x128xf32> to vector<1x8x1x8x128xf32>
    tpu.vector_store %arg5[%swap3A_2059, %swap3A_2060, %swap3A_2061, %swap3A_2062, %swap3A_2063], %swap3A_2066 {strides = array<i32>} : memref<200x8x1x8x128xf32, #tpu.memory_space<vmem>>, vector<1x8x1x8x128xf32>,
    %slice3A_2067 = vector.extract_strided_slice %reshape3A_2056 {offsets = [1, 0, 0, 0], sizes = [1, 8, 8, 128], strides = [1, 1, 1, 1]} : vector<2x8x8x128xf32> to vector<1x8x8x128xf32>
    %squeeze3A_2068 = vector.shape_cast %slice3A_2067 : vector<1x8x8x128xf32> to vector<8x8x128xf32>
    %swap3A_2069 = arith.constant 167 : index
    %swap3A_2070 = arith.constant 0 : index
    %swap3A_2071 = arith.constant 0 : index
    %swap3A_2072 = arith.constant 0 : index
    %swap3A_2073 = arith.constant 0 : index
    %swap3A_2074 = vector.load %arg5[%swap3A_2069, %swap3A_2070, %swap3A_2071, %swap3A_2072, %swap3A_2073] : memref<200x8x1x8x128xf32, #tpu.memory_space<vmem>>, vector<1x8x1x8x128xf32>
    %swap3A_2075 = vector.shape_cast %swap3A_2074 : vector<1x8x1x8x128xf32> to vector<8x8x128xf32>
    %swap3A_2076 = vector.shape_cast %squeeze3A_2068 : vector<8x8x128xf32> to vector<1x8x1x8x128xf32>
    tpu.vector_store %arg5[%swap3A_2069, %swap3A_2070, %swap3A_2071, %swap3A_2072, %swap3A_2073], %swap3A_2076 {strides = array<i32>} : memref<200x8x1x8x128xf32, #tpu.memory_space<vmem>>, vector<1x8x1x8x128xf32>,
    %slice3A_2077 = vector.extract_strided_slice %add3A_63 {offsets = [0, 84, 0], sizes = [128, 1, 128], strides = [1, 1, 1]} : vector<128x100x128xf32> to vector<128x1x128xf32>
    %squeeze3A_2078 = vector.shape_cast %slice3A_2077 : vector<128x1x128xf32> to vector<128x128xf32>
    %transpose3A_2079 = tpu.transpose %squeeze3A_2078, [1, 0] : vector<128x128xf32> -> vector<128x128xf32>
    %reshape3A_2080 = vector.shape_cast %transpose3A_2079 : vector<128x128xf32> to vector<2x8x8x128xf32>
    %slice3A_2081 = vector.extract_strided_slice %reshape3A_2080 {offsets = [0, 0, 0, 0], sizes = [1, 8, 8, 128], strides = [1, 1, 1, 1]} : vector<2x8x8x128xf32> to vector<1x8x8x128xf32>
    %squeeze3A_2082 = vector.shape_cast %slice3A_2081 : vector<1x8x8x128xf32> to vector<8x8x128xf32>
    %swap3A_2083 = arith.constant 168 : index
    %swap3A_2084 = arith.constant 0 : index
    %swap3A_2085 = arith.constant 0 : index
    %swap3A_2086 = arith.constant 0 : index
    %swap3A_2087 = arith.constant 0 : index
    %swap3A_2088 = vector.load %arg5[%swap3A_2083, %swap3A_2084, %swap3A_2085, %swap3A_2086, %swap3A_2087] : memref<200x8x1x8x128xf32, #tpu.memory_space<vmem>>, vector<1x8x1x8x128xf32>
    %swap3A_2089 = vector.shape_cast %swap3A_2088 : vector<1x8x1x8x128xf32> to vector<8x8x128xf32>
    %swap3A_2090 = vector.shape_cast %squeeze3A_2082 : vector<8x8x128xf32> to vector<1x8x1x8x128xf32>
    tpu.vector_store %arg5[%swap3A_2083, %swap3A_2084, %swap3A_2085, %swap3A_2086, %swap3A_2087], %swap3A_2090 {strides = array<i32>} : memref<200x8x1x8x128xf32, #tpu.memory_space<vmem>>, vector<1x8x1x8x128xf32>,
    %slice3A_2091 = vector.extract_strided_slice %reshape3A_2080 {offsets = [1, 0, 0, 0], sizes = [1, 8, 8, 128], strides = [1, 1, 1, 1]} : vector<2x8x8x128xf32> to vector<1x8x8x128xf32>
    %squeeze3A_2092 = vector.shape_cast %slice3A_2091 : vector<1x8x8x128xf32> to vector<8x8x128xf32>
    %swap3A_2093 = arith.constant 169 : index
    %swap3A_2094 = arith.constant 0 : index
    %swap3A_2095 = arith.constant 0 : index
    %swap3A_2096 = arith.constant 0 : index
    %swap3A_2097 = arith.constant 0 : index
    %swap3A_2098 = vector.load %arg5[%swap3A_2093, %swap3A_2094, %swap3A_2095, %swap3A_2096, %swap3A_2097] : memref<200x8x1x8x128xf32, #tpu.memory_space<vmem>>, vector<1x8x1x8x128xf32>
    %swap3A_2099 = vector.shape_cast %swap3A_2098 : vector<1x8x1x8x128xf32> to vector<8x8x128xf32>
    %swap3A_2100 = vector.shape_cast %squeeze3A_2092 : vector<8x8x128xf32> to vector<1x8x1x8x128xf32>
    tpu.vector_store %arg5[%swap3A_2093, %swap3A_2094, %swap3A_2095, %swap3A_2096, %swap3A_2097], %swap3A_2100 {strides = array<i32>} : memref<200x8x1x8x128xf32, #tpu.memory_space<vmem>>, vector<1x8x1x8x128xf32>,
    %slice3A_2101 = vector.extract_strided_slice %add3A_63 {offsets = [0, 85, 0], sizes = [128, 1, 128], strides = [1, 1, 1]} : vector<128x100x128xf32> to vector<128x1x128xf32>
    %squeeze3A_2102 = vector.shape_cast %slice3A_2101 : vector<128x1x128xf32> to vector<128x128xf32>
    %transpose3A_2103 = tpu.transpose %squeeze3A_2102, [1, 0] : vector<128x128xf32> -> vector<128x128xf32>
    %reshape3A_2104 = vector.shape_cast %transpose3A_2103 : vector<128x128xf32> to vector<2x8x8x128xf32>
    %slice3A_2105 = vector.extract_strided_slice %reshape3A_2104 {offsets = [0, 0, 0, 0], sizes = [1, 8, 8, 128], strides = [1, 1, 1, 1]} : vector<2x8x8x128xf32> to vector<1x8x8x128xf32>
    %squeeze3A_2106 = vector.shape_cast %slice3A_2105 : vector<1x8x8x128xf32> to vector<8x8x128xf32>
    %swap3A_2107 = arith.constant 170 : index
    %swap3A_2108 = arith.constant 0 : index
    %swap3A_2109 = arith.constant 0 : index
    %swap3A_2110 = arith.constant 0 : index
    %swap3A_2111 = arith.constant 0 : index
    %swap3A_2112 = vector.load %arg5[%swap3A_2107, %swap3A_2108, %swap3A_2109, %swap3A_2110, %swap3A_2111] : memref<200x8x1x8x128xf32, #tpu.memory_space<vmem>>, vector<1x8x1x8x128xf32>
    %swap3A_2113 = vector.shape_cast %swap3A_2112 : vector<1x8x1x8x128xf32> to vector<8x8x128xf32>
    %swap3A_2114 = vector.shape_cast %squeeze3A_2106 : vector<8x8x128xf32> to vector<1x8x1x8x128xf32>
    tpu.vector_store %arg5[%swap3A_2107, %swap3A_2108, %swap3A_2109, %swap3A_2110, %swap3A_2111], %swap3A_2114 {strides = array<i32>} : memref<200x8x1x8x128xf32, #tpu.memory_space<vmem>>, vector<1x8x1x8x128xf32>,
    %slice3A_2115 = vector.extract_strided_slice %reshape3A_2104 {offsets = [1, 0, 0, 0], sizes = [1, 8, 8, 128], strides = [1, 1, 1, 1]} : vector<2x8x8x128xf32> to vector<1x8x8x128xf32>
    %squeeze3A_2116 = vector.shape_cast %slice3A_2115 : vector<1x8x8x128xf32> to vector<8x8x128xf32>
    %swap3A_2117 = arith.constant 171 : index
    %swap3A_2118 = arith.constant 0 : index
    %swap3A_2119 = arith.constant 0 : index
    %swap3A_2120 = arith.constant 0 : index
    %swap3A_2121 = arith.constant 0 : index
    %swap3A_2122 = vector.load %arg5[%swap3A_2117, %swap3A_2118, %swap3A_2119, %swap3A_2120, %swap3A_2121] : memref<200x8x1x8x128xf32, #tpu.memory_space<vmem>>, vector<1x8x1x8x128xf32>
    %swap3A_2123 = vector.shape_cast %swap3A_2122 : vector<1x8x1x8x128xf32> to vector<8x8x128xf32>
    %swap3A_2124 = vector.shape_cast %squeeze3A_2116 : vector<8x8x128xf32> to vector<1x8x1x8x128xf32>
    tpu.vector_store %arg5[%swap3A_2117, %swap3A_2118, %swap3A_2119, %swap3A_2120, %swap3A_2121], %swap3A_2124 {strides = array<i32>} : memref<200x8x1x8x128xf32, #tpu.memory_space<vmem>>, vector<1x8x1x8x128xf32>,
    %slice3A_2125 = vector.extract_strided_slice %add3A_63 {offsets = [0, 86, 0], sizes = [128, 1, 128], strides = [1, 1, 1]} : vector<128x100x128xf32> to vector<128x1x128xf32>
    %squeeze3A_2126 = vector.shape_cast %slice3A_2125 : vector<128x1x128xf32> to vector<128x128xf32>
    %transpose3A_2127 = tpu.transpose %squeeze3A_2126, [1, 0] : vector<128x128xf32> -> vector<128x128xf32>
    %reshape3A_2128 = vector.shape_cast %transpose3A_2127 : vector<128x128xf32> to vector<2x8x8x128xf32>
    %slice3A_2129 = vector.extract_strided_slice %reshape3A_2128 {offsets = [0, 0, 0, 0], sizes = [1, 8, 8, 128], strides = [1, 1, 1, 1]} : vector<2x8x8x128xf32> to vector<1x8x8x128xf32>
    %squeeze3A_2130 = vector.shape_cast %slice3A_2129 : vector<1x8x8x128xf32> to vector<8x8x128xf32>
    %swap3A_2131 = arith.constant 172 : index
    %swap3A_2132 = arith.constant 0 : index
    %swap3A_2133 = arith.constant 0 : index
    %swap3A_2134 = arith.constant 0 : index
    %swap3A_2135 = arith.constant 0 : index
    %swap3A_2136 = vector.load %arg5[%swap3A_2131, %swap3A_2132, %swap3A_2133, %swap3A_2134, %swap3A_2135] : memref<200x8x1x8x128xf32, #tpu.memory_space<vmem>>, vector<1x8x1x8x128xf32>
    %swap3A_2137 = vector.shape_cast %swap3A_2136 : vector<1x8x1x8x128xf32> to vector<8x8x128xf32>
    %swap3A_2138 = vector.shape_cast %squeeze3A_2130 : vector<8x8x128xf32> to vector<1x8x1x8x128xf32>
    tpu.vector_store %arg5[%swap3A_2131, %swap3A_2132, %swap3A_2133, %swap3A_2134, %swap3A_2135], %swap3A_2138 {strides = array<i32>} : memref<200x8x1x8x128xf32, #tpu.memory_space<vmem>>, vector<1x8x1x8x128xf32>,
    %slice3A_2139 = vector.extract_strided_slice %reshape3A_2128 {offsets = [1, 0, 0, 0], sizes = [1, 8, 8, 128], strides = [1, 1, 1, 1]} : vector<2x8x8x128xf32> to vector<1x8x8x128xf32>
    %squeeze3A_2140 = vector.shape_cast %slice3A_2139 : vector<1x8x8x128xf32> to vector<8x8x128xf32>
    %swap3A_2141 = arith.constant 173 : index
    %swap3A_2142 = arith.constant 0 : index
    %swap3A_2143 = arith.constant 0 : index
    %swap3A_2144 = arith.constant 0 : index
    %swap3A_2145 = arith.constant 0 : index
    %swap3A_2146 = vector.load %arg5[%swap3A_2141, %swap3A_2142, %swap3A_2143, %swap3A_2144, %swap3A_2145] : memref<200x8x1x8x128xf32, #tpu.memory_space<vmem>>, vector<1x8x1x8x128xf32>
    %swap3A_2147 = vector.shape_cast %swap3A_2146 : vector<1x8x1x8x128xf32> to vector<8x8x128xf32>
    %swap3A_2148 = vector.shape_cast %squeeze3A_2140 : vector<8x8x128xf32> to vector<1x8x1x8x128xf32>
    tpu.vector_store %arg5[%swap3A_2141, %swap3A_2142, %swap3A_2143, %swap3A_2144, %swap3A_2145], %swap3A_2148 {strides = array<i32>} : memref<200x8x1x8x128xf32, #tpu.memory_space<vmem>>, vector<1x8x1x8x128xf32>,
    %slice3A_2149 = vector.extract_strided_slice %add3A_63 {offsets = [0, 87, 0], sizes = [128, 1, 128], strides = [1, 1, 1]} : vector<128x100x128xf32> to vector<128x1x128xf32>
    %squeeze3A_2150 = vector.shape_cast %slice3A_2149 : vector<128x1x128xf32> to vector<128x128xf32>
    %transpose3A_2151 = tpu.transpose %squeeze3A_2150, [1, 0] : vector<128x128xf32> -> vector<128x128xf32>
    %reshape3A_2152 = vector.shape_cast %transpose3A_2151 : vector<128x128xf32> to vector<2x8x8x128xf32>
    %slice3A_2153 = vector.extract_strided_slice %reshape3A_2152 {offsets = [0, 0, 0, 0], sizes = [1, 8, 8, 128], strides = [1, 1, 1, 1]} : vector<2x8x8x128xf32> to vector<1x8x8x128xf32>
    %squeeze3A_2154 = vector.shape_cast %slice3A_2153 : vector<1x8x8x128xf32> to vector<8x8x128xf32>
    %swap3A_2155 = arith.constant 174 : index
    %swap3A_2156 = arith.constant 0 : index
    %swap3A_2157 = arith.constant 0 : index
    %swap3A_2158 = arith.constant 0 : index
    %swap3A_2159 = arith.constant 0 : index
    %swap3A_2160 = vector.load %arg5[%swap3A_2155, %swap3A_2156, %swap3A_2157, %swap3A_2158, %swap3A_2159] : memref<200x8x1x8x128xf32, #tpu.memory_space<vmem>>, vector<1x8x1x8x128xf32>
    %swap3A_2161 = vector.shape_cast %swap3A_2160 : vector<1x8x1x8x128xf32> to vector<8x8x128xf32>
    %swap3A_2162 = vector.shape_cast %squeeze3A_2154 : vector<8x8x128xf32> to vector<1x8x1x8x128xf32>
    tpu.vector_store %arg5[%swap3A_2155, %swap3A_2156, %swap3A_2157, %swap3A_2158, %swap3A_2159], %swap3A_2162 {strides = array<i32>} : memref<200x8x1x8x128xf32, #tpu.memory_space<vmem>>, vector<1x8x1x8x128xf32>,
    %slice3A_2163 = vector.extract_strided_slice %reshape3A_2152 {offsets = [1, 0, 0, 0], sizes = [1, 8, 8, 128], strides = [1, 1, 1, 1]} : vector<2x8x8x128xf32> to vector<1x8x8x128xf32>
    %squeeze3A_2164 = vector.shape_cast %slice3A_2163 : vector<1x8x8x128xf32> to vector<8x8x128xf32>
    %swap3A_2165 = arith.constant 175 : index
    %swap3A_2166 = arith.constant 0 : index
    %swap3A_2167 = arith.constant 0 : index
    %swap3A_2168 = arith.constant 0 : index
    %swap3A_2169 = arith.constant 0 : index
    %swap3A_2170 = vector.load %arg5[%swap3A_2165, %swap3A_2166, %swap3A_2167, %swap3A_2168, %swap3A_2169] : memref<200x8x1x8x128xf32, #tpu.memory_space<vmem>>, vector<1x8x1x8x128xf32>
    %swap3A_2171 = vector.shape_cast %swap3A_2170 : vector<1x8x1x8x128xf32> to vector<8x8x128xf32>
    %swap3A_2172 = vector.shape_cast %squeeze3A_2164 : vector<8x8x128xf32> to vector<1x8x1x8x128xf32>
    tpu.vector_store %arg5[%swap3A_2165, %swap3A_2166, %swap3A_2167, %swap3A_2168, %swap3A_2169], %swap3A_2172 {strides = array<i32>} : memref<200x8x1x8x128xf32, #tpu.memory_space<vmem>>, vector<1x8x1x8x128xf32>,
    %slice3A_2173 = vector.extract_strided_slice %add3A_63 {offsets = [0, 88, 0], sizes = [128, 1, 128], strides = [1, 1, 1]} : vector<128x100x128xf32> to vector<128x1x128xf32>
    %squeeze3A_2174 = vector.shape_cast %slice3A_2173 : vector<128x1x128xf32> to vector<128x128xf32>
    %transpose3A_2175 = tpu.transpose %squeeze3A_2174, [1, 0] : vector<128x128xf32> -> vector<128x128xf32>
    %reshape3A_2176 = vector.shape_cast %transpose3A_2175 : vector<128x128xf32> to vector<2x8x8x128xf32>
    %slice3A_2177 = vector.extract_strided_slice %reshape3A_2176 {offsets = [0, 0, 0, 0], sizes = [1, 8, 8, 128], strides = [1, 1, 1, 1]} : vector<2x8x8x128xf32> to vector<1x8x8x128xf32>
    %squeeze3A_2178 = vector.shape_cast %slice3A_2177 : vector<1x8x8x128xf32> to vector<8x8x128xf32>
    %swap3A_2179 = arith.constant 176 : index
    %swap3A_2180 = arith.constant 0 : index
    %swap3A_2181 = arith.constant 0 : index
    %swap3A_2182 = arith.constant 0 : index
    %swap3A_2183 = arith.constant 0 : index
    %swap3A_2184 = vector.load %arg5[%swap3A_2179, %swap3A_2180, %swap3A_2181, %swap3A_2182, %swap3A_2183] : memref<200x8x1x8x128xf32, #tpu.memory_space<vmem>>, vector<1x8x1x8x128xf32>
    %swap3A_2185 = vector.shape_cast %swap3A_2184 : vector<1x8x1x8x128xf32> to vector<8x8x128xf32>
    %swap3A_2186 = vector.shape_cast %squeeze3A_2178 : vector<8x8x128xf32> to vector<1x8x1x8x128xf32>
    tpu.vector_store %arg5[%swap3A_2179, %swap3A_2180, %swap3A_2181, %swap3A_2182, %swap3A_2183], %swap3A_2186 {strides = array<i32>} : memref<200x8x1x8x128xf32, #tpu.memory_space<vmem>>, vector<1x8x1x8x128xf32>,
    %slice3A_2187 = vector.extract_strided_slice %reshape3A_2176 {offsets = [1, 0, 0, 0], sizes = [1, 8, 8, 128], strides = [1, 1, 1, 1]} : vector<2x8x8x128xf32> to vector<1x8x8x128xf32>
    %squeeze3A_2188 = vector.shape_cast %slice3A_2187 : vector<1x8x8x128xf32> to vector<8x8x128xf32>
    %swap3A_2189 = arith.constant 177 : index
    %swap3A_2190 = arith.constant 0 : index
    %swap3A_2191 = arith.constant 0 : index
    %swap3A_2192 = arith.constant 0 : index
    %swap3A_2193 = arith.constant 0 : index
    %swap3A_2194 = vector.load %arg5[%swap3A_2189, %swap3A_2190, %swap3A_2191, %swap3A_2192, %swap3A_2193] : memref<200x8x1x8x128xf32, #tpu.memory_space<vmem>>, vector<1x8x1x8x128xf32>
    %swap3A_2195 = vector.shape_cast %swap3A_2194 : vector<1x8x1x8x128xf32> to vector<8x8x128xf32>
    %swap3A_2196 = vector.shape_cast %squeeze3A_2188 : vector<8x8x128xf32> to vector<1x8x1x8x128xf32>
    tpu.vector_store %arg5[%swap3A_2189, %swap3A_2190, %swap3A_2191, %swap3A_2192, %swap3A_2193], %swap3A_2196 {strides = array<i32>} : memref<200x8x1x8x128xf32, #tpu.memory_space<vmem>>, vector<1x8x1x8x128xf32>,
    %slice3A_2197 = vector.extract_strided_slice %add3A_63 {offsets = [0, 89, 0], sizes = [128, 1, 128], strides = [1, 1, 1]} : vector<128x100x128xf32> to vector<128x1x128xf32>
    %squeeze3A_2198 = vector.shape_cast %slice3A_2197 : vector<128x1x128xf32> to vector<128x128xf32>
    %transpose3A_2199 = tpu.transpose %squeeze3A_2198, [1, 0] : vector<128x128xf32> -> vector<128x128xf32>
    %reshape3A_2200 = vector.shape_cast %transpose3A_2199 : vector<128x128xf32> to vector<2x8x8x128xf32>
    %slice3A_2201 = vector.extract_strided_slice %reshape3A_2200 {offsets = [0, 0, 0, 0], sizes = [1, 8, 8, 128], strides = [1, 1, 1, 1]} : vector<2x8x8x128xf32> to vector<1x8x8x128xf32>
    %squeeze3A_2202 = vector.shape_cast %slice3A_2201 : vector<1x8x8x128xf32> to vector<8x8x128xf32>
    %swap3A_2203 = arith.constant 178 : index
    %swap3A_2204 = arith.constant 0 : index
    %swap3A_2205 = arith.constant 0 : index
    %swap3A_2206 = arith.constant 0 : index
    %swap3A_2207 = arith.constant 0 : index
    %swap3A_2208 = vector.load %arg5[%swap3A_2203, %swap3A_2204, %swap3A_2205, %swap3A_2206, %swap3A_2207] : memref<200x8x1x8x128xf32, #tpu.memory_space<vmem>>, vector<1x8x1x8x128xf32>
    %swap3A_2209 = vector.shape_cast %swap3A_2208 : vector<1x8x1x8x128xf32> to vector<8x8x128xf32>
    %swap3A_2210 = vector.shape_cast %squeeze3A_2202 : vector<8x8x128xf32> to vector<1x8x1x8x128xf32>
    tpu.vector_store %arg5[%swap3A_2203, %swap3A_2204, %swap3A_2205, %swap3A_2206, %swap3A_2207], %swap3A_2210 {strides = array<i32>} : memref<200x8x1x8x128xf32, #tpu.memory_space<vmem>>, vector<1x8x1x8x128xf32>,
    %slice3A_2211 = vector.extract_strided_slice %reshape3A_2200 {offsets = [1, 0, 0, 0], sizes = [1, 8, 8, 128], strides = [1, 1, 1, 1]} : vector<2x8x8x128xf32> to vector<1x8x8x128xf32>
    %squeeze3A_2212 = vector.shape_cast %slice3A_2211 : vector<1x8x8x128xf32> to vector<8x8x128xf32>
    %swap3A_2213 = arith.constant 179 : index
    %swap3A_2214 = arith.constant 0 : index
    %swap3A_2215 = arith.constant 0 : index
    %swap3A_2216 = arith.constant 0 : index
    %swap3A_2217 = arith.constant 0 : index
    %swap3A_2218 = vector.load %arg5[%swap3A_2213, %swap3A_2214, %swap3A_2215, %swap3A_2216, %swap3A_2217] : memref<200x8x1x8x128xf32, #tpu.memory_space<vmem>>, vector<1x8x1x8x128xf32>
    %swap3A_2219 = vector.shape_cast %swap3A_2218 : vector<1x8x1x8x128xf32> to vector<8x8x128xf32>
    %swap3A_2220 = vector.shape_cast %squeeze3A_2212 : vector<8x8x128xf32> to vector<1x8x1x8x128xf32>
    tpu.vector_store %arg5[%swap3A_2213, %swap3A_2214, %swap3A_2215, %swap3A_2216, %swap3A_2217], %swap3A_2220 {strides = array<i32>} : memref<200x8x1x8x128xf32, #tpu.memory_space<vmem>>, vector<1x8x1x8x128xf32>,
    %slice3A_2221 = vector.extract_strided_slice %add3A_63 {offsets = [0, 90, 0], sizes = [128, 1, 128], strides = [1, 1, 1]} : vector<128x100x128xf32> to vector<128x1x128xf32>
    %squeeze3A_2222 = vector.shape_cast %slice3A_2221 : vector<128x1x128xf32> to vector<128x128xf32>
    %transpose3A_2223 = tpu.transpose %squeeze3A_2222, [1, 0] : vector<128x128xf32> -> vector<128x128xf32>
    %reshape3A_2224 = vector.shape_cast %transpose3A_2223 : vector<128x128xf32> to vector<2x8x8x128xf32>
    %slice3A_2225 = vector.extract_strided_slice %reshape3A_2224 {offsets = [0, 0, 0, 0], sizes = [1, 8, 8, 128], strides = [1, 1, 1, 1]} : vector<2x8x8x128xf32> to vector<1x8x8x128xf32>
    %squeeze3A_2226 = vector.shape_cast %slice3A_2225 : vector<1x8x8x128xf32> to vector<8x8x128xf32>
    %swap3A_2227 = arith.constant 180 : index
    %swap3A_2228 = arith.constant 0 : index
    %swap3A_2229 = arith.constant 0 : index
    %swap3A_2230 = arith.constant 0 : index
    %swap3A_2231 = arith.constant 0 : index
    %swap3A_2232 = vector.load %arg5[%swap3A_2227, %swap3A_2228, %swap3A_2229, %swap3A_2230, %swap3A_2231] : memref<200x8x1x8x128xf32, #tpu.memory_space<vmem>>, vector<1x8x1x8x128xf32>
    %swap3A_2233 = vector.shape_cast %swap3A_2232 : vector<1x8x1x8x128xf32> to vector<8x8x128xf32>
    %swap3A_2234 = vector.shape_cast %squeeze3A_2226 : vector<8x8x128xf32> to vector<1x8x1x8x128xf32>
    tpu.vector_store %arg5[%swap3A_2227, %swap3A_2228, %swap3A_2229, %swap3A_2230, %swap3A_2231], %swap3A_2234 {strides = array<i32>} : memref<200x8x1x8x128xf32, #tpu.memory_space<vmem>>, vector<1x8x1x8x128xf32>,
    %slice3A_2235 = vector.extract_strided_slice %reshape3A_2224 {offsets = [1, 0, 0, 0], sizes = [1, 8, 8, 128], strides = [1, 1, 1, 1]} : vector<2x8x8x128xf32> to vector<1x8x8x128xf32>
    %squeeze3A_2236 = vector.shape_cast %slice3A_2235 : vector<1x8x8x128xf32> to vector<8x8x128xf32>
    %swap3A_2237 = arith.constant 181 : index
    %swap3A_2238 = arith.constant 0 : index
    %swap3A_2239 = arith.constant 0 : index
    %swap3A_2240 = arith.constant 0 : index
    %swap3A_2241 = arith.constant 0 : index
    %swap3A_2242 = vector.load %arg5[%swap3A_2237, %swap3A_2238, %swap3A_2239, %swap3A_2240, %swap3A_2241] : memref<200x8x1x8x128xf32, #tpu.memory_space<vmem>>, vector<1x8x1x8x128xf32>
    %swap3A_2243 = vector.shape_cast %swap3A_2242 : vector<1x8x1x8x128xf32> to vector<8x8x128xf32>
    %swap3A_2244 = vector.shape_cast %squeeze3A_2236 : vector<8x8x128xf32> to vector<1x8x1x8x128xf32>
    tpu.vector_store %arg5[%swap3A_2237, %swap3A_2238, %swap3A_2239, %swap3A_2240, %swap3A_2241], %swap3A_2244 {strides = array<i32>} : memref<200x8x1x8x128xf32, #tpu.memory_space<vmem>>, vector<1x8x1x8x128xf32>,
    %slice3A_2245 = vector.extract_strided_slice %add3A_63 {offsets = [0, 91, 0], sizes = [128, 1, 128], strides = [1, 1, 1]} : vector<128x100x128xf32> to vector<128x1x128xf32>
    %squeeze3A_2246 = vector.shape_cast %slice3A_2245 : vector<128x1x128xf32> to vector<128x128xf32>
    %transpose3A_2247 = tpu.transpose %squeeze3A_2246, [1, 0] : vector<128x128xf32> -> vector<128x128xf32>
    %reshape3A_2248 = vector.shape_cast %transpose3A_2247 : vector<128x128xf32> to vector<2x8x8x128xf32>
    %slice3A_2249 = vector.extract_strided_slice %reshape3A_2248 {offsets = [0, 0, 0, 0], sizes = [1, 8, 8, 128], strides = [1, 1, 1, 1]} : vector<2x8x8x128xf32> to vector<1x8x8x128xf32>
    %squeeze3A_2250 = vector.shape_cast %slice3A_2249 : vector<1x8x8x128xf32> to vector<8x8x128xf32>
    %swap3A_2251 = arith.constant 182 : index
    %swap3A_2252 = arith.constant 0 : index
    %swap3A_2253 = arith.constant 0 : index
    %swap3A_2254 = arith.constant 0 : index
    %swap3A_2255 = arith.constant 0 : index
    %swap3A_2256 = vector.load %arg5[%swap3A_2251, %swap3A_2252, %swap3A_2253, %swap3A_2254, %swap3A_2255] : memref<200x8x1x8x128xf32, #tpu.memory_space<vmem>>, vector<1x8x1x8x128xf32>
    %swap3A_2257 = vector.shape_cast %swap3A_2256 : vector<1x8x1x8x128xf32> to vector<8x8x128xf32>
    %swap3A_2258 = vector.shape_cast %squeeze3A_2250 : vector<8x8x128xf32> to vector<1x8x1x8x128xf32>
    tpu.vector_store %arg5[%swap3A_2251, %swap3A_2252, %swap3A_2253, %swap3A_2254, %swap3A_2255], %swap3A_2258 {strides = array<i32>} : memref<200x8x1x8x128xf32, #tpu.memory_space<vmem>>, vector<1x8x1x8x128xf32>,
    %slice3A_2259 = vector.extract_strided_slice %reshape3A_2248 {offsets = [1, 0, 0, 0], sizes = [1, 8, 8, 128], strides = [1, 1, 1, 1]} : vector<2x8x8x128xf32> to vector<1x8x8x128xf32>
    %squeeze3A_2260 = vector.shape_cast %slice3A_2259 : vector<1x8x8x128xf32> to vector<8x8x128xf32>
    %swap3A_2261 = arith.constant 183 : index
    %swap3A_2262 = arith.constant 0 : index
    %swap3A_2263 = arith.constant 0 : index
    %swap3A_2264 = arith.constant 0 : index
    %swap3A_2265 = arith.constant 0 : index
    %swap3A_2266 = vector.load %arg5[%swap3A_2261, %swap3A_2262, %swap3A_2263, %swap3A_2264, %swap3A_2265] : memref<200x8x1x8x128xf32, #tpu.memory_space<vmem>>, vector<1x8x1x8x128xf32>
    %swap3A_2267 = vector.shape_cast %swap3A_2266 : vector<1x8x1x8x128xf32> to vector<8x8x128xf32>
    %swap3A_2268 = vector.shape_cast %squeeze3A_2260 : vector<8x8x128xf32> to vector<1x8x1x8x128xf32>
    tpu.vector_store %arg5[%swap3A_2261, %swap3A_2262, %swap3A_2263, %swap3A_2264, %swap3A_2265], %swap3A_2268 {strides = array<i32>} : memref<200x8x1x8x128xf32, #tpu.memory_space<vmem>>, vector<1x8x1x8x128xf32>,
    %slice3A_2269 = vector.extract_strided_slice %add3A_63 {offsets = [0, 92, 0], sizes = [128, 1, 128], strides = [1, 1, 1]} : vector<128x100x128xf32> to vector<128x1x128xf32>
    %squeeze3A_2270 = vector.shape_cast %slice3A_2269 : vector<128x1x128xf32> to vector<128x128xf32>
    %transpose3A_2271 = tpu.transpose %squeeze3A_2270, [1, 0] : vector<128x128xf32> -> vector<128x128xf32>
    %reshape3A_2272 = vector.shape_cast %transpose3A_2271 : vector<128x128xf32> to vector<2x8x8x128xf32>
    %slice3A_2273 = vector.extract_strided_slice %reshape3A_2272 {offsets = [0, 0, 0, 0], sizes = [1, 8, 8, 128], strides = [1, 1, 1, 1]} : vector<2x8x8x128xf32> to vector<1x8x8x128xf32>
    %squeeze3A_2274 = vector.shape_cast %slice3A_2273 : vector<1x8x8x128xf32> to vector<8x8x128xf32>
    %swap3A_2275 = arith.constant 184 : index
    %swap3A_2276 = arith.constant 0 : index
    %swap3A_2277 = arith.constant 0 : index
    %swap3A_2278 = arith.constant 0 : index
    %swap3A_2279 = arith.constant 0 : index
    %swap3A_2280 = vector.load %arg5[%swap3A_2275, %swap3A_2276, %swap3A_2277, %swap3A_2278, %swap3A_2279] : memref<200x8x1x8x128xf32, #tpu.memory_space<vmem>>, vector<1x8x1x8x128xf32>
    %swap3A_2281 = vector.shape_cast %swap3A_2280 : vector<1x8x1x8x128xf32> to vector<8x8x128xf32>
    %swap3A_2282 = vector.shape_cast %squeeze3A_2274 : vector<8x8x128xf32> to vector<1x8x1x8x128xf32>
    tpu.vector_store %arg5[%swap3A_2275, %swap3A_2276, %swap3A_2277, %swap3A_2278, %swap3A_2279], %swap3A_2282 {strides = array<i32>} : memref<200x8x1x8x128xf32, #tpu.memory_space<vmem>>, vector<1x8x1x8x128xf32>,
    %slice3A_2283 = vector.extract_strided_slice %reshape3A_2272 {offsets = [1, 0, 0, 0], sizes = [1, 8, 8, 128], strides = [1, 1, 1, 1]} : vector<2x8x8x128xf32> to vector<1x8x8x128xf32>
    %squeeze3A_2284 = vector.shape_cast %slice3A_2283 : vector<1x8x8x128xf32> to vector<8x8x128xf32>
    %swap3A_2285 = arith.constant 185 : index
    %swap3A_2286 = arith.constant 0 : index
    %swap3A_2287 = arith.constant 0 : index
    %swap3A_2288 = arith.constant 0 : index
    %swap3A_2289 = arith.constant 0 : index
    %swap3A_2290 = vector.load %arg5[%swap3A_2285, %swap3A_2286, %swap3A_2287, %swap3A_2288, %swap3A_2289] : memref<200x8x1x8x128xf32, #tpu.memory_space<vmem>>, vector<1x8x1x8x128xf32>
    %swap3A_2291 = vector.shape_cast %swap3A_2290 : vector<1x8x1x8x128xf32> to vector<8x8x128xf32>
    %swap3A_2292 = vector.shape_cast %squeeze3A_2284 : vector<8x8x128xf32> to vector<1x8x1x8x128xf32>
    tpu.vector_store %arg5[%swap3A_2285, %swap3A_2286, %swap3A_2287, %swap3A_2288, %swap3A_2289], %swap3A_2292 {strides = array<i32>} : memref<200x8x1x8x128xf32, #tpu.memory_space<vmem>>, vector<1x8x1x8x128xf32>,
    %slice3A_2293 = vector.extract_strided_slice %add3A_63 {offsets = [0, 93, 0], sizes = [128, 1, 128], strides = [1, 1, 1]} : vector<128x100x128xf32> to vector<128x1x128xf32>
    %squeeze3A_2294 = vector.shape_cast %slice3A_2293 : vector<128x1x128xf32> to vector<128x128xf32>
    %transpose3A_2295 = tpu.transpose %squeeze3A_2294, [1, 0] : vector<128x128xf32> -> vector<128x128xf32>
    %reshape3A_2296 = vector.shape_cast %transpose3A_2295 : vector<128x128xf32> to vector<2x8x8x128xf32>
    %slice3A_2297 = vector.extract_strided_slice %reshape3A_2296 {offsets = [0, 0, 0, 0], sizes = [1, 8, 8, 128], strides = [1, 1, 1, 1]} : vector<2x8x8x128xf32> to vector<1x8x8x128xf32>
    %squeeze3A_2298 = vector.shape_cast %slice3A_2297 : vector<1x8x8x128xf32> to vector<8x8x128xf32>
    %swap3A_2299 = arith.constant 186 : index
    %swap3A_2300 = arith.constant 0 : index
    %swap3A_2301 = arith.constant 0 : index
    %swap3A_2302 = arith.constant 0 : index
    %swap3A_2303 = arith.constant 0 : index
    %swap3A_2304 = vector.load %arg5[%swap3A_2299, %swap3A_2300, %swap3A_2301, %swap3A_2302, %swap3A_2303] : memref<200x8x1x8x128xf32, #tpu.memory_space<vmem>>, vector<1x8x1x8x128xf32>
    %swap3A_2305 = vector.shape_cast %swap3A_2304 : vector<1x8x1x8x128xf32> to vector<8x8x128xf32>
    %swap3A_2306 = vector.shape_cast %squeeze3A_2298 : vector<8x8x128xf32> to vector<1x8x1x8x128xf32>
    tpu.vector_store %arg5[%swap3A_2299, %swap3A_2300, %swap3A_2301, %swap3A_2302, %swap3A_2303], %swap3A_2306 {strides = array<i32>} : memref<200x8x1x8x128xf32, #tpu.memory_space<vmem>>, vector<1x8x1x8x128xf32>,
    %slice3A_2307 = vector.extract_strided_slice %reshape3A_2296 {offsets = [1, 0, 0, 0], sizes = [1, 8, 8, 128], strides = [1, 1, 1, 1]} : vector<2x8x8x128xf32> to vector<1x8x8x128xf32>
    %squeeze3A_2308 = vector.shape_cast %slice3A_2307 : vector<1x8x8x128xf32> to vector<8x8x128xf32>
    %swap3A_2309 = arith.constant 187 : index
    %swap3A_2310 = arith.constant 0 : index
    %swap3A_2311 = arith.constant 0 : index
    %swap3A_2312 = arith.constant 0 : index
    %swap3A_2313 = arith.constant 0 : index
    %swap3A_2314 = vector.load %arg5[%swap3A_2309, %swap3A_2310, %swap3A_2311, %swap3A_2312, %swap3A_2313] : memref<200x8x1x8x128xf32, #tpu.memory_space<vmem>>, vector<1x8x1x8x128xf32>
    %swap3A_2315 = vector.shape_cast %swap3A_2314 : vector<1x8x1x8x128xf32> to vector<8x8x128xf32>
    %swap3A_2316 = vector.shape_cast %squeeze3A_2308 : vector<8x8x128xf32> to vector<1x8x1x8x128xf32>
    tpu.vector_store %arg5[%swap3A_2309, %swap3A_2310, %swap3A_2311, %swap3A_2312, %swap3A_2313], %swap3A_2316 {strides = array<i32>} : memref<200x8x1x8x128xf32, #tpu.memory_space<vmem>>, vector<1x8x1x8x128xf32>,
    %slice3A_2317 = vector.extract_strided_slice %add3A_63 {offsets = [0, 94, 0], sizes = [128, 1, 128], strides = [1, 1, 1]} : vector<128x100x128xf32> to vector<128x1x128xf32>
    %squeeze3A_2318 = vector.shape_cast %slice3A_2317 : vector<128x1x128xf32> to vector<128x128xf32>
    %transpose3A_2319 = tpu.transpose %squeeze3A_2318, [1, 0] : vector<128x128xf32> -> vector<128x128xf32>
    %reshape3A_2320 = vector.shape_cast %transpose3A_2319 : vector<128x128xf32> to vector<2x8x8x128xf32>
    %slice3A_2321 = vector.extract_strided_slice %reshape3A_2320 {offsets = [0, 0, 0, 0], sizes = [1, 8, 8, 128], strides = [1, 1, 1, 1]} : vector<2x8x8x128xf32> to vector<1x8x8x128xf32>
    %squeeze3A_2322 = vector.shape_cast %slice3A_2321 : vector<1x8x8x128xf32> to vector<8x8x128xf32>
    %swap3A_2323 = arith.constant 188 : index
    %swap3A_2324 = arith.constant 0 : index
    %swap3A_2325 = arith.constant 0 : index
    %swap3A_2326 = arith.constant 0 : index
    %swap3A_2327 = arith.constant 0 : index
    %swap3A_2328 = vector.load %arg5[%swap3A_2323, %swap3A_2324, %swap3A_2325, %swap3A_2326, %swap3A_2327] : memref<200x8x1x8x128xf32, #tpu.memory_space<vmem>>, vector<1x8x1x8x128xf32>
    %swap3A_2329 = vector.shape_cast %swap3A_2328 : vector<1x8x1x8x128xf32> to vector<8x8x128xf32>
    %swap3A_2330 = vector.shape_cast %squeeze3A_2322 : vector<8x8x128xf32> to vector<1x8x1x8x128xf32>
    tpu.vector_store %arg5[%swap3A_2323, %swap3A_2324, %swap3A_2325, %swap3A_2326, %swap3A_2327], %swap3A_2330 {strides = array<i32>} : memref<200x8x1x8x128xf32, #tpu.memory_space<vmem>>, vector<1x8x1x8x128xf32>,
    %slice3A_2331 = vector.extract_strided_slice %reshape3A_2320 {offsets = [1, 0, 0, 0], sizes = [1, 8, 8, 128], strides = [1, 1, 1, 1]} : vector<2x8x8x128xf32> to vector<1x8x8x128xf32>
    %squeeze3A_2332 = vector.shape_cast %slice3A_2331 : vector<1x8x8x128xf32> to vector<8x8x128xf32>
    %swap3A_2333 = arith.constant 189 : index
    %swap3A_2334 = arith.constant 0 : index
    %swap3A_2335 = arith.constant 0 : index
    %swap3A_2336 = arith.constant 0 : index
    %swap3A_2337 = arith.constant 0 : index
    %swap3A_2338 = vector.load %arg5[%swap3A_2333, %swap3A_2334, %swap3A_2335, %swap3A_2336, %swap3A_2337] : memref<200x8x1x8x128xf32, #tpu.memory_space<vmem>>, vector<1x8x1x8x128xf32>
    %swap3A_2339 = vector.shape_cast %swap3A_2338 : vector<1x8x1x8x128xf32> to vector<8x8x128xf32>
    %swap3A_2340 = vector.shape_cast %squeeze3A_2332 : vector<8x8x128xf32> to vector<1x8x1x8x128xf32>
    tpu.vector_store %arg5[%swap3A_2333, %swap3A_2334, %swap3A_2335, %swap3A_2336, %swap3A_2337], %swap3A_2340 {strides = array<i32>} : memref<200x8x1x8x128xf32, #tpu.memory_space<vmem>>, vector<1x8x1x8x128xf32>,
    %slice3A_2341 = vector.extract_strided_slice %add3A_63 {offsets = [0, 95, 0], sizes = [128, 1, 128], strides = [1, 1, 1]} : vector<128x100x128xf32> to vector<128x1x128xf32>
    %squeeze3A_2342 = vector.shape_cast %slice3A_2341 : vector<128x1x128xf32> to vector<128x128xf32>
    %transpose3A_2343 = tpu.transpose %squeeze3A_2342, [1, 0] : vector<128x128xf32> -> vector<128x128xf32>
    %reshape3A_2344 = vector.shape_cast %transpose3A_2343 : vector<128x128xf32> to vector<2x8x8x128xf32>
    %slice3A_2345 = vector.extract_strided_slice %reshape3A_2344 {offsets = [0, 0, 0, 0], sizes = [1, 8, 8, 128], strides = [1, 1, 1, 1]} : vector<2x8x8x128xf32> to vector<1x8x8x128xf32>
    %squeeze3A_2346 = vector.shape_cast %slice3A_2345 : vector<1x8x8x128xf32> to vector<8x8x128xf32>
    %swap3A_2347 = arith.constant 190 : index
    %swap3A_2348 = arith.constant 0 : index
    %swap3A_2349 = arith.constant 0 : index
    %swap3A_2350 = arith.constant 0 : index
    %swap3A_2351 = arith.constant 0 : index
    %swap3A_2352 = vector.load %arg5[%swap3A_2347, %swap3A_2348, %swap3A_2349, %swap3A_2350, %swap3A_2351] : memref<200x8x1x8x128xf32, #tpu.memory_space<vmem>>, vector<1x8x1x8x128xf32>
    %swap3A_2353 = vector.shape_cast %swap3A_2352 : vector<1x8x1x8x128xf32> to vector<8x8x128xf32>
    %swap3A_2354 = vector.shape_cast %squeeze3A_2346 : vector<8x8x128xf32> to vector<1x8x1x8x128xf32>
    tpu.vector_store %arg5[%swap3A_2347, %swap3A_2348, %swap3A_2349, %swap3A_2350, %swap3A_2351], %swap3A_2354 {strides = array<i32>} : memref<200x8x1x8x128xf32, #tpu.memory_space<vmem>>, vector<1x8x1x8x128xf32>,
    %slice3A_2355 = vector.extract_strided_slice %reshape3A_2344 {offsets = [1, 0, 0, 0], sizes = [1, 8, 8, 128], strides = [1, 1, 1, 1]} : vector<2x8x8x128xf32> to vector<1x8x8x128xf32>
    %squeeze3A_2356 = vector.shape_cast %slice3A_2355 : vector<1x8x8x128xf32> to vector<8x8x128xf32>
    %swap3A_2357 = arith.constant 191 : index
    %swap3A_2358 = arith.constant 0 : index
    %swap3A_2359 = arith.constant 0 : index
    %swap3A_2360 = arith.constant 0 : index
    %swap3A_2361 = arith.constant 0 : index
    %swap3A_2362 = vector.load %arg5[%swap3A_2357, %swap3A_2358, %swap3A_2359, %swap3A_2360, %swap3A_2361] : memref<200x8x1x8x128xf32, #tpu.memory_space<vmem>>, vector<1x8x1x8x128xf32>
    %swap3A_2363 = vector.shape_cast %swap3A_2362 : vector<1x8x1x8x128xf32> to vector<8x8x128xf32>
    %swap3A_2364 = vector.shape_cast %squeeze3A_2356 : vector<8x8x128xf32> to vector<1x8x1x8x128xf32>
    tpu.vector_store %arg5[%swap3A_2357, %swap3A_2358, %swap3A_2359, %swap3A_2360, %swap3A_2361], %swap3A_2364 {strides = array<i32>} : memref<200x8x1x8x128xf32, #tpu.memory_space<vmem>>, vector<1x8x1x8x128xf32>,
    %slice3A_2365 = vector.extract_strided_slice %add3A_63 {offsets = [0, 96, 0], sizes = [128, 1, 128], strides = [1, 1, 1]} : vector<128x100x128xf32> to vector<128x1x128xf32>
    %squeeze3A_2366 = vector.shape_cast %slice3A_2365 : vector<128x1x128xf32> to vector<128x128xf32>
    %transpose3A_2367 = tpu.transpose %squeeze3A_2366, [1, 0] : vector<128x128xf32> -> vector<128x128xf32>
    %reshape3A_2368 = vector.shape_cast %transpose3A_2367 : vector<128x128xf32> to vector<2x8x8x128xf32>
    %slice3A_2369 = vector.extract_strided_slice %reshape3A_2368 {offsets = [0, 0, 0, 0], sizes = [1, 8, 8, 128], strides = [1, 1, 1, 1]} : vector<2x8x8x128xf32> to vector<1x8x8x128xf32>
    %squeeze3A_2370 = vector.shape_cast %slice3A_2369 : vector<1x8x8x128xf32> to vector<8x8x128xf32>
    %swap3A_2371 = arith.constant 192 : index
    %swap3A_2372 = arith.constant 0 : index
    %swap3A_2373 = arith.constant 0 : index
    %swap3A_2374 = arith.constant 0 : index
    %swap3A_2375 = arith.constant 0 : index
    %swap3A_2376 = vector.load %arg5[%swap3A_2371, %swap3A_2372, %swap3A_2373, %swap3A_2374, %swap3A_2375] : memref<200x8x1x8x128xf32, #tpu.memory_space<vmem>>, vector<1x8x1x8x128xf32>
    %swap3A_2377 = vector.shape_cast %swap3A_2376 : vector<1x8x1x8x128xf32> to vector<8x8x128xf32>
    %swap3A_2378 = vector.shape_cast %squeeze3A_2370 : vector<8x8x128xf32> to vector<1x8x1x8x128xf32>
    tpu.vector_store %arg5[%swap3A_2371, %swap3A_2372, %swap3A_2373, %swap3A_2374, %swap3A_2375], %swap3A_2378 {strides = array<i32>} : memref<200x8x1x8x128xf32, #tpu.memory_space<vmem>>, vector<1x8x1x8x128xf32>,
    %slice3A_2379 = vector.extract_strided_slice %reshape3A_2368 {offsets = [1, 0, 0, 0], sizes = [1, 8, 8, 128], strides = [1, 1, 1, 1]} : vector<2x8x8x128xf32> to vector<1x8x8x128xf32>
    %squeeze3A_2380 = vector.shape_cast %slice3A_2379 : vector<1x8x8x128xf32> to vector<8x8x128xf32>
    %swap3A_2381 = arith.constant 193 : index
    %swap3A_2382 = arith.constant 0 : index
    %swap3A_2383 = arith.constant 0 : index
    %swap3A_2384 = arith.constant 0 : index
    %swap3A_2385 = arith.constant 0 : index
    %swap3A_2386 = vector.load %arg5[%swap3A_2381, %swap3A_2382, %swap3A_2383, %swap3A_2384, %swap3A_2385] : memref<200x8x1x8x128xf32, #tpu.memory_space<vmem>>, vector<1x8x1x8x128xf32>
    %swap3A_2387 = vector.shape_cast %swap3A_2386 : vector<1x8x1x8x128xf32> to vector<8x8x128xf32>
    %swap3A_2388 = vector.shape_cast %squeeze3A_2380 : vector<8x8x128xf32> to vector<1x8x1x8x128xf32>
    tpu.vector_store %arg5[%swap3A_2381, %swap3A_2382, %swap3A_2383, %swap3A_2384, %swap3A_2385], %swap3A_2388 {strides = array<i32>} : memref<200x8x1x8x128xf32, #tpu.memory_space<vmem>>, vector<1x8x1x8x128xf32>,
    %slice3A_2389 = vector.extract_strided_slice %add3A_63 {offsets = [0, 97, 0], sizes = [128, 1, 128], strides = [1, 1, 1]} : vector<128x100x128xf32> to vector<128x1x128xf32>
    %squeeze3A_2390 = vector.shape_cast %slice3A_2389 : vector<128x1x128xf32> to vector<128x128xf32>
    %transpose3A_2391 = tpu.transpose %squeeze3A_2390, [1, 0] : vector<128x128xf32> -> vector<128x128xf32>
    %reshape3A_2392 = vector.shape_cast %transpose3A_2391 : vector<128x128xf32> to vector<2x8x8x128xf32>
    %slice3A_2393 = vector.extract_strided_slice %reshape3A_2392 {offsets = [0, 0, 0, 0], sizes = [1, 8, 8, 128], strides = [1, 1, 1, 1]} : vector<2x8x8x128xf32> to vector<1x8x8x128xf32>
    %squeeze3A_2394 = vector.shape_cast %slice3A_2393 : vector<1x8x8x128xf32> to vector<8x8x128xf32>
    %swap3A_2395 = arith.constant 194 : index
    %swap3A_2396 = arith.constant 0 : index
    %swap3A_2397 = arith.constant 0 : index
    %swap3A_2398 = arith.constant 0 : index
    %swap3A_2399 = arith.constant 0 : index
    %swap3A_2400 = vector.load %arg5[%swap3A_2395, %swap3A_2396, %swap3A_2397, %swap3A_2398, %swap3A_2399] : memref<200x8x1x8x128xf32, #tpu.memory_space<vmem>>, vector<1x8x1x8x128xf32>
    %swap3A_2401 = vector.shape_cast %swap3A_2400 : vector<1x8x1x8x128xf32> to vector<8x8x128xf32>
    %swap3A_2402 = vector.shape_cast %squeeze3A_2394 : vector<8x8x128xf32> to vector<1x8x1x8x128xf32>
    tpu.vector_store %arg5[%swap3A_2395, %swap3A_2396, %swap3A_2397, %swap3A_2398, %swap3A_2399], %swap3A_2402 {strides = array<i32>} : memref<200x8x1x8x128xf32, #tpu.memory_space<vmem>>, vector<1x8x1x8x128xf32>,
    %slice3A_2403 = vector.extract_strided_slice %reshape3A_2392 {offsets = [1, 0, 0, 0], sizes = [1, 8, 8, 128], strides = [1, 1, 1, 1]} : vector<2x8x8x128xf32> to vector<1x8x8x128xf32>
    %squeeze3A_2404 = vector.shape_cast %slice3A_2403 : vector<1x8x8x128xf32> to vector<8x8x128xf32>
    %swap3A_2405 = arith.constant 195 : index
    %swap3A_2406 = arith.constant 0 : index
    %swap3A_2407 = arith.constant 0 : index
    %swap3A_2408 = arith.constant 0 : index
    %swap3A_2409 = arith.constant 0 : index
    %swap3A_2410 = vector.load %arg5[%swap3A_2405, %swap3A_2406, %swap3A_2407, %swap3A_2408, %swap3A_2409] : memref<200x8x1x8x128xf32, #tpu.memory_space<vmem>>, vector<1x8x1x8x128xf32>
    %swap3A_2411 = vector.shape_cast %swap3A_2410 : vector<1x8x1x8x128xf32> to vector<8x8x128xf32>
    %swap3A_2412 = vector.shape_cast %squeeze3A_2404 : vector<8x8x128xf32> to vector<1x8x1x8x128xf32>
    tpu.vector_store %arg5[%swap3A_2405, %swap3A_2406, %swap3A_2407, %swap3A_2408, %swap3A_2409], %swap3A_2412 {strides = array<i32>} : memref<200x8x1x8x128xf32, #tpu.memory_space<vmem>>, vector<1x8x1x8x128xf32>,
    %slice3A_2413 = vector.extract_strided_slice %add3A_63 {offsets = [0, 98, 0], sizes = [128, 1, 128], strides = [1, 1, 1]} : vector<128x100x128xf32> to vector<128x1x128xf32>
    %squeeze3A_2414 = vector.shape_cast %slice3A_2413 : vector<128x1x128xf32> to vector<128x128xf32>
    %transpose3A_2415 = tpu.transpose %squeeze3A_2414, [1, 0] : vector<128x128xf32> -> vector<128x128xf32>
    %reshape3A_2416 = vector.shape_cast %transpose3A_2415 : vector<128x128xf32> to vector<2x8x8x128xf32>
    %slice3A_2417 = vector.extract_strided_slice %reshape3A_2416 {offsets = [0, 0, 0, 0], sizes = [1, 8, 8, 128], strides = [1, 1, 1, 1]} : vector<2x8x8x128xf32> to vector<1x8x8x128xf32>
    %squeeze3A_2418 = vector.shape_cast %slice3A_2417 : vector<1x8x8x128xf32> to vector<8x8x128xf32>
    %swap3A_2419 = arith.constant 196 : index
    %swap3A_2420 = arith.constant 0 : index
    %swap3A_2421 = arith.constant 0 : index
    %swap3A_2422 = arith.constant 0 : index
    %swap3A_2423 = arith.constant 0 : index
    %swap3A_2424 = vector.load %arg5[%swap3A_2419, %swap3A_2420, %swap3A_2421, %swap3A_2422, %swap3A_2423] : memref<200x8x1x8x128xf32, #tpu.memory_space<vmem>>, vector<1x8x1x8x128xf32>
    %swap3A_2425 = vector.shape_cast %swap3A_2424 : vector<1x8x1x8x128xf32> to vector<8x8x128xf32>
    %swap3A_2426 = vector.shape_cast %squeeze3A_2418 : vector<8x8x128xf32> to vector<1x8x1x8x128xf32>
    tpu.vector_store %arg5[%swap3A_2419, %swap3A_2420, %swap3A_2421, %swap3A_2422, %swap3A_2423], %swap3A_2426 {strides = array<i32>} : memref<200x8x1x8x128xf32, #tpu.memory_space<vmem>>, vector<1x8x1x8x128xf32>,
    %slice3A_2427 = vector.extract_strided_slice %reshape3A_2416 {offsets = [1, 0, 0, 0], sizes = [1, 8, 8, 128], strides = [1, 1, 1, 1]} : vector<2x8x8x128xf32> to vector<1x8x8x128xf32>
    %squeeze3A_2428 = vector.shape_cast %slice3A_2427 : vector<1x8x8x128xf32> to vector<8x8x128xf32>
    %swap3A_2429 = arith.constant 197 : index
    %swap3A_2430 = arith.constant 0 : index
    %swap3A_2431 = arith.constant 0 : index
    %swap3A_2432 = arith.constant 0 : index
    %swap3A_2433 = arith.constant 0 : index
    %swap3A_2434 = vector.load %arg5[%swap3A_2429, %swap3A_2430, %swap3A_2431, %swap3A_2432, %swap3A_2433] : memref<200x8x1x8x128xf32, #tpu.memory_space<vmem>>, vector<1x8x1x8x128xf32>
    %swap3A_2435 = vector.shape_cast %swap3A_2434 : vector<1x8x1x8x128xf32> to vector<8x8x128xf32>
    %swap3A_2436 = vector.shape_cast %squeeze3A_2428 : vector<8x8x128xf32> to vector<1x8x1x8x128xf32>
    tpu.vector_store %arg5[%swap3A_2429, %swap3A_2430, %swap3A_2431, %swap3A_2432, %swap3A_2433], %swap3A_2436 {strides = array<i32>} : memref<200x8x1x8x128xf32, #tpu.memory_space<vmem>>, vector<1x8x1x8x128xf32>,
    %slice3A_2437 = vector.extract_strided_slice %add3A_63 {offsets = [0, 99, 0], sizes = [128, 1, 128], strides = [1, 1, 1]} : vector<128x100x128xf32> to vector<128x1x128xf32>
    %squeeze3A_2438 = vector.shape_cast %slice3A_2437 : vector<128x1x128xf32> to vector<128x128xf32>
    %transpose3A_2439 = tpu.transpose %squeeze3A_2438, [1, 0] : vector<128x128xf32> -> vector<128x128xf32>
    %reshape3A_2440 = vector.shape_cast %transpose3A_2439 : vector<128x128xf32> to vector<2x8x8x128xf32>
    %slice3A_2441 = vector.extract_strided_slice %reshape3A_2440 {offsets = [0, 0, 0, 0], sizes = [1, 8, 8, 128], strides = [1, 1, 1, 1]} : vector<2x8x8x128xf32> to vector<1x8x8x128xf32>
    %squeeze3A_2442 = vector.shape_cast %slice3A_2441 : vector<1x8x8x128xf32> to vector<8x8x128xf32>
    %swap3A_2443 = arith.constant 198 : index
    %swap3A_2444 = arith.constant 0 : index
    %swap3A_2445 = arith.constant 0 : index
    %swap3A_2446 = arith.constant 0 : index
    %swap3A_2447 = arith.constant 0 : index
    %swap3A_2448 = vector.load %arg5[%swap3A_2443, %swap3A_2444, %swap3A_2445, %swap3A_2446, %swap3A_2447] : memref<200x8x1x8x128xf32, #tpu.memory_space<vmem>>, vector<1x8x1x8x128xf32>
    %swap3A_2449 = vector.shape_cast %swap3A_2448 : vector<1x8x1x8x128xf32> to vector<8x8x128xf32>
    %swap3A_2450 = vector.shape_cast %squeeze3A_2442 : vector<8x8x128xf32> to vector<1x8x1x8x128xf32>
    tpu.vector_store %arg5[%swap3A_2443, %swap3A_2444, %swap3A_2445, %swap3A_2446, %swap3A_2447], %swap3A_2450 {strides = array<i32>} : memref<200x8x1x8x128xf32, #tpu.memory_space<vmem>>, vector<1x8x1x8x128xf32>,
    %slice3A_2451 = vector.extract_strided_slice %reshape3A_2440 {offsets = [1, 0, 0, 0], sizes = [1, 8, 8, 128], strides = [1, 1, 1, 1]} : vector<2x8x8x128xf32> to vector<1x8x8x128xf32>
    %squeeze3A_2452 = vector.shape_cast %slice3A_2451 : vector<1x8x8x128xf32> to vector<8x8x128xf32>
    %swap3A_2453 = arith.constant 199 : index
    %swap3A_2454 = arith.constant 0 : index
    %swap3A_2455 = arith.constant 0 : index
    %swap3A_2456 = arith.constant 0 : index
    %swap3A_2457 = arith.constant 0 : index
    %swap3A_2458 = vector.load %arg5[%swap3A_2453, %swap3A_2454, %swap3A_2455, %swap3A_2456, %swap3A_2457] : memref<200x8x1x8x128xf32, #tpu.memory_space<vmem>>, vector<1x8x1x8x128xf32>
    %swap3A_2459 = vector.shape_cast %swap3A_2458 : vector<1x8x1x8x128xf32> to vector<8x8x128xf32>
    %swap3A_2460 = vector.shape_cast %squeeze3A_2452 : vector<8x8x128xf32> to vector<1x8x1x8x128xf32>
    tpu.vector_store %arg5[%swap3A_2453, %swap3A_2454, %swap3A_2455, %swap3A_2456, %swap3A_2457], %swap3A_2460 {strides = array<i32>} : memref<200x8x1x8x128xf32, #tpu.memory_space<vmem>>, vector<1x8x1x8x128xf32>,
    return
  }
  func.func @transform_0(%arg0: i32) -> (i32, i32) {
    %c0_i32 = arith.constant 0 : i32
    %c0_i32_0 = arith.constant 0 : i32
    return %arg0, %c0_i32 : i32, i32
  }
  func.func @transform_1(%arg0: i32) -> (i32, i32, i32) {
    %c0_i32 = arith.constant 0 : i32
    %c0_i32_0 = arith.constant 0 : i32
    %c0_i32_1 = arith.constant 0 : i32
    %c0_i32_2 = arith.constant 0 : i32
    return %c0_i32, %c0_i32_0, %c0_i32_1 : i32, i32, i32
  }
  func.func @transform_2(%arg0: i32) -> (i32, i32, i32) {
    %c0_i32 = arith.constant 0 : i32
    %c0_i32_0 = arith.constant 0 : i32
    %c0_i32_1 = arith.constant 0 : i32
    %c0_i32_2 = arith.constant 0 : i32
    return %c0_i32, %c0_i32_0, %c0_i32_1 : i32, i32, i32
  }
  func.func @transform_3(%arg0: i32) -> (i32, i32, i32) {
    %c0_i32 = arith.constant 0 : i32
    %c0_i32_0 = arith.constant 0 : i32
    %c0_i32_1 = arith.constant 0 : i32
    %c0_i32_2 = arith.constant 0 : i32
    return %c0_i32, %c0_i32_0, %c0_i32_1 : i32, i32, i32
  }
  func.func @transform_4(%arg0: i32) -> (i32, i32, i32, i32, i32) {
    %c0_i32 = arith.constant 0 : i32
    %c0_i32_0 = arith.constant 0 : i32
    %c0_i32_1 = arith.constant 0 : i32
    %c0_i32_2 = arith.constant 0 : i32
    %c0_i32_3 = arith.constant 0 : i32
    return %c0_i32, %c0_i32_0, %arg0, %c0_i32_1, %c0_i32_2 : i32, i32, i32, i32, i32
  }
}

</mosaic_0001>

<sc_bundles>
// kernel: kernel.5.cloned.1.call-start
scs
__scs_entry_jumppad:
0x0: {  	(pc) =	sbr.rel $0x88, $3  }
0x1: {  	(tag) =	ssettag $0x0;
	lr =	simm.s32 $0x1  }
0x2: {  	[smem:$0x3F9D] =	sst lr;
	_ =	strace $0xD0000000  }
0x3: {  	_ = 	snop  }
0x4: {  	_ = 	snop  }
0x5: {  	_ = 	snop  }
0x6: {  	_ = 	snop  }
0x7: {  	_ = 	snop  }
__scs_overlays_trampoline_lowered:
0x8: {  	[smem:$0x3FAC] =	sst s0  }
0x9: {  	[smem:$0x3FAD] =	sst s1  }
0xa: {  	[smem:$0x3FAE] =	sst s2  }
0xb: {  	[smem:$0x3FAF] =	sst s3  }
0xc: {  	[smem:$0x3FB0] =	sst s4  }
0xd: {  	[smem:$0x3FB1] =	sst s5  }
0xe: {  	[smem:$0x3FB2] =	sst s6  }
0xf: {  	[smem:$0x3FB3] =	sst s7  }
0x10: {  	[smem:$0x3FB4] =	sst s8  }
0x11: {  	[smem:$0x3FB5] =	sst s9;
	s0 =	simm.s32 @!p0 $0x0  }
0x12: {  	s1 =	sld [smem:$0x3F9B];
	s0 =	simm.s32 @p0 $0x1  }
0x13: {  	[smem:$0x3FB6] =	sst s0;
	s0 =	simm.s32 @!p1 $0x0  }
0x14: {  	s2 =	sld [smem:$0x3F9A];
	s0 =	simm.s32 @p1 $0x1  }
0x15: {  	[smem:$0x3FB7] =	sst s0;
	s0 =	simm.s32 @!p2 $0x0  }
0x16: {  	s3 =	sld [smem:$0x3FDB];
	s0 =	simm.s32 @p2 $0x1  }
0x17: {  	s4 =	simm.s32 $0x1BF5;
	[smem:$0x3FB9] =	sst s0  }
0x18: {  	s0 =	sld [smem:$0x3F9C];
	_ =	swait.ge [sflag:s4], $0x0  }
0x19: {  	s7 =	sld [smem:$0x3F9D]  }
0x1a: {  	s8 =	sadd.s32 $0xFFFFE003, lr  }
0x1b: {  	s9 =	sadd.s32 $0xFFFFFEF7, lr;
	s5 =	simm.s32 $0xFFFFFFFF;
	p2 =	slt.u32 s8, $0xFFFFF086  }
0x1c: {  	p1 =	slt.u32 s9, $0xF7A;
	s5 =	simm.s32 @!p2 $0x0  }
0x1d: {  	s5 =	simm.s32 @p1 $0x1;
	p0 =	seq.s32 s7, s2  }
0x1e: {  	s7 =	smul.u32 @!p0 $0xF7A, s2;
	p2 =	seq.s32 @!p0 s5, $0x0  }
0x1f: {  	s9 =	smul.u32 $0xF7A, s1;
	s8 =	simm.s32 @!p0 $0x1BF5;
	p2 =	por !p2, p0  }
0x20: {  	[sflag:s8] =	ssyncset.s32 @!p0 $0xFFFFF086;
	s6 =	sadd.s32 @!p0 s3, s7;
	s7 =	simm.s32 @!p0 $0x108  }
0x21: {  	s3 =	sadd.s32 s3, s9;
	s6 =	sadd.s32 @!p0 $0x88, s6;
	s7 =	simm.s32 @p2 $0x1082  }
0x22: {  	[simem:s7], [sflag:s8] =	dma.local @!p0 [hbm:s6], $0xF7A  }
0x23: {  	s9 =	sor.u32 $0xD0000000, s2;
	s6 =	simm.s32 $0x108;
	_ =	swait.ge @!p0 [sflag:s8], $0x0  }
0x24: {  	s3 =	sadd.s32 $0x88, s3;
	s6 =	simm.s32 @!p1 $0x1082;
	[sflag:s4] =	ssyncset.s32 $0xFFFFF086  }
0x25: {  	[simem:s6], [sflag:s4] =	dma.local [hbm:s3], $0xF7A  }
0x26: {  	[smem:$0x3F9D] =	sst s1;
	(tag) =	ssettag s2;
	_ =	strace s9  }
0x27: {  	s1 =	sld [smem:$0x3FAD]  }
0x28: {  	s2 =	sld [smem:$0x3FAE]  }
0x29: {  	s4 =	sld [smem:$0x3FB0]  }
0x2a: {  	p0 =	seq.s32 s5, $0x0;
	s5 =	sld [smem:$0x3FB1]  }
0x2b: {  	s6 =	sld [smem:$0x3FB2]  }
0x2c: {  	s7 =	sld [smem:$0x3FB3]  }
0x2d: {  	s3 =	simm.s32 $0x108;
	s8 =	sld [smem:$0x3FB4]  }
0x2e: {  	s3 =	simm.s32 @!p0 $0x1082;
	s9 =	sld [smem:$0x3FB5]  }
0x2f: {  	lr =	sadd.s32 s0, s3;
	s0 =	sld [smem:$0x3FAC]  }
0x30: {  	s3 =	sld [smem:$0x3FAF]  }
0x31: {  	[smem:$0x3FB8] =	sst s10  }
0x32: {  	s10 =	sld [smem:$0x3FB6];
	_ =	sdelay $0x3  }
0x33: {  	p0 =	seq.s32 s10, $0x1;
	s10 =	sld [smem:$0x3FB8];
	_ =	sdelay $0x3  }
0x34: {  	[smem:$0x3FB8] =	sst s10  }
0x35: {  	s10 =	sld [smem:$0x3FB7];
	_ =	sdelay $0x3  }
0x36: {  	p1 =	seq.s32 s10, $0x1;
	s10 =	sld [smem:$0x3FB8];
	_ =	sdelay $0x3  }
0x37: {  	[smem:$0x3FB8] =	sst s10  }
0x38: {  	s10 =	sld [smem:$0x3FB9]  }
0x39: {  	_ = 	snop;
	(pc) =	sbr.ind lr, $3  }
0x3a: {  	_ = 	snop  }
0x3b: {  	_ = 	snop  }
0x3c: {  	p2 =	seq.s32 s10, $0x1;
	s10 =	sld [smem:$0x3FB8]  }
0x3d: {  	_ =	shalt  }
0x3e: {  	_ =	shalt  }
0x3f: {  	_ =	shalt  }
0x40: {  	_ =	shalt  }
0x41: {  	_ =	shalt  }
0x42: {  	_ =	shalt  }
0x43: {  	_ =	shalt  }
0x44: {  	_ =	shalt  }
0x45: {  	_ =	shalt  }
0x46: {  	_ =	shalt  }
0x47: {  	_ =	shalt  }
0x48: {  	_ =	shalt  }
0x49: {  	_ =	shalt  }
0x4a: {  	_ =	shalt  }
0x4b: {  	_ =	shalt  }
0x4c: {  	_ =	shalt  }
0x4d: {  	_ =	shalt  }
0x4e: {  	_ =	shalt  }
0x4f: {  	_ =	shalt  }
0x50: {  	_ =	shalt  }
0x51: {  	_ =	shalt  }
0x52: {  	_ =	shalt  }
0x53: {  	_ =	shalt  }
0x54: {  	_ =	shalt  }
0x55: {  	_ =	shalt  }
0x56: {  	_ =	shalt  }
0x57: {  	_ =	shalt  }
0x58: {  	_ =	shalt  }
0x59: {  	_ =	shalt  }
0x5a: {  	_ =	shalt  }
0x5b: {  	_ =	shalt  }
0x5c: {  	_ =	shalt  }
0x5d: {  	_ =	shalt  }
0x5e: {  	_ =	shalt  }
0x5f: {  	_ =	shalt  }
0x60: {  	_ =	shalt  }
0x61: {  	_ =	shalt  }
0x62: {  	_ =	shalt  }
0x63: {  	_ =	shalt  }
0x64: {  	_ =	shalt  }
0x65: {  	_ =	shalt  }
0x66: {  	_ =	shalt  }
0x67: {  	_ =	shalt  }
0x68: {  	_ =	shalt  }
0x69: {  	_ =	shalt  }
0x6a: {  	_ =	shalt  }
0x6b: {  	_ =	shalt  }
0x6c: {  	_ =	shalt  }
0x6d: {  	_ =	shalt  }
0x6e: {  	_ =	shalt  }
0x6f: {  	_ =	shalt  }
0x70: {  	_ =	shalt  }
0x71: {  	_ =	shalt  }
0x72: {  	_ =	shalt  }
0x73: {  	_ =	shalt  }
0x74: {  	_ =	shalt  }
0x75: {  	_ =	shalt  }
0x76: {  	_ =	shalt  }
0x77: {  	_ =	shalt  }
0x78: {  	_ =	shalt  }
0x79: {  	_ =	shalt  }
0x7a: {  	_ =	shalt  }
0x7b: {  	_ =	shalt  }
0x7c: {  	_ =	shalt  }
0x7d: {  	_ =	shalt  }
0x7e: {  	_ =	shalt  }
0x7f: {  	_ =	shalt  }
0x80: {  	_ =	shalt  }
0x81: {  	_ =	shalt  }
0x82: {  	_ =	shalt  }
0x83: {  	_ =	shalt  }
0x84: {  	_ =	shalt  }
0x85: {  	_ =	shalt  }
0x86: {  	_ =	shalt  }
0x87: {  	_ =	shalt  }
.Lfunc_end0:
.L_simem_size_0:
called_computation_lowered:
.L_overlay_start_0:
0x88: {  	s2 =	sld [smem:$0x3FD9]  }
0x89: {  	s3 =	sld [smem:$0x3FFE];
	_ =	sdelay $0x1  }
0x8a: {  	s1 =	srdreg.scid  }
0x8b: {  	s0 =	sand.u32 $0x1, s1  }
0x8c: {  	s17 =	sshll.u32 s0, $0xA;
	s2 =	sadd.s32 s3, s2  }
0x8d: {  	s2 =	sadd.s32 s2, s17  }
0x8e: {  	[smem:$0x3FC4] =	sst s2  }
0x8f: {  	_ = 	snop  }
0x90: {  	s2 =	sld [smem:$0x3FD0];
	(tm) =	ssettm $0x1  }
0x91: {  	s18 =	sld [smem:$0x3FFB];
	_ =	sdelay $0x3  }
0x92: {  	_ =	strace s18  }
0x93: {  	s3 =	sld [smem:$0x3FFC];
	_ =	sdelay $0x3  }
0x94: {  	_ =	strace s3  }
0x95: {  	s3 =	sld [smem:$0x3FFD];
	_ =	sdelay $0x3  }
0x96: {  	_ =	strace s3  }
0x97: {  	_ =	strace $0x8FFFFFFF  }
0x98: {  	s19 =	sld [smem:$0x3FDB];
	_ =	sdelay $0x1  }
0x99: {  	s4 =	simm.s32 $_scs_section_size  }
0x9a: {  	s5 =	simm.s32 $_size__tile_overlayer_lowered;
	s6 =	simm.s32 $_tile_overlayer_lowered  }
0x9b: {  	s22 =	simm.s32 $0x1BFF;
	s21 =	sshll.u32 s6, $0x1;
	s3 =	sadd.s32 s4, s19  }
0x9c: {  	s7 =	simm.s32 $0x0;
	s20 =	sshll.u32 s5, $0x1;
	s5 =	sadd.s32 s21, s3  }
0x9d: {  	[timem:s7], [sflag:s22] =	dma.local [hbm:s5], s20  }
0x9e: {  	_ =	swait.ge [sflag:s22], s20  }
0x9f: {  	s4 =	ssub.s32 $0x0, s20;
	[sflag:s22] =	ssyncset.done $0x0  }
0xa0: {  	[sflag:s22] =	ssyncadd.s32 s4;
	_ =	sdelay $0x1  }
0xa1: {  	s23 =	simm.s32 $0x1B8B  }
0xa2: {  	_ =	swait.ge [sflag:s23], $0x1  }
0xa3: {  	[sflag:s23] =	ssyncset.done $0x0  }
0xa4: {  	s25 =	simm.s32 $0x1B8E;
	s24 =	sld [smem:$0x3FFE];
	[sflag:s23] =	ssyncadd.s32 $0xFFFFFFFF  }
0xa5: {  	s26 =	simm.s32 $execute0_lowered;
	[smem:$0x3FD2] =	sst s25  }
0xa6: {  	s5 =	sshll.u32 s26, $0x1;
	_ =	strace $0x80000046;
	[dreg:$0x1] =	wrdreg $0xFFFFFFFF  }
0xa7: {  	s28 =	simm.s32 $_size_execute0_lowered;
	s3 =	sadd.s32 s3, s5;
	[dreg:$0x0] =	wrdreg $0x0  }
0xa8: {  	s5 =	sshll.u32 s28, $0x1;
	[dreg:$0x2] =	wrdreg s3  }
0xa9: {  	[dreg:$0x3] =	wrdreg s5  }
0xaa: {  	[dreg:$0x4] =	wrdreg $0xC0  }
0xab: {  	_ =	task [dreg:s7], $0x5FFFF  }
0xac: {  	[dreg:$0x1] =	wrdreg $0xFFFFFFFF  }
0xad: {  	[dreg:$0x0] =	wrdreg $0x60  }
0xae: {  	[dreg:$0x2] =	wrdreg s2  }
0xaf: {  	[dreg:$0x3] =	wrdreg s24  }
0xb0: {  	[dreg:$0x4] =	wrdreg $0x9  }
0xb1: {  	_ =	task.clear_ibuf [dreg:s7], $0x5FFFF;
	_ =	strace $0x90000046  }
0xb2: {  	s29 =	simm.s32 $0x9;
	_ =	strace $0x80000048  }
0xb3: {  	_ =	swait.ge [sflag:s29], $0x1  }
0xb4: {  	[sflag:s29] =	ssyncadd.s32 $0xFFFFFFFF  }
0xb5: {  	_ =	strace $0x90000048  }
0xb6: {  	_ =	sfence  }
0xb7: {  	s30 =	sld [smem:$0x0];
	_ =	sdelay $0x2  }
0xb8: {  	s31 =	sshll.u32 s1, $0xD;
	s1 =	sshrl.u32 s1, $0x2  }
0xb9: {  	s3 =	sand.u32 $0x4000, s31;
	s1 =	sadd.s32 s1, s30  }
0xba: {  	s0 =	sor.u32 s3, s0;
	s1 =	sshll.u32 s1, $0x11  }
0xbb: {  	s0 =	sor.u32 s1, s0  }
0xbc: {  	s0 =	sadd.s32 $0x8F2B, s0  }
0xbd: {  	[sflag:s0] =	ssyncadd.remote.s32 $0x1  }
0xbe: {  	_ =	sfence.sel $0xFFFF  }
0xbf: {  	[dreg:$0x0] =	wrdreg $0xFFFFFFFF;
	(pc) =	sbr.abs _section_cstart, $3  }
0xc0: {  	[dreg:$0x1] =	wrdreg $0xFFFFFFFF  }
0xc1: {  	_ =	task.clear_ibuf [dreg:s7], $0x2FFFF;
	_ =	strace $0x9FFFFFFF  }
0xc2: {  	(tm) =	ssettm $0x7FFFFFFF  }
0xc3: {  	_ =	shalt  }
tec
execute0_lowered:
.L_overlay_start_1:
0x0: {  	(tag) =	ssettag $0x1  }
0x1: {  	s1 =	srdreg.scid;
	s0 =	stileid.u32  }
0x2: {  	s14 =	sand.u32 $0x1, s1;
	s26 =	sshll.u32 s0, $0x1  }
0x3: {  	s13 =	rddreg [dreg:$0x0];
	s8 =	sor.u32 s14, s26  }
0x4: {  	s9 =	rddreg [dreg:$0x1];
	s15 =	smul.u32 $0x1900, s8  }
0x5: {  	s2 =	simm.s32 $0x0;
	s1 =	rddreg [dreg:$0x2]  }
0x6: {  	[smem:$0x7FF] =	sst s2;
	s3 =	sshrl.u32 s15, $0x3  }
0x7: {  	_ =	strace $0x80000047;
	s4 =	sadd.s32 s13, s3;
	s3 =	simm.s32 $0x2  }
0x8: {  	[tilespmem:s2], [sflag:$0x2] =	stream.linear.gather [hbm4b:s4+s2], $0x640, $0x38;
	[tilespmem:$0x19640] =	vst v63  }
0x9: {  	_ =	swait.ge [sflag:s3], $0x640  }
0xa: {  	s6 =	simm.s32 $0x640;
	[sflag:s3] =	ssyncset.done $0x0  }
0xb: {  	s7 =	simm.s32 $0x1;
	s5 =	sadd.s32 $0xA00, s9;
	[sflag:s3] =	ssyncadd.s32 $0xFFFFF9C0  }
0xc: {  	[tilespmem:s6], [sflag:$0x1] =	stream.indirect.gather [hbm4b:s5+s6], $0x40, s2, s6, $0xb8;
	[tilespmem:$0x19640] =	vst v63  }
0xd: {  	s8 =	smul.u32 $0xC800, s8;
	_ =	swait.ge [sflag:s7], $0x19000  }
0xe: {  	s16 =	sadd.s32 $0x7C0A00, s9;
	[sflag:s7] =	ssyncset.done $0x0  }
0xf: {  	s8 =	sadd.s32 s16, s8;
	[sflag:s7] =	ssyncadd.s32 $0xFFFE7000  }
0x10: {  	[hbm4b:s8+s2] =	stream.linear.scatter [tilespmem:s6], [sflag:$0x2], $0x19000, $0x38;
	[tilespmem:$0x19640] =	vst v63  }
0x11: {  	s10 =	sadd.s32 $0x640, s15;
	_ =	swait.ge [sflag:s3], $0x19000  }
0x12: {  	s28 =	sshrl.u32 s10, $0x3;
	[sflag:s3] =	ssyncset.done $0x0  }
0x13: {  	s9 =	sadd.s32 s13, s28;
	[sflag:s3] =	ssyncadd.s32 $0xFFFE7000  }
0x14: {  	[tilespmem:s2], [sflag:$0x2] =	stream.linear.gather [hbm4b:s9+s2], $0x640, $0x38;
	[tilespmem:$0x19640] =	vst v63  }
0x15: {  	_ =	swait.ge [sflag:s3], $0x640  }
0x16: {  	[sflag:s3] =	ssyncset.done $0x0  }
0x17: {  	[sflag:s3] =	ssyncadd.s32 $0xFFFFF9C0  }
0x18: {  	[tilespmem:s6], [sflag:$0x1] =	stream.indirect.gather [hbm4b:s5+s6], $0x40, s2, s6, $0xb8;
	[tilespmem:$0x19640] =	vst v63  }
0x19: {  	_ =	swait.ge [sflag:s7], $0x19000  }
0x1a: {  	s10 =	sshll.u32 s10, $0x3;
	[sflag:s7] =	ssyncset.done $0x0  }
0x1b: {  	s10 =	sadd.s32 s16, s10;
	[sflag:s7] =	ssyncadd.s32 $0xFFFE7000  }
0x1c: {  	[hbm4b:s10+s2] =	stream.linear.scatter [tilespmem:s6], [sflag:$0x2], $0x19000, $0x38;
	[tilespmem:$0x19640] =	vst v63  }
0x1d: {  	s12 =	sadd.s32 $0xC80, s15;
	_ =	swait.ge [sflag:s3], $0x19000  }
0x1e: {  	s11 =	sshrl.u32 s12, $0x3;
	[sflag:s3] =	ssyncset.done $0x0  }
0x1f: {  	s11 =	sadd.s32 s13, s11;
	[sflag:s3] =	ssyncadd.s32 $0xFFFE7000  }
0x20: {  	[tilespmem:s2], [sflag:$0x2] =	stream.linear.gather [hbm4b:s11+s2], $0x640, $0x38;
	[tilespmem:$0x19640] =	vst v63  }
0x21: {  	_ =	swait.ge [sflag:s3], $0x640  }
0x22: {  	[sflag:s3] =	ssyncset.done $0x0  }
0x23: {  	[sflag:s3] =	ssyncadd.s32 $0xFFFFF9C0  }
0x24: {  	[tilespmem:s6], [sflag:$0x1] =	stream.indirect.gather [hbm4b:s5+s6], $0x40, s2, s6, $0xb8;
	[tilespmem:$0x19640] =	vst v63  }
0x25: {  	_ =	swait.ge [sflag:s7], $0x19000  }
0x26: {  	s12 =	sshll.u32 s12, $0x3;
	[sflag:s7] =	ssyncset.done $0x0  }
0x27: {  	s12 =	sadd.s32 s16, s12;
	[sflag:s7] =	ssyncadd.s32 $0xFFFE7000  }
0x28: {  	[hbm4b:s12+s2] =	stream.linear.scatter [tilespmem:s6], [sflag:$0x2], $0x19000, $0x38;
	[tilespmem:$0x19640] =	vst v63  }
0x29: {  	s15 =	sadd.s32 $0x12C0, s15;
	_ =	swait.ge [sflag:s3], $0x19000  }
0x2a: {  	s17 =	sshrl.u32 s15, $0x3;
	[sflag:s3] =	ssyncset.done $0x0  }
0x2b: {  	s14 =	ssub.s32 $0x2, s14;
	s13 =	sadd.s32 s13, s17;
	[sflag:s3] =	ssyncadd.s32 $0xFFFE7000  }
0x2c: {  	[tilespmem:s2], [sflag:$0x2] =	stream.linear.gather [hbm4b:s13+s2], $0x640, $0x38;
	[tilespmem:$0x19640] =	vst v63  }
0x2d: {  	s29 =	sshrl.u32 s14, $0x1;
	_ =	swait.ge [sflag:s3], $0x640  }
0x2e: {  	s17 =	ssub.s32 s14, s29;
	[sflag:s3] =	ssyncset.done $0x0  }
0x2f: {  	s31 =	smax.u32 s17, $0x1;
	[sflag:s3] =	ssyncadd.s32 $0xFFFFF9C0  }
0x30: {  	[tilespmem:s6], [sflag:$0x1] =	stream.indirect.gather [hbm4b:s5+s6], $0x40, s2, s6, $0xb8;
	[tilespmem:$0x19640] =	vst v63  }
0x31: {  	p0 =	sne.s32 s31, $0x1;
	_ =	swait.ge [sflag:s7], $0x19000  }
.Ltmp0:
0x32: {  	s30 =	sshll.u32 s15, $0x3;
	[sflag:s7] =	ssyncset.done $0x0;
	(pc) =	sbr.rel @!p0 .LBB2_2-.Ltmp0, $4  }
0x33: {  	s14 =	sadd.s32 s16, s30;
	[sflag:s7] =	ssyncadd.s32 $0xFFFE7000  }
0x34: {  	[hbm4b:s14+s2] =	stream.linear.scatter [tilespmem:s6], [sflag:$0x2], $0x19000, $0x38;
	[tilespmem:$0x19640] =	vst v63  }
0x35: {  	_ =	swait.ge [sflag:s3], $0x19000  }
0x36: {  	s15 =	sadd.s32 $0xFFFFFFFF, s31;
	[sflag:s3] =	ssyncset.done $0x0  }
.LBB2_1:
0x37: {  	p0 =	sne.s32 s15, $0x1;
	s15 =	sadd.s32 $0xFFFFFFFF, s15;
	[sflag:s3] =	ssyncadd.s32 $0xFFFE7000  }
0x38: {  	[tilespmem:s2], [sflag:$0x2] =	stream.linear.gather [hbm4b:s4+s2], $0x640, $0x38;
	[tilespmem:$0x19640] =	vst v63  }
0x39: {  	_ =	swait.ge [sflag:s3], $0x640  }
0x3a: {  	[sflag:s3] =	ssyncset.done $0x0  }
0x3b: {  	[sflag:s3] =	ssyncadd.s32 $0xFFFFF9C0  }
0x3c: {  	[tilespmem:s6], [sflag:$0x1] =	stream.indirect.gather [hbm4b:s5+s6], $0x40, s2, s6, $0xb8;
	[tilespmem:$0x19640] =	vst v63  }
0x3d: {  	_ =	swait.ge [sflag:s7], $0x19000  }
0x3e: {  	[sflag:s7] =	ssyncset.done $0x0  }
0x3f: {  	[sflag:s7] =	ssyncadd.s32 $0xFFFE7000  }
0x40: {  	[hbm4b:s8+s2] =	stream.linear.scatter [tilespmem:s6], [sflag:$0x2], $0x19000, $0x38;
	[tilespmem:$0x19640] =	vst v63  }
0x41: {  	_ =	swait.ge [sflag:s3], $0x19000  }
0x42: {  	[sflag:s3] =	ssyncset.done $0x0  }
0x43: {  	[sflag:s3] =	ssyncadd.s32 $0xFFFE7000  }
0x44: {  	[tilespmem:s2], [sflag:$0x2] =	stream.linear.gather [hbm4b:s9+s2], $0x640, $0x38;
	[tilespmem:$0x19640] =	vst v63  }
0x45: {  	_ =	swait.ge [sflag:s3], $0x640  }
0x46: {  	[sflag:s3] =	ssyncset.done $0x0  }
0x47: {  	[sflag:s3] =	ssyncadd.s32 $0xFFFFF9C0  }
0x48: {  	[tilespmem:s6], [sflag:$0x1] =	stream.indirect.gather [hbm4b:s5+s6], $0x40, s2, s6, $0xb8;
	[tilespmem:$0x19640] =	vst v63  }
0x49: {  	_ =	swait.ge [sflag:s7], $0x19000  }
0x4a: {  	[sflag:s7] =	ssyncset.done $0x0  }
0x4b: {  	[sflag:s7] =	ssyncadd.s32 $0xFFFE7000  }
0x4c: {  	[hbm4b:s10+s2] =	stream.linear.scatter [tilespmem:s6], [sflag:$0x2], $0x19000, $0x38;
	[tilespmem:$0x19640] =	vst v63  }
0x4d: {  	_ =	swait.ge [sflag:s3], $0x19000  }
0x4e: {  	[sflag:s3] =	ssyncset.done $0x0  }
0x4f: {  	[sflag:s3] =	ssyncadd.s32 $0xFFFE7000  }
0x50: {  	[tilespmem:s2], [sflag:$0x2] =	stream.linear.gather [hbm4b:s11+s2], $0x640, $0x38;
	[tilespmem:$0x19640] =	vst v63  }
0x51: {  	_ =	swait.ge [sflag:s3], $0x640  }
0x52: {  	[sflag:s3] =	ssyncset.done $0x0  }
0x53: {  	[sflag:s3] =	ssyncadd.s32 $0xFFFFF9C0  }
0x54: {  	[tilespmem:s6], [sflag:$0x1] =	stream.indirect.gather [hbm4b:s5+s6], $0x40, s2, s6, $0xb8;
	[tilespmem:$0x19640] =	vst v63  }
0x55: {  	_ =	swait.ge [sflag:s7], $0x19000  }
0x56: {  	[sflag:s7] =	ssyncset.done $0x0  }
0x57: {  	[sflag:s7] =	ssyncadd.s32 $0xFFFE7000  }
0x58: {  	[hbm4b:s12+s2] =	stream.linear.scatter [tilespmem:s6], [sflag:$0x2], $0x19000, $0x38;
	[tilespmem:$0x19640] =	vst v63  }
0x59: {  	_ =	swait.ge [sflag:s3], $0x19000  }
0x5a: {  	[sflag:s3] =	ssyncset.done $0x0  }
0x5b: {  	[sflag:s3] =	ssyncadd.s32 $0xFFFE7000  }
0x5c: {  	[tilespmem:s2], [sflag:$0x2] =	stream.linear.gather [hbm4b:s13+s2], $0x640, $0x38;
	[tilespmem:$0x19640] =	vst v63  }
0x5d: {  	_ =	swait.ge [sflag:s3], $0x640  }
0x5e: {  	[sflag:s3] =	ssyncset.done $0x0  }
0x5f: {  	[sflag:s3] =	ssyncadd.s32 $0xFFFFF9C0  }
0x60: {  	[tilespmem:s6], [sflag:$0x1] =	stream.indirect.gather [hbm4b:s5+s6], $0x40, s2, s6, $0xb8;
	[tilespmem:$0x19640] =	vst v63  }
0x61: {  	_ =	swait.ge [sflag:s7], $0x19000  }
.Ltmp1:
0x62: {  	[sflag:s7] =	ssyncset.done $0x0;
	(pc) =	sbr.rel @p0 .LBB2_1-.Ltmp1, $4  }
0x63: {  	[sflag:s7] =	ssyncadd.s32 $0xFFFE7000  }
0x64: {  	[hbm4b:s14+s2] =	stream.linear.scatter [tilespmem:s6], [sflag:$0x2], $0x19000, $0x38;
	[tilespmem:$0x19640] =	vst v63  }
0x65: {  	_ =	swait.ge [sflag:s3], $0x19000  }
0x66: {  	[sflag:s3] =	ssyncset.done $0x0  }
.LBB2_2:
0x67: {  	[sflag:s3] =	ssyncadd.s32 $0xFFFE7000  }
0x68: {  	_ =	sfence.sel $0x180000  }
0x69: {  	[bflag:$0x0] =	sbarrier.arrive $0xFFFF  }
0x6a: {  	p0 =	sne.s32 s0, $0x0;
	_ =	strace $0x90000047  }
0x6b: {  	s0 =	sadd.s32 @!p0 $0x100000, s1;
	[bflag:$0x2] =	sbarrier.arrive $0xFFFF  }
0x6c: {  	[sflag:s0] =	ssyncadd.tile.s32 @!p0 $0x1;
	_ =	shalt  }
.Lfunc_end2:
_tile_overlayer_lowered:
.L_overlay_start_2:
0x6d: {  	(tag) =	ssettag $0x2  }
0x6e: {  	s0 =	rddreg [dreg:$0x0];
	s2 =	stileid.u32  }
0x6f: {  	s1 =	rddreg [dreg:$0x1];
	p0 =	sne.s32 s2, $0x0  }
0x70: {  	s3 =	rddreg [dreg:$0x2];
	[bflag:$0x3] =	sbarrier.arrive $0xFFFF;
	s2 =	simm.s32 @!p0 $0x1C02  }
0x71: {  	[timem:s3], [sflag:s2] =	dma.local @!p0 [hbm:s0], s1  }
0x72: {  	s0 =	simm.s32 @!p0 $0x2  }
0x73: {  	_ =	swait.ge @!p0 [sflag:s0], s1  }
0x74: {  	s1 =	ssub.s32 @!p0 $0x0, s1;
	[sflag:s0] =	ssyncset.done @!p0 $0x0  }
0x75: {  	[sflag:s0] =	ssyncadd.s32 @!p0 s1  }
0x76: {  	[bflag:$0x3] =	sbarrier.arrive $0xFFFF  }
0x77: {  	_ =	shalt  }

</sc_bundles>
